<compile_context>
chip_gen: v7x
topology: tpu7x:2x2x1
jax: 0.10.2.dev20260603
libtpu: 0.0.44.dev20260713+nightly
codegen_flags: <defaults>
</compile_context>

<pallas_src>
import jax
import jax.numpy as jnp
from jax import lax
from jax.experimental import pallas as pl
from jax.experimental.pallas import tpu as pltpu, tpu_sc as plsc

N = 10000
E = 320000
D_IN = 128
D_HID = 128
D_OUT = 64
BN_EPS = 1e-3
ALPHA = 0.2

NC = 2
NS = 16
NW = NC * NS
NB = 5
K = 80
CH = 104
NFULL = N // CH
TAIL = N - NFULL * CH
DEGW = 16


def _make_sc_agg(d, split, with_deg):
    ept = E // NS if split else E // NW
    ncht = ept // K
    assert ncht % NB == 0
    mesh = plsc.VectorSubcoreMesh(core_axis_name="c", subcore_axis_name="s")
    out_type = [jax.ShapeDtypeStruct((NC, N, d), jnp.float32)]
    scratch = (
        [pltpu.VMEM((ncht, K), jnp.int32),
         pltpu.VMEM((ncht, K), jnp.int32),
         pltpu.VMEM((CH, d), jnp.float32),
         pltpu.VMEM_SHARED((N, d), jnp.float32)]
        + [pltpu.VMEM((K, d), jnp.float32)] * NB
        + [pltpu.SemaphoreType.DMA] * (2 * NB)
    )
    if with_deg:
        out_type.append(jax.ShapeDtypeStruct((NC, N, DEGW), jnp.float32))
        scratch += (
            [pltpu.VMEM((K, DEGW), jnp.float32),
             pltpu.VMEM((CH, DEGW), jnp.float32),
             pltpu.VMEM_SHARED((N, DEGW), jnp.float32)]
            + [pltpu.SemaphoreType.DMA] * NB
        )

    def body(table, src_h, dst_h, *rest):
        n_out = 2 if with_deg else 1
        if with_deg:
            out_agg, out_deg = rest[:2]
        else:
            (out_agg,) = rest[:1]
        rest = rest[n_out:]
        src_a, dst_a, zbuf, agg_sh = rest[:4]
        bufs = rest[4:4 + NB]
        gsem = rest[4 + NB:4 + 2 * NB]
        ssem = rest[4 + 2 * NB:4 + 3 * NB]
        if with_deg:
            ones_v, dzbuf, deg_sh = rest[4 + 3 * NB:7 + 3 * NB]
            dsem = rest[7 + 3 * NB:7 + 4 * NB]
        cid = lax.axis_index("c")
        sid = lax.axis_index("s")
        z16 = jnp.zeros((16,), jnp.float32)
        tbl = table.at[cid] if split else table
        crow = sid * ncht if split else (sid * NC + cid) * ncht

        pltpu.sync_copy(src_h.at[pl.ds(crow, ncht)], src_a)
        pltpu.sync_copy(dst_h.at[pl.ds(crow, ncht)], dst_a)

        def zrow(r, _):
            for c in range(d // 16):
                zbuf[r, pl.ds(c * 16, 16)] = z16
            return 0
        lax.fori_loop(0, CH, zrow, 0)
        for t in range(NFULL // NS):
            r0 = (sid + NS * t) * CH
            pltpu.sync_copy(zbuf, agg_sh.at[pl.ds(r0, CH)])

        @pl.when(sid == 0)
        def _zero_tail():
            pltpu.sync_copy(zbuf.at[pl.ds(0, TAIL)],
                            agg_sh.at[pl.ds(NFULL * CH, TAIL)])
        if with_deg:
            one16 = jnp.ones((16,), jnp.float32)

            def orow(r, _):
                ones_v[r] = one16
                return 0
            lax.fori_loop(0, K, orow, 0)

            def dzrow(r, _):
                dzbuf[r] = z16
                return 0
            lax.fori_loop(0, CH, dzrow, 0)
            for t in range(NFULL // NS):
                r0 = (sid + NS * t) * CH
                pltpu.sync_copy(dzbuf, deg_sh.at[pl.ds(r0, CH)])

            @pl.when(sid == 0)
            def _zero_deg_tail():
                pltpu.sync_copy(dzbuf.at[pl.ds(0, TAIL)],
                                deg_sh.at[pl.ds(NFULL * CH, TAIL)])
        plsc.subcore_barrier()

        for b in range(NB):
            pltpu.async_copy(tbl.at[src_a.at[b]], bufs[b], gsem[b])

        def blk(i, _):
            base = i * NB
            for b in range(NB):
                j = base + b
                pltpu.make_async_copy(tbl.at[src_a.at[j]], bufs[b],
                                      gsem[b]).wait()
                pltpu.async_copy(bufs[b], agg_sh.at[dst_a.at[j]], ssem[b],
                                 add=True)
                if with_deg:
                    pltpu.async_copy(ones_v, deg_sh.at[dst_a.at[j]],
                                     dsem[b], add=True)
            for b in range(NB):
                j = base + b
                pltpu.make_async_copy(bufs[b], agg_sh.at[dst_a.at[j]],
                                      ssem[b]).wait()
                if with_deg:
                    pltpu.make_async_copy(ones_v, deg_sh.at[dst_a.at[j]],
                                          dsem[b]).wait()
                jn = j + NB

                @pl.when(jn < ncht)
                def _next_gather():
                    pltpu.async_copy(tbl.at[src_a.at[jn]], bufs[b], gsem[b])
            return 0
        lax.fori_loop(0, ncht // NB, blk, 0)
        plsc.subcore_barrier()

        for t in range(NFULL // NS):
            r0 = (sid + NS * t) * CH
            pltpu.sync_copy(agg_sh.at[pl.ds(r0, CH)],
                            out_agg.at[cid, pl.ds(r0, CH)])

        @pl.when(sid == 0)
        def _write_tail():
            pltpu.sync_copy(agg_sh.at[pl.ds(NFULL * CH, TAIL)],
                            out_agg.at[cid, pl.ds(NFULL * CH, TAIL)])
        if with_deg:
            for t in range(NFULL // NS):
                r0 = (sid + NS * t) * CH
                pltpu.sync_copy(deg_sh.at[pl.ds(r0, CH)],
                                out_deg.at[cid, pl.ds(r0, CH)])

            @pl.when(sid == 0)
            def _write_deg_tail():
                pltpu.sync_copy(deg_sh.at[pl.ds(NFULL * CH, TAIL)],
                                out_deg.at[cid, pl.ds(NFULL * CH, TAIL)])

    return pl.kernel(
        body, out_type=out_type, mesh=mesh, scratch_types=scratch,
        compiler_params=pltpu.CompilerParams(use_tc_tiling_on_sc=False))


_sc_agg_l1 = _make_sc_agg(D_IN // 2, True, True)
_sc_agg_l2 = _make_sc_agg(D_OUT, False, False)

_HI = lax.Precision.HIGHEST


def _dot(a, b):
    return jnp.dot(a, b, precision=_HI, preferred_element_type=jnp.float32)


def _dense1(x, aggp, degp, A1, B1a, B1b, c1, B2):
    R = 1000
    G = N // R

    def body(x_ref, agg_ref, deg_ref, a_ref, b1a_ref, b1b_ref, c_ref,
             w2_ref, h_ref, hw_ref):
        deg = jnp.maximum(deg_ref[0][:, 0:1], 1.0)
        m0 = agg_ref[0] / deg
        m1 = agg_ref[1] / deg
        h = (_dot(x_ref[...], a_ref[...]) + _dot(m0, b1a_ref[...])
             + _dot(m1, b1b_ref[...]) + c_ref[...])
        h = jnp.where(h >= 0, h, ALPHA * h)
        h_ref[...] = h
        hw_ref[...] = _dot(h, w2_ref[...])

    return pl.pallas_call(
        body,
        grid=(G,),
        in_specs=[
            pl.BlockSpec((R, D_IN), lambda i: (i, 0)),
            pl.BlockSpec((NC, R, D_IN // 2), lambda i: (0, i, 0)),
            pl.BlockSpec((1, R, DEGW), lambda i: (0, i, 0)),
            pl.BlockSpec((D_IN, D_HID), lambda i: (0, 0)),
            pl.BlockSpec((D_IN // 2, D_HID), lambda i: (0, 0)),
            pl.BlockSpec((D_IN // 2, D_HID), lambda i: (0, 0)),
            pl.BlockSpec((1, D_HID), lambda i: (0, 0)),
            pl.BlockSpec((D_HID, D_OUT), lambda i: (0, 0)),
        ],
        out_specs=[
            pl.BlockSpec((R, D_HID), lambda i: (i, 0)),
            pl.BlockSpec((R, D_OUT), lambda i: (i, 0)),
        ],
        out_shape=[
            jax.ShapeDtypeStruct((N, D_HID), jnp.float32),
            jax.ShapeDtypeStruct((N, D_OUT), jnp.float32),
        ],
    )(x, aggp, degp, A1, B1a, B1b, c1, B2)


def _dense2(h, aggp2, degp, A2, c2):
    R = 1000
    G = N // R

    def body(h_ref, agg_ref, deg_ref, a_ref, c_ref, o_ref):
        deg = jnp.maximum(deg_ref[0][:, 0:1], 1.0)
        mean = (agg_ref[0] + agg_ref[1]) / deg
        y = _dot(h_ref[...], a_ref[...]) + mean + c_ref[...]
        o_ref[...] = jnp.where(y >= 0, y, ALPHA * y)

    return pl.pallas_call(
        body,
        grid=(G,),
        in_specs=[
            pl.BlockSpec((R, D_HID), lambda i: (i, 0)),
            pl.BlockSpec((NC, R, D_OUT), lambda i: (0, i, 0)),
            pl.BlockSpec((1, R, DEGW), lambda i: (0, i, 0)),
            pl.BlockSpec((D_HID, D_OUT), lambda i: (0, 0)),
            pl.BlockSpec((1, D_OUT), lambda i: (0, 0)),
        ],
        out_specs=pl.BlockSpec((R, D_OUT), lambda i: (i, 0)),
        out_shape=jax.ShapeDtypeStruct((N, D_OUT), jnp.float32),
    )(h, aggp2, degp, A2, c2)


def kernel(x, edge_index, W_self1, W_neigh1, b1, gamma1, beta1,
           W_self2, W_neigh2, b2, gamma2, beta2):
    s1 = gamma1 * lax.rsqrt(jnp.float32(1.0 + BN_EPS))
    A1 = W_self1 * s1[None, :]
    B1 = W_neigh1 * s1[None, :]
    c1 = (b1 * s1 + beta1)[None, :]
    s2 = gamma2 * lax.rsqrt(jnp.float32(1.0 + BN_EPS))
    A2 = W_self2 * s2[None, :]
    B2 = W_neigh2 * s2[None, :]
    c2 = (b2 * s2 + beta2)[None, :]

    src = edge_index[0].astype(jnp.int32).reshape(E // K, K)
    dst = edge_index[1].astype(jnp.int32).reshape(E // K, K)

    xs = x.reshape(N, NC, D_IN // 2).transpose(1, 0, 2)

    aggp1, degp = _sc_agg_l1(xs, src, dst)
    h, hw = _dense1(x, aggp1, degp, A1, B1[: D_IN // 2], B1[D_IN // 2:],
                    c1, B2)
    [aggp2] = _sc_agg_l2(hw, src, dst)
    out = _dense2(h, aggp2, degp, A2, c2)
    return out

# --- scband reference (transcript-rebuilt; emitter-appended) ---
"""Pipeline reference for scband-student-net-80874234183991 (READ-ONLY COPY).

The authoritative reference and input builder live on the scoring server;
editing this copy changes nothing except your own understanding.
"""

import jax, jax.numpy as jnp
import numpy as np

N_NODES = 10000
N_EDGES = 320000
D_IN = 128
D_HID = 128
D_OUT = 64
BN_EPS = 1e-3  # keras BatchNormalization default epsilon=0.001
LRELU_ALPHA = 0.2  # tf.nn.leaky_relu default


def setup_inputs(seed: int = 0) -> dict:
    key = jax.random.key(seed)
    ks = jax.random.split(key, 10)
    x = jax.random.normal(ks[0], (N_NODES, D_IN), dtype=jnp.float32)
    edge_index = jax.random.randint(ks[1], (2, N_EDGES), 0, N_NODES, dtype=jnp.int64)
    # SAGEConv (mean) layer 1 params: fc_self and fc_neigh (glorot-ish init) + bias
    s1 = (2.0 / (D_IN + D_HID)) ** 0.5
    W_self1 = jax.random.normal(ks[2], (D_IN, D_HID), dtype=jnp.float32) * s1
    W_neigh1 = jax.random.normal(ks[3], (D_IN, D_HID), dtype=jnp.float32) * s1
    b1 = jnp.zeros((D_HID,), dtype=jnp.float32)
    # BatchNorm 1 params (inference mode: moving_mean=0, moving_var=1)
    gamma1 = jnp.ones((D_HID,), dtype=jnp.float32)
    beta1 = jnp.zeros((D_HID,), dtype=jnp.float32)
    # SAGEConv layer 2
    s2 = (2.0 / (D_HID + D_OUT)) ** 0.5
    W_self2 = jax.random.normal(ks[4], (D_HID, D_OUT), dtype=jnp.float32) * s2
    W_neigh2 = jax.random.normal(ks[5], (D_HID, D_OUT), dtype=jnp.float32) * s2
    b2 = jnp.zeros((D_OUT,), dtype=jnp.float32)
    gamma2 = jnp.ones((D_OUT,), dtype=jnp.float32)
    beta2 = jnp.zeros((D_OUT,), dtype=jnp.float32)
    return {
        "x": x, "edge_index": edge_index,
        "W_self1": W_self1, "W_neigh1": W_neigh1, "b1": b1,
        "gamma1": gamma1, "beta1": beta1,
        "W_self2": W_self2, "W_neigh2": W_neigh2, "b2": b2,
        "gamma2": gamma2, "beta2": beta2,
    }


def _sage_conv_mean(x, edge_index, W_self, W_neigh, b):
    # DGL SAGEConv with 'mean' aggregator: out = h @ W_self + mean_{u in N(v)}(h_u) @ W_neigh + b
    src = edge_index[0]
    dst = edge_index[1]
    msg = jnp.take(x, src, axis=0)                       # gather [E, d]
    agg = jax.ops.segment_sum(msg, dst, num_segments=N_NODES)  # scatter-add [N, d]
    deg = jax.ops.segment_sum(jnp.ones((msg.shape[0],), dtype=x.dtype), dst, num_segments=N_NODES)
    mean_neigh = agg / jnp.maximum(deg, 1.0)[:, None]
    return x @ W_self + mean_neigh @ W_neigh + b


def _bn_inference(x, gamma, beta):
    # keras BatchNormalization in inference mode with moving_mean=0, moving_var=1
    return gamma * (x - 0.0) / jnp.sqrt(1.0 + BN_EPS) + beta


def reference(x, edge_index, W_self1, W_neigh1, b1, gamma1, beta1,
              W_self2, W_neigh2, b2, gamma2, beta2):
    h = _sage_conv_mean(x, edge_index, W_self1, W_neigh1, b1)
    h = _bn_inference(h, gamma1, beta1)
    h = jax.nn.leaky_relu(h, negative_slope=LRELU_ALPHA)
    # training=None -> SFA branch skipped (eval mode)
    h = _sage_conv_mean(h, edge_index, W_self2, W_neigh2, b2)
    h = _bn_inference(h, gamma2, beta2)
    h = jax.nn.leaky_relu(h, negative_slope=LRELU_ALPHA)
    return h

if __name__ == "__main__":
    import jax
    _d = setup_inputs()
    print(jax.jit(kernel)(*tuple(_d.values())))

</pallas_src>

<mosaic_0001>
#map = affine_map<(d0, d1) -> (0, 0)>
#map1 = affine_map<(d0, d1) -> (0, 0, 0)>
module attributes {stable_mosaic.version = 14 : i64} {
  func.func @body(%arg0: i32, %arg1: i32, %arg2: memref<10000x64xf32, #tpu.memory_space<hbm>>, %arg3: memref<4000x80xi32, #tpu.memory_space<hbm>>, %arg4: memref<4000x80xi32, #tpu.memory_space<hbm>>, %arg5: memref<2x10000x64xf32, #tpu.memory_space<hbm>>, %arg6: memref<125x80xi32, #tpu.memory_space<vmem>>, %arg7: memref<125x80xi32, #tpu.memory_space<vmem>>, %arg8: memref<104x64xf32, #tpu.memory_space<vmem>>, %arg9: memref<10000x64xf32, #tpu.memory_space<vmem_shared>>, %arg10: memref<80x64xf32, #tpu.memory_space<vmem>>, %arg11: memref<80x64xf32, #tpu.memory_space<vmem>>, %arg12: memref<80x64xf32, #tpu.memory_space<vmem>>, %arg13: memref<80x64xf32, #tpu.memory_space<vmem>>, %arg14: memref<80x64xf32, #tpu.memory_space<vmem>>, %arg15: memref<!tpu.dma_semaphore, #tpu.memory_space<semaphore_mem>>, %arg16: memref<!tpu.dma_semaphore, #tpu.memory_space<semaphore_mem>>, %arg17: memref<!tpu.dma_semaphore, #tpu.memory_space<semaphore_mem>>, %arg18: memref<!tpu.dma_semaphore, #tpu.memory_space<semaphore_mem>>, %arg19: memref<!tpu.dma_semaphore, #tpu.memory_space<semaphore_mem>>, %arg20: memref<!tpu.dma_semaphore, #tpu.memory_space<semaphore_mem>>, %arg21: memref<!tpu.dma_semaphore, #tpu.memory_space<semaphore_mem>>, %arg22: memref<!tpu.dma_semaphore, #tpu.memory_space<semaphore_mem>>, %arg23: memref<!tpu.dma_semaphore, #tpu.memory_space<semaphore_mem>>, %arg24: memref<!tpu.dma_semaphore, #tpu.memory_space<semaphore_mem>>) attributes {dimension_semantics = [#tpu.dimension_semantics<core_parallel>, #tpu.dimension_semantics<subcore_parallel>], iteration_bounds = array<i64: 2, 16>, scalar_prefetch = 0 : i64, scratch_operands = 19 : i64, tpu.core_type = #tpu.core_type<sc_vector_subcore>, window_params = [{transform_indices = #map}, {transform_indices = #map}, {transform_indices = #map}, {transform_indices = #map1}]} {
    %broadcast_in_dim3A = arith.constant 0.000000e+00 : f32
    %broadcast_in_dim3A_0 = vector.broadcast %broadcast_in_dim3A : f32 to vector<16xf32>
    %mul3A = arith.constant 2 : i32
    %mul3A_1 = arith.muli %arg1, %mul3A : i32
    %add3A = arith.addi %mul3A_1, %arg0 : i32
    %mul3A_2 = arith.constant 125 : i32
    %mul3A_3 = arith.muli %add3A, %mul3A_2 : i32
    "tpu.region"() ({
      %run_scoped3A = tpu.sem_alloc : memref<!tpu.dma_semaphore, #tpu.memory_space<semaphore_mem>>
      %dma_start3A_107 = arith.constant 0 : i32
      %dma_start3A_108 = tpu.memref_slice %arg3[%mul3A_3, %dma_start3A_107] : memref<4000x80xi32, #tpu.memory_space<hbm>> -> memref<125x80xi32, #tpu.memory_space<hbm>>
      %dma_start3A_109 = arith.constant 0 : i32
      %dma_start3A_110 = tpu.memref_slice %arg3[%mul3A_3, %dma_start3A_109] : memref<4000x80xi32, #tpu.memory_space<hbm>> -> memref<125x80xi32, #tpu.memory_space<hbm>>
      tpu.enqueue_dma source(%dma_start3A_110 : memref<125x80xi32, #tpu.memory_space<hbm>>) target(%arg6 : memref<125x80xi32, #tpu.memory_space<vmem>>) target_semaphore(%run_scoped3A : memref<!tpu.dma_semaphore, #tpu.memory_space<semaphore_mem>>)
      %dma_wait3A = arith.constant 0 : i32
      %dma_wait3A_111 = tpu.memref_slice %arg3[%mul3A_3, %dma_wait3A] : memref<4000x80xi32, #tpu.memory_space<hbm>> -> memref<125x80xi32, #tpu.memory_space<hbm>>
      %dma_wait3A_112 = arith.constant 0 : i32
      %dma_wait3A_113 = tpu.memref_slice %arg3[%mul3A_3, %dma_wait3A_112] : memref<4000x80xi32, #tpu.memory_space<hbm>> -> memref<125x80xi32, #tpu.memory_space<hbm>>
      tpu.wait_dma2 semaphore(%run_scoped3A : memref<!tpu.dma_semaphore, #tpu.memory_space<semaphore_mem>>) src(%dma_wait3A_113 : memref<125x80xi32, #tpu.memory_space<hbm>>) dst(%arg6 : memref<125x80xi32, #tpu.memory_space<vmem>>)
      tpu.yield
    }) : () -> ()
    "tpu.region"() ({
      %run_scoped3A = tpu.sem_alloc : memref<!tpu.dma_semaphore, #tpu.memory_space<semaphore_mem>>
      %dma_start3A_107 = arith.constant 0 : i32
      %dma_start3A_108 = tpu.memref_slice %arg4[%mul3A_3, %dma_start3A_107] : memref<4000x80xi32, #tpu.memory_space<hbm>> -> memref<125x80xi32, #tpu.memory_space<hbm>>
      %dma_start3A_109 = arith.constant 0 : i32
      %dma_start3A_110 = tpu.memref_slice %arg4[%mul3A_3, %dma_start3A_109] : memref<4000x80xi32, #tpu.memory_space<hbm>> -> memref<125x80xi32, #tpu.memory_space<hbm>>
      tpu.enqueue_dma source(%dma_start3A_110 : memref<125x80xi32, #tpu.memory_space<hbm>>) target(%arg7 : memref<125x80xi32, #tpu.memory_space<vmem>>) target_semaphore(%run_scoped3A : memref<!tpu.dma_semaphore, #tpu.memory_space<semaphore_mem>>)
      %dma_wait3A = arith.constant 0 : i32
      %dma_wait3A_111 = tpu.memref_slice %arg4[%mul3A_3, %dma_wait3A] : memref<4000x80xi32, #tpu.memory_space<hbm>> -> memref<125x80xi32, #tpu.memory_space<hbm>>
      %dma_wait3A_112 = arith.constant 0 : i32
      %dma_wait3A_113 = tpu.memref_slice %arg4[%mul3A_3, %dma_wait3A_112] : memref<4000x80xi32, #tpu.memory_space<hbm>> -> memref<125x80xi32, #tpu.memory_space<hbm>>
      tpu.wait_dma2 semaphore(%run_scoped3A : memref<!tpu.dma_semaphore, #tpu.memory_space<semaphore_mem>>) src(%dma_wait3A_113 : memref<125x80xi32, #tpu.memory_space<hbm>>) dst(%arg7 : memref<125x80xi32, #tpu.memory_space<vmem>>)
      tpu.yield
    }) : () -> ()
    %scan3A = arith.constant 0 : i32
    %scan3A_4 = arith.constant 0 : i32
    %scan3A_5 = arith.constant 104 : i32
    %scan3A_6 = arith.addi %scan3A_4, %scan3A_5 : i32
    %scan3A_7 = arith.constant 1 : i32
    %scan3A_8 = scf.for %scan3A_107 = %scan3A_4 to %scan3A_6 step %scan3A_7 iter_args(%scan3A_108 = %scan3A) -> (i32)  : i32 {
      %swap3A = arith.index_cast %scan3A_107 : i32 to index
      %swap3A_109 = arith.constant 0 : index
      %swap3A_110 = tpu.vector_load %arg8[%swap3A, %swap3A_109] {strides = array<i32>} : memref<104x64xf32, #tpu.memory_space<vmem>>, vector<1x16xf32>,
      %swap3A_111 = vector.shape_cast %swap3A_110 : vector<1x16xf32> to vector<16xf32>
      %swap3A_112 = vector.shape_cast %broadcast_in_dim3A_0 : vector<16xf32> to vector<1x16xf32>
      tpu.vector_store %arg8[%swap3A, %swap3A_109], %swap3A_112 {strides = array<i32>} : memref<104x64xf32, #tpu.memory_space<vmem>>, vector<1x16xf32>,
      %swap3A_113 = arith.index_cast %scan3A_107 : i32 to index
      %swap3A_114 = arith.constant 16 : index
      %swap3A_115 = tpu.vector_load %arg8[%swap3A_113, %swap3A_114] {strides = array<i32>} : memref<104x64xf32, #tpu.memory_space<vmem>>, vector<1x16xf32>,
      %swap3A_116 = vector.shape_cast %swap3A_115 : vector<1x16xf32> to vector<16xf32>
      %swap3A_117 = vector.shape_cast %broadcast_in_dim3A_0 : vector<16xf32> to vector<1x16xf32>
      tpu.vector_store %arg8[%swap3A_113, %swap3A_114], %swap3A_117 {strides = array<i32>} : memref<104x64xf32, #tpu.memory_space<vmem>>, vector<1x16xf32>,
      %swap3A_118 = arith.index_cast %scan3A_107 : i32 to index
      %swap3A_119 = arith.constant 32 : index
      %swap3A_120 = tpu.vector_load %arg8[%swap3A_118, %swap3A_119] {strides = array<i32>} : memref<104x64xf32, #tpu.memory_space<vmem>>, vector<1x16xf32>,
      %swap3A_121 = vector.shape_cast %swap3A_120 : vector<1x16xf32> to vector<16xf32>
      %swap3A_122 = vector.shape_cast %broadcast_in_dim3A_0 : vector<16xf32> to vector<1x16xf32>
      tpu.vector_store %arg8[%swap3A_118, %swap3A_119], %swap3A_122 {strides = array<i32>} : memref<104x64xf32, #tpu.memory_space<vmem>>, vector<1x16xf32>,
      %swap3A_123 = arith.index_cast %scan3A_107 : i32 to index
      %swap3A_124 = arith.constant 48 : index
      %swap3A_125 = tpu.vector_load %arg8[%swap3A_123, %swap3A_124] {strides = array<i32>} : memref<104x64xf32, #tpu.memory_space<vmem>>, vector<1x16xf32>,
      %swap3A_126 = vector.shape_cast %swap3A_125 : vector<1x16xf32> to vector<16xf32>
      %swap3A_127 = vector.shape_cast %broadcast_in_dim3A_0 : vector<16xf32> to vector<1x16xf32>
      tpu.vector_store %arg8[%swap3A_123, %swap3A_124], %swap3A_127 {strides = array<i32>} : memref<104x64xf32, #tpu.memory_space<vmem>>, vector<1x16xf32>,
      %scan3A_128 = arith.constant 0 : i32
      scf.yield %scan3A_128 : i32
    }
    %scan3A_9 = arith.constant 104 : i32
    %add3A_10 = arith.constant 0 : i32
    %add3A_11 = arith.addi %arg1, %add3A_10 : i32
    %mul3A_12 = arith.constant 104 : i32
    %mul3A_13 = arith.muli %add3A_11, %mul3A_12 : i32
    "tpu.region"() ({
      %run_scoped3A = tpu.sem_alloc : memref<!tpu.dma_semaphore, #tpu.memory_space<semaphore_mem>>
      %dma_start3A_107 = arith.constant 0 : i32
      %dma_start3A_108 = tpu.memref_slice %arg9[%mul3A_13, %dma_start3A_107] : memref<10000x64xf32, #tpu.memory_space<vmem_shared>> -> memref<104x64xf32, #tpu.memory_space<vmem_shared>>
      %dma_start3A_109 = arith.constant 0 : i32
      %dma_start3A_110 = tpu.memref_slice %arg9[%mul3A_13, %dma_start3A_109] : memref<10000x64xf32, #tpu.memory_space<vmem_shared>> -> memref<104x64xf32, #tpu.memory_space<vmem_shared>>
      tpu.enqueue_dma source(%arg8 : memref<104x64xf32, #tpu.memory_space<vmem>>) target(%dma_start3A_110 : memref<104x64xf32, #tpu.memory_space<vmem_shared>>) target_semaphore(%run_scoped3A : memref<!tpu.dma_semaphore, #tpu.memory_space<semaphore_mem>>)
      %dma_wait3A = arith.constant 0 : i32
      %dma_wait3A_111 = tpu.memref_slice %arg9[%mul3A_13, %dma_wait3A] : memref<10000x64xf32, #tpu.memory_space<vmem_shared>> -> memref<104x64xf32, #tpu.memory_space<vmem_shared>>
      %dma_wait3A_112 = arith.constant 0 : i32
      %dma_wait3A_113 = tpu.memref_slice %arg9[%mul3A_13, %dma_wait3A_112] : memref<10000x64xf32, #tpu.memory_space<vmem_shared>> -> memref<104x64xf32, #tpu.memory_space<vmem_shared>>
      tpu.wait_dma2 semaphore(%run_scoped3A : memref<!tpu.dma_semaphore, #tpu.memory_space<semaphore_mem>>) src(%arg8 : memref<104x64xf32, #tpu.memory_space<vmem>>) dst(%dma_wait3A_113 : memref<104x64xf32, #tpu.memory_space<vmem_shared>>)
      tpu.yield
    }) : () -> ()
    %add3A_14 = arith.constant 16 : i32
    %add3A_15 = arith.addi %arg1, %add3A_14 : i32
    %mul3A_16 = arith.constant 104 : i32
    %mul3A_17 = arith.muli %add3A_15, %mul3A_16 : i32
    "tpu.region"() ({
      %run_scoped3A = tpu.sem_alloc : memref<!tpu.dma_semaphore, #tpu.memory_space<semaphore_mem>>
      %dma_start3A_107 = arith.constant 0 : i32
      %dma_start3A_108 = tpu.memref_slice %arg9[%mul3A_17, %dma_start3A_107] : memref<10000x64xf32, #tpu.memory_space<vmem_shared>> -> memref<104x64xf32, #tpu.memory_space<vmem_shared>>
      %dma_start3A_109 = arith.constant 0 : i32
      %dma_start3A_110 = tpu.memref_slice %arg9[%mul3A_17, %dma_start3A_109] : memref<10000x64xf32, #tpu.memory_space<vmem_shared>> -> memref<104x64xf32, #tpu.memory_space<vmem_shared>>
      tpu.enqueue_dma source(%arg8 : memref<104x64xf32, #tpu.memory_space<vmem>>) target(%dma_start3A_110 : memref<104x64xf32, #tpu.memory_space<vmem_shared>>) target_semaphore(%run_scoped3A : memref<!tpu.dma_semaphore, #tpu.memory_space<semaphore_mem>>)
      %dma_wait3A = arith.constant 0 : i32
      %dma_wait3A_111 = tpu.memref_slice %arg9[%mul3A_17, %dma_wait3A] : memref<10000x64xf32, #tpu.memory_space<vmem_shared>> -> memref<104x64xf32, #tpu.memory_space<vmem_shared>>
      %dma_wait3A_112 = arith.constant 0 : i32
      %dma_wait3A_113 = tpu.memref_slice %arg9[%mul3A_17, %dma_wait3A_112] : memref<10000x64xf32, #tpu.memory_space<vmem_shared>> -> memref<104x64xf32, #tpu.memory_space<vmem_shared>>
      tpu.wait_dma2 semaphore(%run_scoped3A : memref<!tpu.dma_semaphore, #tpu.memory_space<semaphore_mem>>) src(%arg8 : memref<104x64xf32, #tpu.memory_space<vmem>>) dst(%dma_wait3A_113 : memref<104x64xf32, #tpu.memory_space<vmem_shared>>)
      tpu.yield
    }) : () -> ()
    %add3A_18 = arith.constant 32 : i32
    %add3A_19 = arith.addi %arg1, %add3A_18 : i32
    %mul3A_20 = arith.constant 104 : i32
    %mul3A_21 = arith.muli %add3A_19, %mul3A_20 : i32
    "tpu.region"() ({
      %run_scoped3A = tpu.sem_alloc : memref<!tpu.dma_semaphore, #tpu.memory_space<semaphore_mem>>
      %dma_start3A_107 = arith.constant 0 : i32
      %dma_start3A_108 = tpu.memref_slice %arg9[%mul3A_21, %dma_start3A_107] : memref<10000x64xf32, #tpu.memory_space<vmem_shared>> -> memref<104x64xf32, #tpu.memory_space<vmem_shared>>
      %dma_start3A_109 = arith.constant 0 : i32
      %dma_start3A_110 = tpu.memref_slice %arg9[%mul3A_21, %dma_start3A_109] : memref<10000x64xf32, #tpu.memory_space<vmem_shared>> -> memref<104x64xf32, #tpu.memory_space<vmem_shared>>
      tpu.enqueue_dma source(%arg8 : memref<104x64xf32, #tpu.memory_space<vmem>>) target(%dma_start3A_110 : memref<104x64xf32, #tpu.memory_space<vmem_shared>>) target_semaphore(%run_scoped3A : memref<!tpu.dma_semaphore, #tpu.memory_space<semaphore_mem>>)
      %dma_wait3A = arith.constant 0 : i32
      %dma_wait3A_111 = tpu.memref_slice %arg9[%mul3A_21, %dma_wait3A] : memref<10000x64xf32, #tpu.memory_space<vmem_shared>> -> memref<104x64xf32, #tpu.memory_space<vmem_shared>>
      %dma_wait3A_112 = arith.constant 0 : i32
      %dma_wait3A_113 = tpu.memref_slice %arg9[%mul3A_21, %dma_wait3A_112] : memref<10000x64xf32, #tpu.memory_space<vmem_shared>> -> memref<104x64xf32, #tpu.memory_space<vmem_shared>>
      tpu.wait_dma2 semaphore(%run_scoped3A : memref<!tpu.dma_semaphore, #tpu.memory_space<semaphore_mem>>) src(%arg8 : memref<104x64xf32, #tpu.memory_space<vmem>>) dst(%dma_wait3A_113 : memref<104x64xf32, #tpu.memory_space<vmem_shared>>)
      tpu.yield
    }) : () -> ()
    %add3A_22 = arith.constant 48 : i32
    %add3A_23 = arith.addi %arg1, %add3A_22 : i32
    %mul3A_24 = arith.constant 104 : i32
    %mul3A_25 = arith.muli %add3A_23, %mul3A_24 : i32
    "tpu.region"() ({
      %run_scoped3A = tpu.sem_alloc : memref<!tpu.dma_semaphore, #tpu.memory_space<semaphore_mem>>
      %dma_start3A_107 = arith.constant 0 : i32
      %dma_start3A_108 = tpu.memref_slice %arg9[%mul3A_25, %dma_start3A_107] : memref<10000x64xf32, #tpu.memory_space<vmem_shared>> -> memref<104x64xf32, #tpu.memory_space<vmem_shared>>
      %dma_start3A_109 = arith.constant 0 : i32
      %dma_start3A_110 = tpu.memref_slice %arg9[%mul3A_25, %dma_start3A_109] : memref<10000x64xf32, #tpu.memory_space<vmem_shared>> -> memref<104x64xf32, #tpu.memory_space<vmem_shared>>
      tpu.enqueue_dma source(%arg8 : memref<104x64xf32, #tpu.memory_space<vmem>>) target(%dma_start3A_110 : memref<104x64xf32, #tpu.memory_space<vmem_shared>>) target_semaphore(%run_scoped3A : memref<!tpu.dma_semaphore, #tpu.memory_space<semaphore_mem>>)
      %dma_wait3A = arith.constant 0 : i32
      %dma_wait3A_111 = tpu.memref_slice %arg9[%mul3A_25, %dma_wait3A] : memref<10000x64xf32, #tpu.memory_space<vmem_shared>> -> memref<104x64xf32, #tpu.memory_space<vmem_shared>>
      %dma_wait3A_112 = arith.constant 0 : i32
      %dma_wait3A_113 = tpu.memref_slice %arg9[%mul3A_25, %dma_wait3A_112] : memref<10000x64xf32, #tpu.memory_space<vmem_shared>> -> memref<104x64xf32, #tpu.memory_space<vmem_shared>>
      tpu.wait_dma2 semaphore(%run_scoped3A : memref<!tpu.dma_semaphore, #tpu.memory_space<semaphore_mem>>) src(%arg8 : memref<104x64xf32, #tpu.memory_space<vmem>>) dst(%dma_wait3A_113 : memref<104x64xf32, #tpu.memory_space<vmem_shared>>)
      tpu.yield
    }) : () -> ()
    %add3A_26 = arith.constant 64 : i32
    %add3A_27 = arith.addi %arg1, %add3A_26 : i32
    %mul3A_28 = arith.constant 104 : i32
    %mul3A_29 = arith.muli %add3A_27, %mul3A_28 : i32
    "tpu.region"() ({
      %run_scoped3A = tpu.sem_alloc : memref<!tpu.dma_semaphore, #tpu.memory_space<semaphore_mem>>
      %dma_start3A_107 = arith.constant 0 : i32
      %dma_start3A_108 = tpu.memref_slice %arg9[%mul3A_29, %dma_start3A_107] : memref<10000x64xf32, #tpu.memory_space<vmem_shared>> -> memref<104x64xf32, #tpu.memory_space<vmem_shared>>
      %dma_start3A_109 = arith.constant 0 : i32
      %dma_start3A_110 = tpu.memref_slice %arg9[%mul3A_29, %dma_start3A_109] : memref<10000x64xf32, #tpu.memory_space<vmem_shared>> -> memref<104x64xf32, #tpu.memory_space<vmem_shared>>
      tpu.enqueue_dma source(%arg8 : memref<104x64xf32, #tpu.memory_space<vmem>>) target(%dma_start3A_110 : memref<104x64xf32, #tpu.memory_space<vmem_shared>>) target_semaphore(%run_scoped3A : memref<!tpu.dma_semaphore, #tpu.memory_space<semaphore_mem>>)
      %dma_wait3A = arith.constant 0 : i32
      %dma_wait3A_111 = tpu.memref_slice %arg9[%mul3A_29, %dma_wait3A] : memref<10000x64xf32, #tpu.memory_space<vmem_shared>> -> memref<104x64xf32, #tpu.memory_space<vmem_shared>>
      %dma_wait3A_112 = arith.constant 0 : i32
      %dma_wait3A_113 = tpu.memref_slice %arg9[%mul3A_29, %dma_wait3A_112] : memref<10000x64xf32, #tpu.memory_space<vmem_shared>> -> memref<104x64xf32, #tpu.memory_space<vmem_shared>>
      tpu.wait_dma2 semaphore(%run_scoped3A : memref<!tpu.dma_semaphore, #tpu.memory_space<semaphore_mem>>) src(%arg8 : memref<104x64xf32, #tpu.memory_space<vmem>>) dst(%dma_wait3A_113 : memref<104x64xf32, #tpu.memory_space<vmem_shared>>)
      tpu.yield
    }) : () -> ()
    %add3A_30 = arith.constant 80 : i32
    %add3A_31 = arith.addi %arg1, %add3A_30 : i32
    %mul3A_32 = arith.constant 104 : i32
    %mul3A_33 = arith.muli %add3A_31, %mul3A_32 : i32
    "tpu.region"() ({
      %run_scoped3A = tpu.sem_alloc : memref<!tpu.dma_semaphore, #tpu.memory_space<semaphore_mem>>
      %dma_start3A_107 = arith.constant 0 : i32
      %dma_start3A_108 = tpu.memref_slice %arg9[%mul3A_33, %dma_start3A_107] : memref<10000x64xf32, #tpu.memory_space<vmem_shared>> -> memref<104x64xf32, #tpu.memory_space<vmem_shared>>
      %dma_start3A_109 = arith.constant 0 : i32
      %dma_start3A_110 = tpu.memref_slice %arg9[%mul3A_33, %dma_start3A_109] : memref<10000x64xf32, #tpu.memory_space<vmem_shared>> -> memref<104x64xf32, #tpu.memory_space<vmem_shared>>
      tpu.enqueue_dma source(%arg8 : memref<104x64xf32, #tpu.memory_space<vmem>>) target(%dma_start3A_110 : memref<104x64xf32, #tpu.memory_space<vmem_shared>>) target_semaphore(%run_scoped3A : memref<!tpu.dma_semaphore, #tpu.memory_space<semaphore_mem>>)
      %dma_wait3A = arith.constant 0 : i32
      %dma_wait3A_111 = tpu.memref_slice %arg9[%mul3A_33, %dma_wait3A] : memref<10000x64xf32, #tpu.memory_space<vmem_shared>> -> memref<104x64xf32, #tpu.memory_space<vmem_shared>>
      %dma_wait3A_112 = arith.constant 0 : i32
      %dma_wait3A_113 = tpu.memref_slice %arg9[%mul3A_33, %dma_wait3A_112] : memref<10000x64xf32, #tpu.memory_space<vmem_shared>> -> memref<104x64xf32, #tpu.memory_space<vmem_shared>>
      tpu.wait_dma2 semaphore(%run_scoped3A : memref<!tpu.dma_semaphore, #tpu.memory_space<semaphore_mem>>) src(%arg8 : memref<104x64xf32, #tpu.memory_space<vmem>>) dst(%dma_wait3A_113 : memref<104x64xf32, #tpu.memory_space<vmem_shared>>)
      tpu.yield
    }) : () -> ()
    %eq3A = arith.constant 0 : i32
    %eq3A_34 = arith.cmpi eq, %arg1, %eq3A : i32
    %convert_element_type3A = arith.extui %eq3A_34 : i1 to i32
    %cond3A = arith.constant 0 : i32
    %cond3A_35 = arith.cmpi ne, %convert_element_type3A, %cond3A : i32
    scf.if %cond3A_35 {
      "tpu.region"() ({
        %run_scoped3A = tpu.sem_alloc : memref<!tpu.dma_semaphore, #tpu.memory_space<semaphore_mem>>
        %dma_start3A_107 = arith.constant 0 : i32
        %dma_start3A_108 = arith.constant 0 : i32
        %dma_start3A_109 = tpu.memref_slice %arg8[%dma_start3A_107, %dma_start3A_108] : memref<104x64xf32, #tpu.memory_space<vmem>> -> memref<16x64xf32, #tpu.memory_space<vmem>>
        %dma_start3A_110 = arith.constant 9984 : i32
        %dma_start3A_111 = arith.constant 0 : i32
        %dma_start3A_112 = tpu.memref_slice %arg9[%dma_start3A_110, %dma_start3A_111] : memref<10000x64xf32, #tpu.memory_space<vmem_shared>> -> memref<16x64xf32, #tpu.memory_space<vmem_shared>>
        %dma_start3A_113 = arith.constant 9984 : i32
        %dma_start3A_114 = arith.constant 0 : i32
        %dma_start3A_115 = tpu.memref_slice %arg9[%dma_start3A_113, %dma_start3A_114] : memref<10000x64xf32, #tpu.memory_space<vmem_shared>> -> memref<16x64xf32, #tpu.memory_space<vmem_shared>>
        %dma_start3A_116 = arith.constant 0 : i32
        %dma_start3A_117 = arith.constant 0 : i32
        %dma_start3A_118 = tpu.memref_slice %arg8[%dma_start3A_116, %dma_start3A_117] : memref<104x64xf32, #tpu.memory_space<vmem>> -> memref<16x64xf32, #tpu.memory_space<vmem>>
        tpu.enqueue_dma source(%dma_start3A_118 : memref<16x64xf32, #tpu.memory_space<vmem>>) target(%dma_start3A_115 : memref<16x64xf32, #tpu.memory_space<vmem_shared>>) target_semaphore(%run_scoped3A : memref<!tpu.dma_semaphore, #tpu.memory_space<semaphore_mem>>)
        %dma_wait3A = arith.constant 0 : i32
        %dma_wait3A_119 = arith.constant 0 : i32
        %dma_wait3A_120 = tpu.memref_slice %arg8[%dma_wait3A, %dma_wait3A_119] : memref<104x64xf32, #tpu.memory_space<vmem>> -> memref<16x64xf32, #tpu.memory_space<vmem>>
        %dma_wait3A_121 = arith.constant 9984 : i32
        %dma_wait3A_122 = arith.constant 0 : i32
        %dma_wait3A_123 = tpu.memref_slice %arg9[%dma_wait3A_121, %dma_wait3A_122] : memref<10000x64xf32, #tpu.memory_space<vmem_shared>> -> memref<16x64xf32, #tpu.memory_space<vmem_shared>>
        %dma_wait3A_124 = arith.constant 9984 : i32
        %dma_wait3A_125 = arith.constant 0 : i32
        %dma_wait3A_126 = tpu.memref_slice %arg9[%dma_wait3A_124, %dma_wait3A_125] : memref<10000x64xf32, #tpu.memory_space<vmem_shared>> -> memref<16x64xf32, #tpu.memory_space<vmem_shared>>
        %dma_wait3A_127 = arith.constant 0 : i32
        %dma_wait3A_128 = arith.constant 0 : i32
        %dma_wait3A_129 = tpu.memref_slice %arg8[%dma_wait3A_127, %dma_wait3A_128] : memref<104x64xf32, #tpu.memory_space<vmem>> -> memref<16x64xf32, #tpu.memory_space<vmem>>
        tpu.wait_dma2 semaphore(%run_scoped3A : memref<!tpu.dma_semaphore, #tpu.memory_space<semaphore_mem>>) src(%dma_wait3A_129 : memref<16x64xf32, #tpu.memory_space<vmem>>) dst(%dma_wait3A_126 : memref<16x64xf32, #tpu.memory_space<vmem_shared>>)
        tpu.yield
      }) : () -> ()
    } else {
    }
    %barrier3A = arith.constant 0 : index
    tpu.barrier barrier_id(%barrier3A)
    %dma_start3A = arith.constant 0 : i32
    %dma_start3A_36 = arith.constant 0 : i32
    %dma_start3A_37 = tpu.memref_slice %arg6[%dma_start3A, %dma_start3A_36] : memref<125x80xi32, #tpu.memory_space<vmem>> -> memref<1x80xi32, #tpu.memory_space<vmem>>
    %dma_start3A_38 = tpu.memref_squeeze %dma_start3A_37 : memref<1x80xi32, #tpu.memory_space<vmem>> -> memref<80xi32, #tpu.memory_space<vmem>>
    %dma_start3A_39 = arith.constant 0 : i32
    %dma_start3A_40 = arith.constant 0 : i32
    %dma_start3A_41 = tpu.memref_slice %arg2[%dma_start3A_39, %dma_start3A_40] : memref<10000x64xf32, #tpu.memory_space<hbm>> -> memref<10000x64xf32, #tpu.memory_space<hbm>>
    tpu.enqueue_indirect_dma source(%dma_start3A_41 : memref<10000x64xf32, #tpu.memory_space<hbm>>) target(%arg10 : memref<80x64xf32, #tpu.memory_space<vmem>>) offsets(%dma_start3A_38 : memref<80xi32, #tpu.memory_space<vmem>>) semaphore(%arg15 : memref<!tpu.dma_semaphore, #tpu.memory_space<semaphore_mem>>)
    %dma_start3A_42 = arith.constant 1 : i32
    %dma_start3A_43 = arith.constant 0 : i32
    %dma_start3A_44 = tpu.memref_slice %arg6[%dma_start3A_42, %dma_start3A_43] : memref<125x80xi32, #tpu.memory_space<vmem>> -> memref<1x80xi32, #tpu.memory_space<vmem>>
    %dma_start3A_45 = tpu.memref_squeeze %dma_start3A_44 : memref<1x80xi32, #tpu.memory_space<vmem>> -> memref<80xi32, #tpu.memory_space<vmem>>
    %dma_start3A_46 = arith.constant 0 : i32
    %dma_start3A_47 = arith.constant 0 : i32
    %dma_start3A_48 = tpu.memref_slice %arg2[%dma_start3A_46, %dma_start3A_47] : memref<10000x64xf32, #tpu.memory_space<hbm>> -> memref<10000x64xf32, #tpu.memory_space<hbm>>
    tpu.enqueue_indirect_dma source(%dma_start3A_48 : memref<10000x64xf32, #tpu.memory_space<hbm>>) target(%arg11 : memref<80x64xf32, #tpu.memory_space<vmem>>) offsets(%dma_start3A_45 : memref<80xi32, #tpu.memory_space<vmem>>) semaphore(%arg16 : memref<!tpu.dma_semaphore, #tpu.memory_space<semaphore_mem>>)
    %dma_start3A_49 = arith.constant 2 : i32
    %dma_start3A_50 = arith.constant 0 : i32
    %dma_start3A_51 = tpu.memref_slice %arg6[%dma_start3A_49, %dma_start3A_50] : memref<125x80xi32, #tpu.memory_space<vmem>> -> memref<1x80xi32, #tpu.memory_space<vmem>>
    %dma_start3A_52 = tpu.memref_squeeze %dma_start3A_51 : memref<1x80xi32, #tpu.memory_space<vmem>> -> memref<80xi32, #tpu.memory_space<vmem>>
    %dma_start3A_53 = arith.constant 0 : i32
    %dma_start3A_54 = arith.constant 0 : i32
    %dma_start3A_55 = tpu.memref_slice %arg2[%dma_start3A_53, %dma_start3A_54] : memref<10000x64xf32, #tpu.memory_space<hbm>> -> memref<10000x64xf32, #tpu.memory_space<hbm>>
    tpu.enqueue_indirect_dma source(%dma_start3A_55 : memref<10000x64xf32, #tpu.memory_space<hbm>>) target(%arg12 : memref<80x64xf32, #tpu.memory_space<vmem>>) offsets(%dma_start3A_52 : memref<80xi32, #tpu.memory_space<vmem>>) semaphore(%arg17 : memref<!tpu.dma_semaphore, #tpu.memory_space<semaphore_mem>>)
    %dma_start3A_56 = arith.constant 3 : i32
    %dma_start3A_57 = arith.constant 0 : i32
    %dma_start3A_58 = tpu.memref_slice %arg6[%dma_start3A_56, %dma_start3A_57] : memref<125x80xi32, #tpu.memory_space<vmem>> -> memref<1x80xi32, #tpu.memory_space<vmem>>
    %dma_start3A_59 = tpu.memref_squeeze %dma_start3A_58 : memref<1x80xi32, #tpu.memory_space<vmem>> -> memref<80xi32, #tpu.memory_space<vmem>>
    %dma_start3A_60 = arith.constant 0 : i32
    %dma_start3A_61 = arith.constant 0 : i32
    %dma_start3A_62 = tpu.memref_slice %arg2[%dma_start3A_60, %dma_start3A_61] : memref<10000x64xf32, #tpu.memory_space<hbm>> -> memref<10000x64xf32, #tpu.memory_space<hbm>>
    tpu.enqueue_indirect_dma source(%dma_start3A_62 : memref<10000x64xf32, #tpu.memory_space<hbm>>) target(%arg13 : memref<80x64xf32, #tpu.memory_space<vmem>>) offsets(%dma_start3A_59 : memref<80xi32, #tpu.memory_space<vmem>>) semaphore(%arg18 : memref<!tpu.dma_semaphore, #tpu.memory_space<semaphore_mem>>)
    %dma_start3A_63 = arith.constant 4 : i32
    %dma_start3A_64 = arith.constant 0 : i32
    %dma_start3A_65 = tpu.memref_slice %arg6[%dma_start3A_63, %dma_start3A_64] : memref<125x80xi32, #tpu.memory_space<vmem>> -> memref<1x80xi32, #tpu.memory_space<vmem>>
    %dma_start3A_66 = tpu.memref_squeeze %dma_start3A_65 : memref<1x80xi32, #tpu.memory_space<vmem>> -> memref<80xi32, #tpu.memory_space<vmem>>
    %dma_start3A_67 = arith.constant 0 : i32
    %dma_start3A_68 = arith.constant 0 : i32
    %dma_start3A_69 = tpu.memref_slice %arg2[%dma_start3A_67, %dma_start3A_68] : memref<10000x64xf32, #tpu.memory_space<hbm>> -> memref<10000x64xf32, #tpu.memory_space<hbm>>
    tpu.enqueue_indirect_dma source(%dma_start3A_69 : memref<10000x64xf32, #tpu.memory_space<hbm>>) target(%arg14 : memref<80x64xf32, #tpu.memory_space<vmem>>) offsets(%dma_start3A_66 : memref<80xi32, #tpu.memory_space<vmem>>) semaphore(%arg19 : memref<!tpu.dma_semaphore, #tpu.memory_space<semaphore_mem>>)
    %scan3A_70 = arith.constant 0 : i32
    %scan3A_71 = arith.constant 0 : i32
    %scan3A_72 = arith.constant 25 : i32
    %scan3A_73 = arith.addi %scan3A_71, %scan3A_72 : i32
    %scan3A_74 = arith.constant 1 : i32
    %scan3A_75 = scf.for %scan3A_107 = %scan3A_71 to %scan3A_73 step %scan3A_74 iter_args(%scan3A_108 = %scan3A_70) -> (i32)  : i32 {
      %mul3A_109 = arith.constant 5 : i32
      %mul3A_110 = arith.muli %scan3A_107, %mul3A_109 : i32
      %add3A_111 = arith.constant 0 : i32
      %add3A_112 = arith.addi %mul3A_110, %add3A_111 : i32
      %dma_wait3A = arith.constant 0 : i32
      %dma_wait3A_113 = tpu.memref_slice %arg6[%add3A_112, %dma_wait3A] : memref<125x80xi32, #tpu.memory_space<vmem>> -> memref<1x80xi32, #tpu.memory_space<vmem>>
      %dma_wait3A_114 = tpu.memref_squeeze %dma_wait3A_113 : memref<1x80xi32, #tpu.memory_space<vmem>> -> memref<80xi32, #tpu.memory_space<vmem>>
      %dma_wait3A_115 = arith.constant 0 : i32
      %dma_wait3A_116 = arith.constant 0 : i32
      %dma_wait3A_117 = tpu.memref_slice %arg2[%dma_wait3A_115, %dma_wait3A_116] : memref<10000x64xf32, #tpu.memory_space<hbm>> -> memref<10000x64xf32, #tpu.memory_space<hbm>>
      tpu.wait_indirect_dma semaphore(%arg15 : memref<!tpu.dma_semaphore, #tpu.memory_space<semaphore_mem>>) src(%dma_wait3A_117 : memref<10000x64xf32, #tpu.memory_space<hbm>>) dst(%arg10 : memref<80x64xf32, #tpu.memory_space<vmem>>)
      %dma_start3A_118 = arith.constant 0 : i32
      %dma_start3A_119 = tpu.memref_slice %arg7[%add3A_112, %dma_start3A_118] : memref<125x80xi32, #tpu.memory_space<vmem>> -> memref<1x80xi32, #tpu.memory_space<vmem>>
      %dma_start3A_120 = tpu.memref_squeeze %dma_start3A_119 : memref<1x80xi32, #tpu.memory_space<vmem>> -> memref<80xi32, #tpu.memory_space<vmem>>
      %dma_start3A_121 = arith.constant 0 : i32
      %dma_start3A_122 = arith.constant 0 : i32
      %dma_start3A_123 = tpu.memref_slice %arg9[%dma_start3A_121, %dma_start3A_122] : memref<10000x64xf32, #tpu.memory_space<vmem_shared>> -> memref<10000x64xf32, #tpu.memory_space<vmem_shared>>
      tpu.enqueue_indirect_dma source(%arg10 : memref<80x64xf32, #tpu.memory_space<vmem>>) target(%dma_start3A_123 : memref<10000x64xf32, #tpu.memory_space<vmem_shared>>) offsets(%dma_start3A_120 : memref<80xi32, #tpu.memory_space<vmem>>) semaphore(%arg20 : memref<!tpu.dma_semaphore, #tpu.memory_space<semaphore_mem>>) {add = true}
      %add3A_124 = arith.constant 1 : i32
      %add3A_125 = arith.addi %mul3A_110, %add3A_124 : i32
      %dma_wait3A_126 = arith.constant 0 : i32
      %dma_wait3A_127 = tpu.memref_slice %arg6[%add3A_125, %dma_wait3A_126] : memref<125x80xi32, #tpu.memory_space<vmem>> -> memref<1x80xi32, #tpu.memory_space<vmem>>
      %dma_wait3A_128 = tpu.memref_squeeze %dma_wait3A_127 : memref<1x80xi32, #tpu.memory_space<vmem>> -> memref<80xi32, #tpu.memory_space<vmem>>
      %dma_wait3A_129 = arith.constant 0 : i32
      %dma_wait3A_130 = arith.constant 0 : i32
      %dma_wait3A_131 = tpu.memref_slice %arg2[%dma_wait3A_129, %dma_wait3A_130] : memref<10000x64xf32, #tpu.memory_space<hbm>> -> memref<10000x64xf32, #tpu.memory_space<hbm>>
      tpu.wait_indirect_dma semaphore(%arg16 : memref<!tpu.dma_semaphore, #tpu.memory_space<semaphore_mem>>) src(%dma_wait3A_131 : memref<10000x64xf32, #tpu.memory_space<hbm>>) dst(%arg11 : memref<80x64xf32, #tpu.memory_space<vmem>>)
      %dma_start3A_132 = arith.constant 0 : i32
      %dma_start3A_133 = tpu.memref_slice %arg7[%add3A_125, %dma_start3A_132] : memref<125x80xi32, #tpu.memory_space<vmem>> -> memref<1x80xi32, #tpu.memory_space<vmem>>
      %dma_start3A_134 = tpu.memref_squeeze %dma_start3A_133 : memref<1x80xi32, #tpu.memory_space<vmem>> -> memref<80xi32, #tpu.memory_space<vmem>>
      %dma_start3A_135 = arith.constant 0 : i32
      %dma_start3A_136 = arith.constant 0 : i32
      %dma_start3A_137 = tpu.memref_slice %arg9[%dma_start3A_135, %dma_start3A_136] : memref<10000x64xf32, #tpu.memory_space<vmem_shared>> -> memref<10000x64xf32, #tpu.memory_space<vmem_shared>>
      tpu.enqueue_indirect_dma source(%arg11 : memref<80x64xf32, #tpu.memory_space<vmem>>) target(%dma_start3A_137 : memref<10000x64xf32, #tpu.memory_space<vmem_shared>>) offsets(%dma_start3A_134 : memref<80xi32, #tpu.memory_space<vmem>>) semaphore(%arg21 : memref<!tpu.dma_semaphore, #tpu.memory_space<semaphore_mem>>) {add = true}
      %add3A_138 = arith.constant 2 : i32
      %add3A_139 = arith.addi %mul3A_110, %add3A_138 : i32
      %dma_wait3A_140 = arith.constant 0 : i32
      %dma_wait3A_141 = tpu.memref_slice %arg6[%add3A_139, %dma_wait3A_140] : memref<125x80xi32, #tpu.memory_space<vmem>> -> memref<1x80xi32, #tpu.memory_space<vmem>>
      %dma_wait3A_142 = tpu.memref_squeeze %dma_wait3A_141 : memref<1x80xi32, #tpu.memory_space<vmem>> -> memref<80xi32, #tpu.memory_space<vmem>>
      %dma_wait3A_143 = arith.constant 0 : i32
      %dma_wait3A_144 = arith.constant 0 : i32
      %dma_wait3A_145 = tpu.memref_slice %arg2[%dma_wait3A_143, %dma_wait3A_144] : memref<10000x64xf32, #tpu.memory_space<hbm>> -> memref<10000x64xf32, #tpu.memory_space<hbm>>
      tpu.wait_indirect_dma semaphore(%arg17 : memref<!tpu.dma_semaphore, #tpu.memory_space<semaphore_mem>>) src(%dma_wait3A_145 : memref<10000x64xf32, #tpu.memory_space<hbm>>) dst(%arg12 : memref<80x64xf32, #tpu.memory_space<vmem>>)
      %dma_start3A_146 = arith.constant 0 : i32
      %dma_start3A_147 = tpu.memref_slice %arg7[%add3A_139, %dma_start3A_146] : memref<125x80xi32, #tpu.memory_space<vmem>> -> memref<1x80xi32, #tpu.memory_space<vmem>>
      %dma_start3A_148 = tpu.memref_squeeze %dma_start3A_147 : memref<1x80xi32, #tpu.memory_space<vmem>> -> memref<80xi32, #tpu.memory_space<vmem>>
      %dma_start3A_149 = arith.constant 0 : i32
      %dma_start3A_150 = arith.constant 0 : i32
      %dma_start3A_151 = tpu.memref_slice %arg9[%dma_start3A_149, %dma_start3A_150] : memref<10000x64xf32, #tpu.memory_space<vmem_shared>> -> memref<10000x64xf32, #tpu.memory_space<vmem_shared>>
      tpu.enqueue_indirect_dma source(%arg12 : memref<80x64xf32, #tpu.memory_space<vmem>>) target(%dma_start3A_151 : memref<10000x64xf32, #tpu.memory_space<vmem_shared>>) offsets(%dma_start3A_148 : memref<80xi32, #tpu.memory_space<vmem>>) semaphore(%arg22 : memref<!tpu.dma_semaphore, #tpu.memory_space<semaphore_mem>>) {add = true}
      %add3A_152 = arith.constant 3 : i32
      %add3A_153 = arith.addi %mul3A_110, %add3A_152 : i32
      %dma_wait3A_154 = arith.constant 0 : i32
      %dma_wait3A_155 = tpu.memref_slice %arg6[%add3A_153, %dma_wait3A_154] : memref<125x80xi32, #tpu.memory_space<vmem>> -> memref<1x80xi32, #tpu.memory_space<vmem>>
      %dma_wait3A_156 = tpu.memref_squeeze %dma_wait3A_155 : memref<1x80xi32, #tpu.memory_space<vmem>> -> memref<80xi32, #tpu.memory_space<vmem>>
      %dma_wait3A_157 = arith.constant 0 : i32
      %dma_wait3A_158 = arith.constant 0 : i32
      %dma_wait3A_159 = tpu.memref_slice %arg2[%dma_wait3A_157, %dma_wait3A_158] : memref<10000x64xf32, #tpu.memory_space<hbm>> -> memref<10000x64xf32, #tpu.memory_space<hbm>>
      tpu.wait_indirect_dma semaphore(%arg18 : memref<!tpu.dma_semaphore, #tpu.memory_space<semaphore_mem>>) src(%dma_wait3A_159 : memref<10000x64xf32, #tpu.memory_space<hbm>>) dst(%arg13 : memref<80x64xf32, #tpu.memory_space<vmem>>)
      %dma_start3A_160 = arith.constant 0 : i32
      %dma_start3A_161 = tpu.memref_slice %arg7[%add3A_153, %dma_start3A_160] : memref<125x80xi32, #tpu.memory_space<vmem>> -> memref<1x80xi32, #tpu.memory_space<vmem>>
      %dma_start3A_162 = tpu.memref_squeeze %dma_start3A_161 : memref<1x80xi32, #tpu.memory_space<vmem>> -> memref<80xi32, #tpu.memory_space<vmem>>
      %dma_start3A_163 = arith.constant 0 : i32
      %dma_start3A_164 = arith.constant 0 : i32
      %dma_start3A_165 = tpu.memref_slice %arg9[%dma_start3A_163, %dma_start3A_164] : memref<10000x64xf32, #tpu.memory_space<vmem_shared>> -> memref<10000x64xf32, #tpu.memory_space<vmem_shared>>
      tpu.enqueue_indirect_dma source(%arg13 : memref<80x64xf32, #tpu.memory_space<vmem>>) target(%dma_start3A_165 : memref<10000x64xf32, #tpu.memory_space<vmem_shared>>) offsets(%dma_start3A_162 : memref<80xi32, #tpu.memory_space<vmem>>) semaphore(%arg23 : memref<!tpu.dma_semaphore, #tpu.memory_space<semaphore_mem>>) {add = true}
      %add3A_166 = arith.constant 4 : i32
      %add3A_167 = arith.addi %mul3A_110, %add3A_166 : i32
      %dma_wait3A_168 = arith.constant 0 : i32
      %dma_wait3A_169 = tpu.memref_slice %arg6[%add3A_167, %dma_wait3A_168] : memref<125x80xi32, #tpu.memory_space<vmem>> -> memref<1x80xi32, #tpu.memory_space<vmem>>
      %dma_wait3A_170 = tpu.memref_squeeze %dma_wait3A_169 : memref<1x80xi32, #tpu.memory_space<vmem>> -> memref<80xi32, #tpu.memory_space<vmem>>
      %dma_wait3A_171 = arith.constant 0 : i32
      %dma_wait3A_172 = arith.constant 0 : i32
      %dma_wait3A_173 = tpu.memref_slice %arg2[%dma_wait3A_171, %dma_wait3A_172] : memref<10000x64xf32, #tpu.memory_space<hbm>> -> memref<10000x64xf32, #tpu.memory_space<hbm>>
      tpu.wait_indirect_dma semaphore(%arg19 : memref<!tpu.dma_semaphore, #tpu.memory_space<semaphore_mem>>) src(%dma_wait3A_173 : memref<10000x64xf32, #tpu.memory_space<hbm>>) dst(%arg14 : memref<80x64xf32, #tpu.memory_space<vmem>>)
      %dma_start3A_174 = arith.constant 0 : i32
      %dma_start3A_175 = tpu.memref_slice %arg7[%add3A_167, %dma_start3A_174] : memref<125x80xi32, #tpu.memory_space<vmem>> -> memref<1x80xi32, #tpu.memory_space<vmem>>
      %dma_start3A_176 = tpu.memref_squeeze %dma_start3A_175 : memref<1x80xi32, #tpu.memory_space<vmem>> -> memref<80xi32, #tpu.memory_space<vmem>>
      %dma_start3A_177 = arith.constant 0 : i32
      %dma_start3A_178 = arith.constant 0 : i32
      %dma_start3A_179 = tpu.memref_slice %arg9[%dma_start3A_177, %dma_start3A_178] : memref<10000x64xf32, #tpu.memory_space<vmem_shared>> -> memref<10000x64xf32, #tpu.memory_space<vmem_shared>>
      tpu.enqueue_indirect_dma source(%arg14 : memref<80x64xf32, #tpu.memory_space<vmem>>) target(%dma_start3A_179 : memref<10000x64xf32, #tpu.memory_space<vmem_shared>>) offsets(%dma_start3A_176 : memref<80xi32, #tpu.memory_space<vmem>>) semaphore(%arg24 : memref<!tpu.dma_semaphore, #tpu.memory_space<semaphore_mem>>) {add = true}
      %add3A_180 = arith.constant 0 : i32
      %add3A_181 = arith.addi %mul3A_110, %add3A_180 : i32
      %dma_wait3A_182 = arith.constant 0 : i32
      %dma_wait3A_183 = tpu.memref_slice %arg7[%add3A_181, %dma_wait3A_182] : memref<125x80xi32, #tpu.memory_space<vmem>> -> memref<1x80xi32, #tpu.memory_space<vmem>>
      %dma_wait3A_184 = tpu.memref_squeeze %dma_wait3A_183 : memref<1x80xi32, #tpu.memory_space<vmem>> -> memref<80xi32, #tpu.memory_space<vmem>>
      %dma_wait3A_185 = arith.constant 0 : i32
      %dma_wait3A_186 = arith.constant 0 : i32
      %dma_wait3A_187 = tpu.memref_slice %arg9[%dma_wait3A_185, %dma_wait3A_186] : memref<10000x64xf32, #tpu.memory_space<vmem_shared>> -> memref<10000x64xf32, #tpu.memory_space<vmem_shared>>
      tpu.wait_indirect_dma semaphore(%arg20 : memref<!tpu.dma_semaphore, #tpu.memory_space<semaphore_mem>>) src(%arg10 : memref<80x64xf32, #tpu.memory_space<vmem>>) dst(%dma_wait3A_187 : memref<10000x64xf32, #tpu.memory_space<vmem_shared>>)
      %add3A_188 = arith.constant 5 : i32
      %add3A_189 = arith.addi %add3A_181, %add3A_188 : i32
      %lt3A = arith.constant 125 : i32
      %lt3A_190 = arith.cmpi slt, %add3A_189, %lt3A : i32
      %convert_element_type3A_191 = arith.extui %lt3A_190 : i1 to i32
      %cond3A_192 = arith.constant 0 : i32
      %cond3A_193 = arith.cmpi ne, %convert_element_type3A_191, %cond3A_192 : i32
      scf.if %cond3A_193 {
        %dma_start3A_255 = arith.constant 0 : i32
        %dma_start3A_256 = tpu.memref_slice %arg6[%add3A_189, %dma_start3A_255] : memref<125x80xi32, #tpu.memory_space<vmem>> -> memref<1x80xi32, #tpu.memory_space<vmem>>
        %dma_start3A_257 = tpu.memref_squeeze %dma_start3A_256 : memref<1x80xi32, #tpu.memory_space<vmem>> -> memref<80xi32, #tpu.memory_space<vmem>>
        %dma_start3A_258 = arith.constant 0 : i32
        %dma_start3A_259 = arith.constant 0 : i32
        %dma_start3A_260 = tpu.memref_slice %arg2[%dma_start3A_258, %dma_start3A_259] : memref<10000x64xf32, #tpu.memory_space<hbm>> -> memref<10000x64xf32, #tpu.memory_space<hbm>>
        tpu.enqueue_indirect_dma source(%dma_start3A_260 : memref<10000x64xf32, #tpu.memory_space<hbm>>) target(%arg10 : memref<80x64xf32, #tpu.memory_space<vmem>>) offsets(%dma_start3A_257 : memref<80xi32, #tpu.memory_space<vmem>>) semaphore(%arg15 : memref<!tpu.dma_semaphore, #tpu.memory_space<semaphore_mem>>)
      } else {
      }
      %add3A_194 = arith.constant 1 : i32
      %add3A_195 = arith.addi %mul3A_110, %add3A_194 : i32
      %dma_wait3A_196 = arith.constant 0 : i32
      %dma_wait3A_197 = tpu.memref_slice %arg7[%add3A_195, %dma_wait3A_196] : memref<125x80xi32, #tpu.memory_space<vmem>> -> memref<1x80xi32, #tpu.memory_space<vmem>>
      %dma_wait3A_198 = tpu.memref_squeeze %dma_wait3A_197 : memref<1x80xi32, #tpu.memory_space<vmem>> -> memref<80xi32, #tpu.memory_space<vmem>>
      %dma_wait3A_199 = arith.constant 0 : i32
      %dma_wait3A_200 = arith.constant 0 : i32
      %dma_wait3A_201 = tpu.memref_slice %arg9[%dma_wait3A_199, %dma_wait3A_200] : memref<10000x64xf32, #tpu.memory_space<vmem_shared>> -> memref<10000x64xf32, #tpu.memory_space<vmem_shared>>
      tpu.wait_indirect_dma semaphore(%arg21 : memref<!tpu.dma_semaphore, #tpu.memory_space<semaphore_mem>>) src(%arg11 : memref<80x64xf32, #tpu.memory_space<vmem>>) dst(%dma_wait3A_201 : memref<10000x64xf32, #tpu.memory_space<vmem_shared>>)
      %add3A_202 = arith.constant 5 : i32
      %add3A_203 = arith.addi %add3A_195, %add3A_202 : i32
      %lt3A_204 = arith.constant 125 : i32
      %lt3A_205 = arith.cmpi slt, %add3A_203, %lt3A_204 : i32
      %convert_element_type3A_206 = arith.extui %lt3A_205 : i1 to i32
      %cond3A_207 = arith.constant 0 : i32
      %cond3A_208 = arith.cmpi ne, %convert_element_type3A_206, %cond3A_207 : i32
      scf.if %cond3A_208 {
        %dma_start3A_255 = arith.constant 0 : i32
        %dma_start3A_256 = tpu.memref_slice %arg6[%add3A_203, %dma_start3A_255] : memref<125x80xi32, #tpu.memory_space<vmem>> -> memref<1x80xi32, #tpu.memory_space<vmem>>
        %dma_start3A_257 = tpu.memref_squeeze %dma_start3A_256 : memref<1x80xi32, #tpu.memory_space<vmem>> -> memref<80xi32, #tpu.memory_space<vmem>>
        %dma_start3A_258 = arith.constant 0 : i32
        %dma_start3A_259 = arith.constant 0 : i32
        %dma_start3A_260 = tpu.memref_slice %arg2[%dma_start3A_258, %dma_start3A_259] : memref<10000x64xf32, #tpu.memory_space<hbm>> -> memref<10000x64xf32, #tpu.memory_space<hbm>>
        tpu.enqueue_indirect_dma source(%dma_start3A_260 : memref<10000x64xf32, #tpu.memory_space<hbm>>) target(%arg11 : memref<80x64xf32, #tpu.memory_space<vmem>>) offsets(%dma_start3A_257 : memref<80xi32, #tpu.memory_space<vmem>>) semaphore(%arg16 : memref<!tpu.dma_semaphore, #tpu.memory_space<semaphore_mem>>)
      } else {
      }
      %add3A_209 = arith.constant 2 : i32
      %add3A_210 = arith.addi %mul3A_110, %add3A_209 : i32
      %dma_wait3A_211 = arith.constant 0 : i32
      %dma_wait3A_212 = tpu.memref_slice %arg7[%add3A_210, %dma_wait3A_211] : memref<125x80xi32, #tpu.memory_space<vmem>> -> memref<1x80xi32, #tpu.memory_space<vmem>>
      %dma_wait3A_213 = tpu.memref_squeeze %dma_wait3A_212 : memref<1x80xi32, #tpu.memory_space<vmem>> -> memref<80xi32, #tpu.memory_space<vmem>>
      %dma_wait3A_214 = arith.constant 0 : i32
      %dma_wait3A_215 = arith.constant 0 : i32
      %dma_wait3A_216 = tpu.memref_slice %arg9[%dma_wait3A_214, %dma_wait3A_215] : memref<10000x64xf32, #tpu.memory_space<vmem_shared>> -> memref<10000x64xf32, #tpu.memory_space<vmem_shared>>
      tpu.wait_indirect_dma semaphore(%arg22 : memref<!tpu.dma_semaphore, #tpu.memory_space<semaphore_mem>>) src(%arg12 : memref<80x64xf32, #tpu.memory_space<vmem>>) dst(%dma_wait3A_216 : memref<10000x64xf32, #tpu.memory_space<vmem_shared>>)
      %add3A_217 = arith.constant 5 : i32
      %add3A_218 = arith.addi %add3A_210, %add3A_217 : i32
      %lt3A_219 = arith.constant 125 : i32
      %lt3A_220 = arith.cmpi slt, %add3A_218, %lt3A_219 : i32
      %convert_element_type3A_221 = arith.extui %lt3A_220 : i1 to i32
      %cond3A_222 = arith.constant 0 : i32
      %cond3A_223 = arith.cmpi ne, %convert_element_type3A_221, %cond3A_222 : i32
      scf.if %cond3A_223 {
        %dma_start3A_255 = arith.constant 0 : i32
        %dma_start3A_256 = tpu.memref_slice %arg6[%add3A_218, %dma_start3A_255] : memref<125x80xi32, #tpu.memory_space<vmem>> -> memref<1x80xi32, #tpu.memory_space<vmem>>
        %dma_start3A_257 = tpu.memref_squeeze %dma_start3A_256 : memref<1x80xi32, #tpu.memory_space<vmem>> -> memref<80xi32, #tpu.memory_space<vmem>>
        %dma_start3A_258 = arith.constant 0 : i32
        %dma_start3A_259 = arith.constant 0 : i32
        %dma_start3A_260 = tpu.memref_slice %arg2[%dma_start3A_258, %dma_start3A_259] : memref<10000x64xf32, #tpu.memory_space<hbm>> -> memref<10000x64xf32, #tpu.memory_space<hbm>>
        tpu.enqueue_indirect_dma source(%dma_start3A_260 : memref<10000x64xf32, #tpu.memory_space<hbm>>) target(%arg12 : memref<80x64xf32, #tpu.memory_space<vmem>>) offsets(%dma_start3A_257 : memref<80xi32, #tpu.memory_space<vmem>>) semaphore(%arg17 : memref<!tpu.dma_semaphore, #tpu.memory_space<semaphore_mem>>)
      } else {
      }
      %add3A_224 = arith.constant 3 : i32
      %add3A_225 = arith.addi %mul3A_110, %add3A_224 : i32
      %dma_wait3A_226 = arith.constant 0 : i32
      %dma_wait3A_227 = tpu.memref_slice %arg7[%add3A_225, %dma_wait3A_226] : memref<125x80xi32, #tpu.memory_space<vmem>> -> memref<1x80xi32, #tpu.memory_space<vmem>>
      %dma_wait3A_228 = tpu.memref_squeeze %dma_wait3A_227 : memref<1x80xi32, #tpu.memory_space<vmem>> -> memref<80xi32, #tpu.memory_space<vmem>>
      %dma_wait3A_229 = arith.constant 0 : i32
      %dma_wait3A_230 = arith.constant 0 : i32
      %dma_wait3A_231 = tpu.memref_slice %arg9[%dma_wait3A_229, %dma_wait3A_230] : memref<10000x64xf32, #tpu.memory_space<vmem_shared>> -> memref<10000x64xf32, #tpu.memory_space<vmem_shared>>
      tpu.wait_indirect_dma semaphore(%arg23 : memref<!tpu.dma_semaphore, #tpu.memory_space<semaphore_mem>>) src(%arg13 : memref<80x64xf32, #tpu.memory_space<vmem>>) dst(%dma_wait3A_231 : memref<10000x64xf32, #tpu.memory_space<vmem_shared>>)
      %add3A_232 = arith.constant 5 : i32
      %add3A_233 = arith.addi %add3A_225, %add3A_232 : i32
      %lt3A_234 = arith.constant 125 : i32
      %lt3A_235 = arith.cmpi slt, %add3A_233, %lt3A_234 : i32
      %convert_element_type3A_236 = arith.extui %lt3A_235 : i1 to i32
      %cond3A_237 = arith.constant 0 : i32
      %cond3A_238 = arith.cmpi ne, %convert_element_type3A_236, %cond3A_237 : i32
      scf.if %cond3A_238 {
        %dma_start3A_255 = arith.constant 0 : i32
        %dma_start3A_256 = tpu.memref_slice %arg6[%add3A_233, %dma_start3A_255] : memref<125x80xi32, #tpu.memory_space<vmem>> -> memref<1x80xi32, #tpu.memory_space<vmem>>
        %dma_start3A_257 = tpu.memref_squeeze %dma_start3A_256 : memref<1x80xi32, #tpu.memory_space<vmem>> -> memref<80xi32, #tpu.memory_space<vmem>>
        %dma_start3A_258 = arith.constant 0 : i32
        %dma_start3A_259 = arith.constant 0 : i32
        %dma_start3A_260 = tpu.memref_slice %arg2[%dma_start3A_258, %dma_start3A_259] : memref<10000x64xf32, #tpu.memory_space<hbm>> -> memref<10000x64xf32, #tpu.memory_space<hbm>>
        tpu.enqueue_indirect_dma source(%dma_start3A_260 : memref<10000x64xf32, #tpu.memory_space<hbm>>) target(%arg13 : memref<80x64xf32, #tpu.memory_space<vmem>>) offsets(%dma_start3A_257 : memref<80xi32, #tpu.memory_space<vmem>>) semaphore(%arg18 : memref<!tpu.dma_semaphore, #tpu.memory_space<semaphore_mem>>)
      } else {
      }
      %add3A_239 = arith.constant 4 : i32
      %add3A_240 = arith.addi %mul3A_110, %add3A_239 : i32
      %dma_wait3A_241 = arith.constant 0 : i32
      %dma_wait3A_242 = tpu.memref_slice %arg7[%add3A_240, %dma_wait3A_241] : memref<125x80xi32, #tpu.memory_space<vmem>> -> memref<1x80xi32, #tpu.memory_space<vmem>>
      %dma_wait3A_243 = tpu.memref_squeeze %dma_wait3A_242 : memref<1x80xi32, #tpu.memory_space<vmem>> -> memref<80xi32, #tpu.memory_space<vmem>>
      %dma_wait3A_244 = arith.constant 0 : i32
      %dma_wait3A_245 = arith.constant 0 : i32
      %dma_wait3A_246 = tpu.memref_slice %arg9[%dma_wait3A_244, %dma_wait3A_245] : memref<10000x64xf32, #tpu.memory_space<vmem_shared>> -> memref<10000x64xf32, #tpu.memory_space<vmem_shared>>
      tpu.wait_indirect_dma semaphore(%arg24 : memref<!tpu.dma_semaphore, #tpu.memory_space<semaphore_mem>>) src(%arg14 : memref<80x64xf32, #tpu.memory_space<vmem>>) dst(%dma_wait3A_246 : memref<10000x64xf32, #tpu.memory_space<vmem_shared>>)
      %add3A_247 = arith.constant 5 : i32
      %add3A_248 = arith.addi %add3A_240, %add3A_247 : i32
      %lt3A_249 = arith.constant 125 : i32
      %lt3A_250 = arith.cmpi slt, %add3A_248, %lt3A_249 : i32
      %convert_element_type3A_251 = arith.extui %lt3A_250 : i1 to i32
      %cond3A_252 = arith.constant 0 : i32
      %cond3A_253 = arith.cmpi ne, %convert_element_type3A_251, %cond3A_252 : i32
      scf.if %cond3A_253 {
        %dma_start3A_255 = arith.constant 0 : i32
        %dma_start3A_256 = tpu.memref_slice %arg6[%add3A_248, %dma_start3A_255] : memref<125x80xi32, #tpu.memory_space<vmem>> -> memref<1x80xi32, #tpu.memory_space<vmem>>
        %dma_start3A_257 = tpu.memref_squeeze %dma_start3A_256 : memref<1x80xi32, #tpu.memory_space<vmem>> -> memref<80xi32, #tpu.memory_space<vmem>>
        %dma_start3A_258 = arith.constant 0 : i32
        %dma_start3A_259 = arith.constant 0 : i32
        %dma_start3A_260 = tpu.memref_slice %arg2[%dma_start3A_258, %dma_start3A_259] : memref<10000x64xf32, #tpu.memory_space<hbm>> -> memref<10000x64xf32, #tpu.memory_space<hbm>>
        tpu.enqueue_indirect_dma source(%dma_start3A_260 : memref<10000x64xf32, #tpu.memory_space<hbm>>) target(%arg14 : memref<80x64xf32, #tpu.memory_space<vmem>>) offsets(%dma_start3A_257 : memref<80xi32, #tpu.memory_space<vmem>>) semaphore(%arg19 : memref<!tpu.dma_semaphore, #tpu.memory_space<semaphore_mem>>)
      } else {
      }
      %scan3A_254 = arith.constant 0 : i32
      scf.yield %scan3A_254 : i32
    }
    %scan3A_76 = arith.constant 25 : i32
    %barrier3A_77 = arith.constant 0 : index
    tpu.barrier barrier_id(%barrier3A_77)
    %add3A_78 = arith.constant 0 : i32
    %add3A_79 = arith.addi %arg1, %add3A_78 : i32
    %mul3A_80 = arith.constant 104 : i32
    %mul3A_81 = arith.muli %add3A_79, %mul3A_80 : i32
    "tpu.region"() ({
      %run_scoped3A = tpu.sem_alloc : memref<!tpu.dma_semaphore, #tpu.memory_space<semaphore_mem>>
      %dma_start3A_107 = arith.constant 0 : i32
      %dma_start3A_108 = tpu.memref_slice %arg5[%arg0, %mul3A_81, %dma_start3A_107] : memref<2x10000x64xf32, #tpu.memory_space<hbm>> -> memref<1x104x64xf32, #tpu.memory_space<hbm>>
      %dma_start3A_109 = tpu.memref_squeeze %dma_start3A_108 : memref<1x104x64xf32, #tpu.memory_space<hbm>> -> memref<104x64xf32, #tpu.memory_space<hbm>>
      %dma_start3A_110 = arith.constant 0 : i32
      %dma_start3A_111 = tpu.memref_slice %arg9[%mul3A_81, %dma_start3A_110] : memref<10000x64xf32, #tpu.memory_space<vmem_shared>> -> memref<104x64xf32, #tpu.memory_space<vmem_shared>>
      tpu.enqueue_dma source(%dma_start3A_111 : memref<104x64xf32, #tpu.memory_space<vmem_shared>>) target(%dma_start3A_109 : memref<104x64xf32, #tpu.memory_space<hbm>>) target_semaphore(%run_scoped3A : memref<!tpu.dma_semaphore, #tpu.memory_space<semaphore_mem>>)
      %dma_wait3A = arith.constant 0 : i32
      %dma_wait3A_112 = tpu.memref_slice %arg5[%arg0, %mul3A_81, %dma_wait3A] : memref<2x10000x64xf32, #tpu.memory_space<hbm>> -> memref<1x104x64xf32, #tpu.memory_space<hbm>>
      %dma_wait3A_113 = tpu.memref_squeeze %dma_wait3A_112 : memref<1x104x64xf32, #tpu.memory_space<hbm>> -> memref<104x64xf32, #tpu.memory_space<hbm>>
      %dma_wait3A_114 = arith.constant 0 : i32
      %dma_wait3A_115 = tpu.memref_slice %arg9[%mul3A_81, %dma_wait3A_114] : memref<10000x64xf32, #tpu.memory_space<vmem_shared>> -> memref<104x64xf32, #tpu.memory_space<vmem_shared>>
      tpu.wait_dma2 semaphore(%run_scoped3A : memref<!tpu.dma_semaphore, #tpu.memory_space<semaphore_mem>>) src(%dma_wait3A_115 : memref<104x64xf32, #tpu.memory_space<vmem_shared>>) dst(%dma_wait3A_113 : memref<104x64xf32, #tpu.memory_space<hbm>>)
      tpu.yield
    }) : () -> ()
    %add3A_82 = arith.constant 16 : i32
    %add3A_83 = arith.addi %arg1, %add3A_82 : i32
    %mul3A_84 = arith.constant 104 : i32
    %mul3A_85 = arith.muli %add3A_83, %mul3A_84 : i32
    "tpu.region"() ({
      %run_scoped3A = tpu.sem_alloc : memref<!tpu.dma_semaphore, #tpu.memory_space<semaphore_mem>>
      %dma_start3A_107 = arith.constant 0 : i32
      %dma_start3A_108 = tpu.memref_slice %arg5[%arg0, %mul3A_85, %dma_start3A_107] : memref<2x10000x64xf32, #tpu.memory_space<hbm>> -> memref<1x104x64xf32, #tpu.memory_space<hbm>>
      %dma_start3A_109 = tpu.memref_squeeze %dma_start3A_108 : memref<1x104x64xf32, #tpu.memory_space<hbm>> -> memref<104x64xf32, #tpu.memory_space<hbm>>
      %dma_start3A_110 = arith.constant 0 : i32
      %dma_start3A_111 = tpu.memref_slice %arg9[%mul3A_85, %dma_start3A_110] : memref<10000x64xf32, #tpu.memory_space<vmem_shared>> -> memref<104x64xf32, #tpu.memory_space<vmem_shared>>
      tpu.enqueue_dma source(%dma_start3A_111 : memref<104x64xf32, #tpu.memory_space<vmem_shared>>) target(%dma_start3A_109 : memref<104x64xf32, #tpu.memory_space<hbm>>) target_semaphore(%run_scoped3A : memref<!tpu.dma_semaphore, #tpu.memory_space<semaphore_mem>>)
      %dma_wait3A = arith.constant 0 : i32
      %dma_wait3A_112 = tpu.memref_slice %arg5[%arg0, %mul3A_85, %dma_wait3A] : memref<2x10000x64xf32, #tpu.memory_space<hbm>> -> memref<1x104x64xf32, #tpu.memory_space<hbm>>
      %dma_wait3A_113 = tpu.memref_squeeze %dma_wait3A_112 : memref<1x104x64xf32, #tpu.memory_space<hbm>> -> memref<104x64xf32, #tpu.memory_space<hbm>>
      %dma_wait3A_114 = arith.constant 0 : i32
      %dma_wait3A_115 = tpu.memref_slice %arg9[%mul3A_85, %dma_wait3A_114] : memref<10000x64xf32, #tpu.memory_space<vmem_shared>> -> memref<104x64xf32, #tpu.memory_space<vmem_shared>>
      tpu.wait_dma2 semaphore(%run_scoped3A : memref<!tpu.dma_semaphore, #tpu.memory_space<semaphore_mem>>) src(%dma_wait3A_115 : memref<104x64xf32, #tpu.memory_space<vmem_shared>>) dst(%dma_wait3A_113 : memref<104x64xf32, #tpu.memory_space<hbm>>)
      tpu.yield
    }) : () -> ()
    %add3A_86 = arith.constant 32 : i32
    %add3A_87 = arith.addi %arg1, %add3A_86 : i32
    %mul3A_88 = arith.constant 104 : i32
    %mul3A_89 = arith.muli %add3A_87, %mul3A_88 : i32
    "tpu.region"() ({
      %run_scoped3A = tpu.sem_alloc : memref<!tpu.dma_semaphore, #tpu.memory_space<semaphore_mem>>
      %dma_start3A_107 = arith.constant 0 : i32
      %dma_start3A_108 = tpu.memref_slice %arg5[%arg0, %mul3A_89, %dma_start3A_107] : memref<2x10000x64xf32, #tpu.memory_space<hbm>> -> memref<1x104x64xf32, #tpu.memory_space<hbm>>
      %dma_start3A_109 = tpu.memref_squeeze %dma_start3A_108 : memref<1x104x64xf32, #tpu.memory_space<hbm>> -> memref<104x64xf32, #tpu.memory_space<hbm>>
      %dma_start3A_110 = arith.constant 0 : i32
      %dma_start3A_111 = tpu.memref_slice %arg9[%mul3A_89, %dma_start3A_110] : memref<10000x64xf32, #tpu.memory_space<vmem_shared>> -> memref<104x64xf32, #tpu.memory_space<vmem_shared>>
      tpu.enqueue_dma source(%dma_start3A_111 : memref<104x64xf32, #tpu.memory_space<vmem_shared>>) target(%dma_start3A_109 : memref<104x64xf32, #tpu.memory_space<hbm>>) target_semaphore(%run_scoped3A : memref<!tpu.dma_semaphore, #tpu.memory_space<semaphore_mem>>)
      %dma_wait3A = arith.constant 0 : i32
      %dma_wait3A_112 = tpu.memref_slice %arg5[%arg0, %mul3A_89, %dma_wait3A] : memref<2x10000x64xf32, #tpu.memory_space<hbm>> -> memref<1x104x64xf32, #tpu.memory_space<hbm>>
      %dma_wait3A_113 = tpu.memref_squeeze %dma_wait3A_112 : memref<1x104x64xf32, #tpu.memory_space<hbm>> -> memref<104x64xf32, #tpu.memory_space<hbm>>
      %dma_wait3A_114 = arith.constant 0 : i32
      %dma_wait3A_115 = tpu.memref_slice %arg9[%mul3A_89, %dma_wait3A_114] : memref<10000x64xf32, #tpu.memory_space<vmem_shared>> -> memref<104x64xf32, #tpu.memory_space<vmem_shared>>
      tpu.wait_dma2 semaphore(%run_scoped3A : memref<!tpu.dma_semaphore, #tpu.memory_space<semaphore_mem>>) src(%dma_wait3A_115 : memref<104x64xf32, #tpu.memory_space<vmem_shared>>) dst(%dma_wait3A_113 : memref<104x64xf32, #tpu.memory_space<hbm>>)
      tpu.yield
    }) : () -> ()
    %add3A_90 = arith.constant 48 : i32
    %add3A_91 = arith.addi %arg1, %add3A_90 : i32
    %mul3A_92 = arith.constant 104 : i32
    %mul3A_93 = arith.muli %add3A_91, %mul3A_92 : i32
    "tpu.region"() ({
      %run_scoped3A = tpu.sem_alloc : memref<!tpu.dma_semaphore, #tpu.memory_space<semaphore_mem>>
      %dma_start3A_107 = arith.constant 0 : i32
      %dma_start3A_108 = tpu.memref_slice %arg5[%arg0, %mul3A_93, %dma_start3A_107] : memref<2x10000x64xf32, #tpu.memory_space<hbm>> -> memref<1x104x64xf32, #tpu.memory_space<hbm>>
      %dma_start3A_109 = tpu.memref_squeeze %dma_start3A_108 : memref<1x104x64xf32, #tpu.memory_space<hbm>> -> memref<104x64xf32, #tpu.memory_space<hbm>>
      %dma_start3A_110 = arith.constant 0 : i32
      %dma_start3A_111 = tpu.memref_slice %arg9[%mul3A_93, %dma_start3A_110] : memref<10000x64xf32, #tpu.memory_space<vmem_shared>> -> memref<104x64xf32, #tpu.memory_space<vmem_shared>>
      tpu.enqueue_dma source(%dma_start3A_111 : memref<104x64xf32, #tpu.memory_space<vmem_shared>>) target(%dma_start3A_109 : memref<104x64xf32, #tpu.memory_space<hbm>>) target_semaphore(%run_scoped3A : memref<!tpu.dma_semaphore, #tpu.memory_space<semaphore_mem>>)
      %dma_wait3A = arith.constant 0 : i32
      %dma_wait3A_112 = tpu.memref_slice %arg5[%arg0, %mul3A_93, %dma_wait3A] : memref<2x10000x64xf32, #tpu.memory_space<hbm>> -> memref<1x104x64xf32, #tpu.memory_space<hbm>>
      %dma_wait3A_113 = tpu.memref_squeeze %dma_wait3A_112 : memref<1x104x64xf32, #tpu.memory_space<hbm>> -> memref<104x64xf32, #tpu.memory_space<hbm>>
      %dma_wait3A_114 = arith.constant 0 : i32
      %dma_wait3A_115 = tpu.memref_slice %arg9[%mul3A_93, %dma_wait3A_114] : memref<10000x64xf32, #tpu.memory_space<vmem_shared>> -> memref<104x64xf32, #tpu.memory_space<vmem_shared>>
      tpu.wait_dma2 semaphore(%run_scoped3A : memref<!tpu.dma_semaphore, #tpu.memory_space<semaphore_mem>>) src(%dma_wait3A_115 : memref<104x64xf32, #tpu.memory_space<vmem_shared>>) dst(%dma_wait3A_113 : memref<104x64xf32, #tpu.memory_space<hbm>>)
      tpu.yield
    }) : () -> ()
    %add3A_94 = arith.constant 64 : i32
    %add3A_95 = arith.addi %arg1, %add3A_94 : i32
    %mul3A_96 = arith.constant 104 : i32
    %mul3A_97 = arith.muli %add3A_95, %mul3A_96 : i32
    "tpu.region"() ({
      %run_scoped3A = tpu.sem_alloc : memref<!tpu.dma_semaphore, #tpu.memory_space<semaphore_mem>>
      %dma_start3A_107 = arith.constant 0 : i32
      %dma_start3A_108 = tpu.memref_slice %arg5[%arg0, %mul3A_97, %dma_start3A_107] : memref<2x10000x64xf32, #tpu.memory_space<hbm>> -> memref<1x104x64xf32, #tpu.memory_space<hbm>>
      %dma_start3A_109 = tpu.memref_squeeze %dma_start3A_108 : memref<1x104x64xf32, #tpu.memory_space<hbm>> -> memref<104x64xf32, #tpu.memory_space<hbm>>
      %dma_start3A_110 = arith.constant 0 : i32
      %dma_start3A_111 = tpu.memref_slice %arg9[%mul3A_97, %dma_start3A_110] : memref<10000x64xf32, #tpu.memory_space<vmem_shared>> -> memref<104x64xf32, #tpu.memory_space<vmem_shared>>
      tpu.enqueue_dma source(%dma_start3A_111 : memref<104x64xf32, #tpu.memory_space<vmem_shared>>) target(%dma_start3A_109 : memref<104x64xf32, #tpu.memory_space<hbm>>) target_semaphore(%run_scoped3A : memref<!tpu.dma_semaphore, #tpu.memory_space<semaphore_mem>>)
      %dma_wait3A = arith.constant 0 : i32
      %dma_wait3A_112 = tpu.memref_slice %arg5[%arg0, %mul3A_97, %dma_wait3A] : memref<2x10000x64xf32, #tpu.memory_space<hbm>> -> memref<1x104x64xf32, #tpu.memory_space<hbm>>
      %dma_wait3A_113 = tpu.memref_squeeze %dma_wait3A_112 : memref<1x104x64xf32, #tpu.memory_space<hbm>> -> memref<104x64xf32, #tpu.memory_space<hbm>>
      %dma_wait3A_114 = arith.constant 0 : i32
      %dma_wait3A_115 = tpu.memref_slice %arg9[%mul3A_97, %dma_wait3A_114] : memref<10000x64xf32, #tpu.memory_space<vmem_shared>> -> memref<104x64xf32, #tpu.memory_space<vmem_shared>>
      tpu.wait_dma2 semaphore(%run_scoped3A : memref<!tpu.dma_semaphore, #tpu.memory_space<semaphore_mem>>) src(%dma_wait3A_115 : memref<104x64xf32, #tpu.memory_space<vmem_shared>>) dst(%dma_wait3A_113 : memref<104x64xf32, #tpu.memory_space<hbm>>)
      tpu.yield
    }) : () -> ()
    %add3A_98 = arith.constant 80 : i32
    %add3A_99 = arith.addi %arg1, %add3A_98 : i32
    %mul3A_100 = arith.constant 104 : i32
    %mul3A_101 = arith.muli %add3A_99, %mul3A_100 : i32
    "tpu.region"() ({
      %run_scoped3A = tpu.sem_alloc : memref<!tpu.dma_semaphore, #tpu.memory_space<semaphore_mem>>
      %dma_start3A_107 = arith.constant 0 : i32
      %dma_start3A_108 = tpu.memref_slice %arg5[%arg0, %mul3A_101, %dma_start3A_107] : memref<2x10000x64xf32, #tpu.memory_space<hbm>> -> memref<1x104x64xf32, #tpu.memory_space<hbm>>
      %dma_start3A_109 = tpu.memref_squeeze %dma_start3A_108 : memref<1x104x64xf32, #tpu.memory_space<hbm>> -> memref<104x64xf32, #tpu.memory_space<hbm>>
      %dma_start3A_110 = arith.constant 0 : i32
      %dma_start3A_111 = tpu.memref_slice %arg9[%mul3A_101, %dma_start3A_110] : memref<10000x64xf32, #tpu.memory_space<vmem_shared>> -> memref<104x64xf32, #tpu.memory_space<vmem_shared>>
      tpu.enqueue_dma source(%dma_start3A_111 : memref<104x64xf32, #tpu.memory_space<vmem_shared>>) target(%dma_start3A_109 : memref<104x64xf32, #tpu.memory_space<hbm>>) target_semaphore(%run_scoped3A : memref<!tpu.dma_semaphore, #tpu.memory_space<semaphore_mem>>)
      %dma_wait3A = arith.constant 0 : i32
      %dma_wait3A_112 = tpu.memref_slice %arg5[%arg0, %mul3A_101, %dma_wait3A] : memref<2x10000x64xf32, #tpu.memory_space<hbm>> -> memref<1x104x64xf32, #tpu.memory_space<hbm>>
      %dma_wait3A_113 = tpu.memref_squeeze %dma_wait3A_112 : memref<1x104x64xf32, #tpu.memory_space<hbm>> -> memref<104x64xf32, #tpu.memory_space<hbm>>
      %dma_wait3A_114 = arith.constant 0 : i32
      %dma_wait3A_115 = tpu.memref_slice %arg9[%mul3A_101, %dma_wait3A_114] : memref<10000x64xf32, #tpu.memory_space<vmem_shared>> -> memref<104x64xf32, #tpu.memory_space<vmem_shared>>
      tpu.wait_dma2 semaphore(%run_scoped3A : memref<!tpu.dma_semaphore, #tpu.memory_space<semaphore_mem>>) src(%dma_wait3A_115 : memref<104x64xf32, #tpu.memory_space<vmem_shared>>) dst(%dma_wait3A_113 : memref<104x64xf32, #tpu.memory_space<hbm>>)
      tpu.yield
    }) : () -> ()
    %eq3A_102 = arith.constant 0 : i32
    %eq3A_103 = arith.cmpi eq, %arg1, %eq3A_102 : i32
    %convert_element_type3A_104 = arith.extui %eq3A_103 : i1 to i32
    %cond3A_105 = arith.constant 0 : i32
    %cond3A_106 = arith.cmpi ne, %convert_element_type3A_104, %cond3A_105 : i32
    scf.if %cond3A_106 {
      "tpu.region"() ({
        %run_scoped3A = tpu.sem_alloc : memref<!tpu.dma_semaphore, #tpu.memory_space<semaphore_mem>>
        %dma_start3A_107 = arith.constant 9984 : i32
        %dma_start3A_108 = arith.constant 0 : i32
        %dma_start3A_109 = tpu.memref_slice %arg5[%arg0, %dma_start3A_107, %dma_start3A_108] : memref<2x10000x64xf32, #tpu.memory_space<hbm>> -> memref<1x16x64xf32, #tpu.memory_space<hbm>>
        %dma_start3A_110 = tpu.memref_squeeze %dma_start3A_109 : memref<1x16x64xf32, #tpu.memory_space<hbm>> -> memref<16x64xf32, #tpu.memory_space<hbm>>
        %dma_start3A_111 = arith.constant 9984 : i32
        %dma_start3A_112 = arith.constant 0 : i32
        %dma_start3A_113 = tpu.memref_slice %arg9[%dma_start3A_111, %dma_start3A_112] : memref<10000x64xf32, #tpu.memory_space<vmem_shared>> -> memref<16x64xf32, #tpu.memory_space<vmem_shared>>
        tpu.enqueue_dma source(%dma_start3A_113 : memref<16x64xf32, #tpu.memory_space<vmem_shared>>) target(%dma_start3A_110 : memref<16x64xf32, #tpu.memory_space<hbm>>) target_semaphore(%run_scoped3A : memref<!tpu.dma_semaphore, #tpu.memory_space<semaphore_mem>>)
        %dma_wait3A = arith.constant 9984 : i32
        %dma_wait3A_114 = arith.constant 0 : i32
        %dma_wait3A_115 = tpu.memref_slice %arg5[%arg0, %dma_wait3A, %dma_wait3A_114] : memref<2x10000x64xf32, #tpu.memory_space<hbm>> -> memref<1x16x64xf32, #tpu.memory_space<hbm>>
        %dma_wait3A_116 = tpu.memref_squeeze %dma_wait3A_115 : memref<1x16x64xf32, #tpu.memory_space<hbm>> -> memref<16x64xf32, #tpu.memory_space<hbm>>
        %dma_wait3A_117 = arith.constant 9984 : i32
        %dma_wait3A_118 = arith.constant 0 : i32
        %dma_wait3A_119 = tpu.memref_slice %arg9[%dma_wait3A_117, %dma_wait3A_118] : memref<10000x64xf32, #tpu.memory_space<vmem_shared>> -> memref<16x64xf32, #tpu.memory_space<vmem_shared>>
        tpu.wait_dma2 semaphore(%run_scoped3A : memref<!tpu.dma_semaphore, #tpu.memory_space<semaphore_mem>>) src(%dma_wait3A_119 : memref<16x64xf32, #tpu.memory_space<vmem_shared>>) dst(%dma_wait3A_116 : memref<16x64xf32, #tpu.memory_space<hbm>>)
        tpu.yield
      }) : () -> ()
    } else {
    }
    return
  }
}

#map = affine_map<(d0, d1) -> (0, 0, 0)>
#map1 = affine_map<(d0, d1) -> (0, 0)>
module attributes {stable_mosaic.version = 14 : i64} {
  func.func @body(%arg0: i32, %arg1: i32, %arg2: memref<2x10000x64xf32, #tpu.memory_space<hbm>>, %arg3: memref<4000x80xi32, #tpu.memory_space<hbm>>, %arg4: memref<4000x80xi32, #tpu.memory_space<hbm>>, %arg5: memref<2x10000x64xf32, #tpu.memory_space<hbm>>, %arg6: memref<2x10000x16xf32, #tpu.memory_space<hbm>>, %arg7: memref<250x80xi32, #tpu.memory_space<vmem>>, %arg8: memref<250x80xi32, #tpu.memory_space<vmem>>, %arg9: memref<104x64xf32, #tpu.memory_space<vmem>>, %arg10: memref<10000x64xf32, #tpu.memory_space<vmem_shared>>, %arg11: memref<80x64xf32, #tpu.memory_space<vmem>>, %arg12: memref<80x64xf32, #tpu.memory_space<vmem>>, %arg13: memref<80x64xf32, #tpu.memory_space<vmem>>, %arg14: memref<80x64xf32, #tpu.memory_space<vmem>>, %arg15: memref<80x64xf32, #tpu.memory_space<vmem>>, %arg16: memref<!tpu.dma_semaphore, #tpu.memory_space<semaphore_mem>>, %arg17: memref<!tpu.dma_semaphore, #tpu.memory_space<semaphore_mem>>, %arg18: memref<!tpu.dma_semaphore, #tpu.memory_space<semaphore_mem>>, %arg19: memref<!tpu.dma_semaphore, #tpu.memory_space<semaphore_mem>>, %arg20: memref<!tpu.dma_semaphore, #tpu.memory_space<semaphore_mem>>, %arg21: memref<!tpu.dma_semaphore, #tpu.memory_space<semaphore_mem>>, %arg22: memref<!tpu.dma_semaphore, #tpu.memory_space<semaphore_mem>>, %arg23: memref<!tpu.dma_semaphore, #tpu.memory_space<semaphore_mem>>, %arg24: memref<!tpu.dma_semaphore, #tpu.memory_space<semaphore_mem>>, %arg25: memref<!tpu.dma_semaphore, #tpu.memory_space<semaphore_mem>>, %arg26: memref<80x16xf32, #tpu.memory_space<vmem>>, %arg27: memref<104x16xf32, #tpu.memory_space<vmem>>, %arg28: memref<10000x16xf32, #tpu.memory_space<vmem_shared>>, %arg29: memref<!tpu.dma_semaphore, #tpu.memory_space<semaphore_mem>>, %arg30: memref<!tpu.dma_semaphore, #tpu.memory_space<semaphore_mem>>, %arg31: memref<!tpu.dma_semaphore, #tpu.memory_space<semaphore_mem>>, %arg32: memref<!tpu.dma_semaphore, #tpu.memory_space<semaphore_mem>>, %arg33: memref<!tpu.dma_semaphore, #tpu.memory_space<semaphore_mem>>) attributes {dimension_semantics = [#tpu.dimension_semantics<core_parallel>, #tpu.dimension_semantics<subcore_parallel>], iteration_bounds = array<i64: 2, 16>, scalar_prefetch = 0 : i64, scratch_operands = 27 : i64, tpu.core_type = #tpu.core_type<sc_vector_subcore>, window_params = [{transform_indices = #map}, {transform_indices = #map1}, {transform_indices = #map1}, {transform_indices = #map}, {transform_indices = #map}]} {
    %broadcast_in_dim3A = arith.constant 0.000000e+00 : f32
    %broadcast_in_dim3A_0 = vector.broadcast %broadcast_in_dim3A : f32 to vector<16xf32>
    %mul3A = arith.constant 250 : i32
    %mul3A_1 = arith.muli %arg1, %mul3A : i32
    "tpu.region"() ({
      %run_scoped3A = tpu.sem_alloc : memref<!tpu.dma_semaphore, #tpu.memory_space<semaphore_mem>>
      %dma_start3A_198 = arith.constant 0 : i32
      %dma_start3A_199 = tpu.memref_slice %arg3[%mul3A_1, %dma_start3A_198] : memref<4000x80xi32, #tpu.memory_space<hbm>> -> memref<250x80xi32, #tpu.memory_space<hbm>>
      %dma_start3A_200 = arith.constant 0 : i32
      %dma_start3A_201 = tpu.memref_slice %arg3[%mul3A_1, %dma_start3A_200] : memref<4000x80xi32, #tpu.memory_space<hbm>> -> memref<250x80xi32, #tpu.memory_space<hbm>>
      tpu.enqueue_dma source(%dma_start3A_201 : memref<250x80xi32, #tpu.memory_space<hbm>>) target(%arg7 : memref<250x80xi32, #tpu.memory_space<vmem>>) target_semaphore(%run_scoped3A : memref<!tpu.dma_semaphore, #tpu.memory_space<semaphore_mem>>)
      %dma_wait3A = arith.constant 0 : i32
      %dma_wait3A_202 = tpu.memref_slice %arg3[%mul3A_1, %dma_wait3A] : memref<4000x80xi32, #tpu.memory_space<hbm>> -> memref<250x80xi32, #tpu.memory_space<hbm>>
      %dma_wait3A_203 = arith.constant 0 : i32
      %dma_wait3A_204 = tpu.memref_slice %arg3[%mul3A_1, %dma_wait3A_203] : memref<4000x80xi32, #tpu.memory_space<hbm>> -> memref<250x80xi32, #tpu.memory_space<hbm>>
      tpu.wait_dma2 semaphore(%run_scoped3A : memref<!tpu.dma_semaphore, #tpu.memory_space<semaphore_mem>>) src(%dma_wait3A_204 : memref<250x80xi32, #tpu.memory_space<hbm>>) dst(%arg7 : memref<250x80xi32, #tpu.memory_space<vmem>>)
      tpu.yield
    }) : () -> ()
    "tpu.region"() ({
      %run_scoped3A = tpu.sem_alloc : memref<!tpu.dma_semaphore, #tpu.memory_space<semaphore_mem>>
      %dma_start3A_198 = arith.constant 0 : i32
      %dma_start3A_199 = tpu.memref_slice %arg4[%mul3A_1, %dma_start3A_198] : memref<4000x80xi32, #tpu.memory_space<hbm>> -> memref<250x80xi32, #tpu.memory_space<hbm>>
      %dma_start3A_200 = arith.constant 0 : i32
      %dma_start3A_201 = tpu.memref_slice %arg4[%mul3A_1, %dma_start3A_200] : memref<4000x80xi32, #tpu.memory_space<hbm>> -> memref<250x80xi32, #tpu.memory_space<hbm>>
      tpu.enqueue_dma source(%dma_start3A_201 : memref<250x80xi32, #tpu.memory_space<hbm>>) target(%arg8 : memref<250x80xi32, #tpu.memory_space<vmem>>) target_semaphore(%run_scoped3A : memref<!tpu.dma_semaphore, #tpu.memory_space<semaphore_mem>>)
      %dma_wait3A = arith.constant 0 : i32
      %dma_wait3A_202 = tpu.memref_slice %arg4[%mul3A_1, %dma_wait3A] : memref<4000x80xi32, #tpu.memory_space<hbm>> -> memref<250x80xi32, #tpu.memory_space<hbm>>
      %dma_wait3A_203 = arith.constant 0 : i32
      %dma_wait3A_204 = tpu.memref_slice %arg4[%mul3A_1, %dma_wait3A_203] : memref<4000x80xi32, #tpu.memory_space<hbm>> -> memref<250x80xi32, #tpu.memory_space<hbm>>
      tpu.wait_dma2 semaphore(%run_scoped3A : memref<!tpu.dma_semaphore, #tpu.memory_space<semaphore_mem>>) src(%dma_wait3A_204 : memref<250x80xi32, #tpu.memory_space<hbm>>) dst(%arg8 : memref<250x80xi32, #tpu.memory_space<vmem>>)
      tpu.yield
    }) : () -> ()
    %scan3A = arith.constant 0 : i32
    %scan3A_2 = arith.constant 0 : i32
    %scan3A_3 = arith.constant 104 : i32
    %scan3A_4 = arith.addi %scan3A_2, %scan3A_3 : i32
    %scan3A_5 = arith.constant 1 : i32
    %scan3A_6 = scf.for %scan3A_198 = %scan3A_2 to %scan3A_4 step %scan3A_5 iter_args(%scan3A_199 = %scan3A) -> (i32)  : i32 {
      %swap3A = arith.index_cast %scan3A_198 : i32 to index
      %swap3A_200 = arith.constant 0 : index
      %swap3A_201 = tpu.vector_load %arg9[%swap3A, %swap3A_200] {strides = array<i32>} : memref<104x64xf32, #tpu.memory_space<vmem>>, vector<1x16xf32>,
      %swap3A_202 = vector.shape_cast %swap3A_201 : vector<1x16xf32> to vector<16xf32>
      %swap3A_203 = vector.shape_cast %broadcast_in_dim3A_0 : vector<16xf32> to vector<1x16xf32>
      tpu.vector_store %arg9[%swap3A, %swap3A_200], %swap3A_203 {strides = array<i32>} : memref<104x64xf32, #tpu.memory_space<vmem>>, vector<1x16xf32>,
      %swap3A_204 = arith.index_cast %scan3A_198 : i32 to index
      %swap3A_205 = arith.constant 16 : index
      %swap3A_206 = tpu.vector_load %arg9[%swap3A_204, %swap3A_205] {strides = array<i32>} : memref<104x64xf32, #tpu.memory_space<vmem>>, vector<1x16xf32>,
      %swap3A_207 = vector.shape_cast %swap3A_206 : vector<1x16xf32> to vector<16xf32>
      %swap3A_208 = vector.shape_cast %broadcast_in_dim3A_0 : vector<16xf32> to vector<1x16xf32>
      tpu.vector_store %arg9[%swap3A_204, %swap3A_205], %swap3A_208 {strides = array<i32>} : memref<104x64xf32, #tpu.memory_space<vmem>>, vector<1x16xf32>,
      %swap3A_209 = arith.index_cast %scan3A_198 : i32 to index
      %swap3A_210 = arith.constant 32 : index
      %swap3A_211 = tpu.vector_load %arg9[%swap3A_209, %swap3A_210] {strides = array<i32>} : memref<104x64xf32, #tpu.memory_space<vmem>>, vector<1x16xf32>,
      %swap3A_212 = vector.shape_cast %swap3A_211 : vector<1x16xf32> to vector<16xf32>
      %swap3A_213 = vector.shape_cast %broadcast_in_dim3A_0 : vector<16xf32> to vector<1x16xf32>
      tpu.vector_store %arg9[%swap3A_209, %swap3A_210], %swap3A_213 {strides = array<i32>} : memref<104x64xf32, #tpu.memory_space<vmem>>, vector<1x16xf32>,
      %swap3A_214 = arith.index_cast %scan3A_198 : i32 to index
      %swap3A_215 = arith.constant 48 : index
      %swap3A_216 = tpu.vector_load %arg9[%swap3A_214, %swap3A_215] {strides = array<i32>} : memref<104x64xf32, #tpu.memory_space<vmem>>, vector<1x16xf32>,
      %swap3A_217 = vector.shape_cast %swap3A_216 : vector<1x16xf32> to vector<16xf32>
      %swap3A_218 = vector.shape_cast %broadcast_in_dim3A_0 : vector<16xf32> to vector<1x16xf32>
      tpu.vector_store %arg9[%swap3A_214, %swap3A_215], %swap3A_218 {strides = array<i32>} : memref<104x64xf32, #tpu.memory_space<vmem>>, vector<1x16xf32>,
      %scan3A_219 = arith.constant 0 : i32
      scf.yield %scan3A_219 : i32
    }
    %scan3A_7 = arith.constant 104 : i32
    %add3A = arith.constant 0 : i32
    %add3A_8 = arith.addi %arg1, %add3A : i32
    %mul3A_9 = arith.constant 104 : i32
    %mul3A_10 = arith.muli %add3A_8, %mul3A_9 : i32
    "tpu.region"() ({
      %run_scoped3A = tpu.sem_alloc : memref<!tpu.dma_semaphore, #tpu.memory_space<semaphore_mem>>
      %dma_start3A_198 = arith.constant 0 : i32
      %dma_start3A_199 = tpu.memref_slice %arg10[%mul3A_10, %dma_start3A_198] : memref<10000x64xf32, #tpu.memory_space<vmem_shared>> -> memref<104x64xf32, #tpu.memory_space<vmem_shared>>
      %dma_start3A_200 = arith.constant 0 : i32
      %dma_start3A_201 = tpu.memref_slice %arg10[%mul3A_10, %dma_start3A_200] : memref<10000x64xf32, #tpu.memory_space<vmem_shared>> -> memref<104x64xf32, #tpu.memory_space<vmem_shared>>
      tpu.enqueue_dma source(%arg9 : memref<104x64xf32, #tpu.memory_space<vmem>>) target(%dma_start3A_201 : memref<104x64xf32, #tpu.memory_space<vmem_shared>>) target_semaphore(%run_scoped3A : memref<!tpu.dma_semaphore, #tpu.memory_space<semaphore_mem>>)
      %dma_wait3A = arith.constant 0 : i32
      %dma_wait3A_202 = tpu.memref_slice %arg10[%mul3A_10, %dma_wait3A] : memref<10000x64xf32, #tpu.memory_space<vmem_shared>> -> memref<104x64xf32, #tpu.memory_space<vmem_shared>>
      %dma_wait3A_203 = arith.constant 0 : i32
      %dma_wait3A_204 = tpu.memref_slice %arg10[%mul3A_10, %dma_wait3A_203] : memref<10000x64xf32, #tpu.memory_space<vmem_shared>> -> memref<104x64xf32, #tpu.memory_space<vmem_shared>>
      tpu.wait_dma2 semaphore(%run_scoped3A : memref<!tpu.dma_semaphore, #tpu.memory_space<semaphore_mem>>) src(%arg9 : memref<104x64xf32, #tpu.memory_space<vmem>>) dst(%dma_wait3A_204 : memref<104x64xf32, #tpu.memory_space<vmem_shared>>)
      tpu.yield
    }) : () -> ()
    %add3A_11 = arith.constant 16 : i32
    %add3A_12 = arith.addi %arg1, %add3A_11 : i32
    %mul3A_13 = arith.constant 104 : i32
    %mul3A_14 = arith.muli %add3A_12, %mul3A_13 : i32
    "tpu.region"() ({
      %run_scoped3A = tpu.sem_alloc : memref<!tpu.dma_semaphore, #tpu.memory_space<semaphore_mem>>
      %dma_start3A_198 = arith.constant 0 : i32
      %dma_start3A_199 = tpu.memref_slice %arg10[%mul3A_14, %dma_start3A_198] : memref<10000x64xf32, #tpu.memory_space<vmem_shared>> -> memref<104x64xf32, #tpu.memory_space<vmem_shared>>
      %dma_start3A_200 = arith.constant 0 : i32
      %dma_start3A_201 = tpu.memref_slice %arg10[%mul3A_14, %dma_start3A_200] : memref<10000x64xf32, #tpu.memory_space<vmem_shared>> -> memref<104x64xf32, #tpu.memory_space<vmem_shared>>
      tpu.enqueue_dma source(%arg9 : memref<104x64xf32, #tpu.memory_space<vmem>>) target(%dma_start3A_201 : memref<104x64xf32, #tpu.memory_space<vmem_shared>>) target_semaphore(%run_scoped3A : memref<!tpu.dma_semaphore, #tpu.memory_space<semaphore_mem>>)
      %dma_wait3A = arith.constant 0 : i32
      %dma_wait3A_202 = tpu.memref_slice %arg10[%mul3A_14, %dma_wait3A] : memref<10000x64xf32, #tpu.memory_space<vmem_shared>> -> memref<104x64xf32, #tpu.memory_space<vmem_shared>>
      %dma_wait3A_203 = arith.constant 0 : i32
      %dma_wait3A_204 = tpu.memref_slice %arg10[%mul3A_14, %dma_wait3A_203] : memref<10000x64xf32, #tpu.memory_space<vmem_shared>> -> memref<104x64xf32, #tpu.memory_space<vmem_shared>>
      tpu.wait_dma2 semaphore(%run_scoped3A : memref<!tpu.dma_semaphore, #tpu.memory_space<semaphore_mem>>) src(%arg9 : memref<104x64xf32, #tpu.memory_space<vmem>>) dst(%dma_wait3A_204 : memref<104x64xf32, #tpu.memory_space<vmem_shared>>)
      tpu.yield
    }) : () -> ()
    %add3A_15 = arith.constant 32 : i32
    %add3A_16 = arith.addi %arg1, %add3A_15 : i32
    %mul3A_17 = arith.constant 104 : i32
    %mul3A_18 = arith.muli %add3A_16, %mul3A_17 : i32
    "tpu.region"() ({
      %run_scoped3A = tpu.sem_alloc : memref<!tpu.dma_semaphore, #tpu.memory_space<semaphore_mem>>
      %dma_start3A_198 = arith.constant 0 : i32
      %dma_start3A_199 = tpu.memref_slice %arg10[%mul3A_18, %dma_start3A_198] : memref<10000x64xf32, #tpu.memory_space<vmem_shared>> -> memref<104x64xf32, #tpu.memory_space<vmem_shared>>
      %dma_start3A_200 = arith.constant 0 : i32
      %dma_start3A_201 = tpu.memref_slice %arg10[%mul3A_18, %dma_start3A_200] : memref<10000x64xf32, #tpu.memory_space<vmem_shared>> -> memref<104x64xf32, #tpu.memory_space<vmem_shared>>
      tpu.enqueue_dma source(%arg9 : memref<104x64xf32, #tpu.memory_space<vmem>>) target(%dma_start3A_201 : memref<104x64xf32, #tpu.memory_space<vmem_shared>>) target_semaphore(%run_scoped3A : memref<!tpu.dma_semaphore, #tpu.memory_space<semaphore_mem>>)
      %dma_wait3A = arith.constant 0 : i32
      %dma_wait3A_202 = tpu.memref_slice %arg10[%mul3A_18, %dma_wait3A] : memref<10000x64xf32, #tpu.memory_space<vmem_shared>> -> memref<104x64xf32, #tpu.memory_space<vmem_shared>>
      %dma_wait3A_203 = arith.constant 0 : i32
      %dma_wait3A_204 = tpu.memref_slice %arg10[%mul3A_18, %dma_wait3A_203] : memref<10000x64xf32, #tpu.memory_space<vmem_shared>> -> memref<104x64xf32, #tpu.memory_space<vmem_shared>>
      tpu.wait_dma2 semaphore(%run_scoped3A : memref<!tpu.dma_semaphore, #tpu.memory_space<semaphore_mem>>) src(%arg9 : memref<104x64xf32, #tpu.memory_space<vmem>>) dst(%dma_wait3A_204 : memref<104x64xf32, #tpu.memory_space<vmem_shared>>)
      tpu.yield
    }) : () -> ()
    %add3A_19 = arith.constant 48 : i32
    %add3A_20 = arith.addi %arg1, %add3A_19 : i32
    %mul3A_21 = arith.constant 104 : i32
    %mul3A_22 = arith.muli %add3A_20, %mul3A_21 : i32
    "tpu.region"() ({
      %run_scoped3A = tpu.sem_alloc : memref<!tpu.dma_semaphore, #tpu.memory_space<semaphore_mem>>
      %dma_start3A_198 = arith.constant 0 : i32
      %dma_start3A_199 = tpu.memref_slice %arg10[%mul3A_22, %dma_start3A_198] : memref<10000x64xf32, #tpu.memory_space<vmem_shared>> -> memref<104x64xf32, #tpu.memory_space<vmem_shared>>
      %dma_start3A_200 = arith.constant 0 : i32
      %dma_start3A_201 = tpu.memref_slice %arg10[%mul3A_22, %dma_start3A_200] : memref<10000x64xf32, #tpu.memory_space<vmem_shared>> -> memref<104x64xf32, #tpu.memory_space<vmem_shared>>
      tpu.enqueue_dma source(%arg9 : memref<104x64xf32, #tpu.memory_space<vmem>>) target(%dma_start3A_201 : memref<104x64xf32, #tpu.memory_space<vmem_shared>>) target_semaphore(%run_scoped3A : memref<!tpu.dma_semaphore, #tpu.memory_space<semaphore_mem>>)
      %dma_wait3A = arith.constant 0 : i32
      %dma_wait3A_202 = tpu.memref_slice %arg10[%mul3A_22, %dma_wait3A] : memref<10000x64xf32, #tpu.memory_space<vmem_shared>> -> memref<104x64xf32, #tpu.memory_space<vmem_shared>>
      %dma_wait3A_203 = arith.constant 0 : i32
      %dma_wait3A_204 = tpu.memref_slice %arg10[%mul3A_22, %dma_wait3A_203] : memref<10000x64xf32, #tpu.memory_space<vmem_shared>> -> memref<104x64xf32, #tpu.memory_space<vmem_shared>>
      tpu.wait_dma2 semaphore(%run_scoped3A : memref<!tpu.dma_semaphore, #tpu.memory_space<semaphore_mem>>) src(%arg9 : memref<104x64xf32, #tpu.memory_space<vmem>>) dst(%dma_wait3A_204 : memref<104x64xf32, #tpu.memory_space<vmem_shared>>)
      tpu.yield
    }) : () -> ()
    %add3A_23 = arith.constant 64 : i32
    %add3A_24 = arith.addi %arg1, %add3A_23 : i32
    %mul3A_25 = arith.constant 104 : i32
    %mul3A_26 = arith.muli %add3A_24, %mul3A_25 : i32
    "tpu.region"() ({
      %run_scoped3A = tpu.sem_alloc : memref<!tpu.dma_semaphore, #tpu.memory_space<semaphore_mem>>
      %dma_start3A_198 = arith.constant 0 : i32
      %dma_start3A_199 = tpu.memref_slice %arg10[%mul3A_26, %dma_start3A_198] : memref<10000x64xf32, #tpu.memory_space<vmem_shared>> -> memref<104x64xf32, #tpu.memory_space<vmem_shared>>
      %dma_start3A_200 = arith.constant 0 : i32
      %dma_start3A_201 = tpu.memref_slice %arg10[%mul3A_26, %dma_start3A_200] : memref<10000x64xf32, #tpu.memory_space<vmem_shared>> -> memref<104x64xf32, #tpu.memory_space<vmem_shared>>
      tpu.enqueue_dma source(%arg9 : memref<104x64xf32, #tpu.memory_space<vmem>>) target(%dma_start3A_201 : memref<104x64xf32, #tpu.memory_space<vmem_shared>>) target_semaphore(%run_scoped3A : memref<!tpu.dma_semaphore, #tpu.memory_space<semaphore_mem>>)
      %dma_wait3A = arith.constant 0 : i32
      %dma_wait3A_202 = tpu.memref_slice %arg10[%mul3A_26, %dma_wait3A] : memref<10000x64xf32, #tpu.memory_space<vmem_shared>> -> memref<104x64xf32, #tpu.memory_space<vmem_shared>>
      %dma_wait3A_203 = arith.constant 0 : i32
      %dma_wait3A_204 = tpu.memref_slice %arg10[%mul3A_26, %dma_wait3A_203] : memref<10000x64xf32, #tpu.memory_space<vmem_shared>> -> memref<104x64xf32, #tpu.memory_space<vmem_shared>>
      tpu.wait_dma2 semaphore(%run_scoped3A : memref<!tpu.dma_semaphore, #tpu.memory_space<semaphore_mem>>) src(%arg9 : memref<104x64xf32, #tpu.memory_space<vmem>>) dst(%dma_wait3A_204 : memref<104x64xf32, #tpu.memory_space<vmem_shared>>)
      tpu.yield
    }) : () -> ()
    %add3A_27 = arith.constant 80 : i32
    %add3A_28 = arith.addi %arg1, %add3A_27 : i32
    %mul3A_29 = arith.constant 104 : i32
    %mul3A_30 = arith.muli %add3A_28, %mul3A_29 : i32
    "tpu.region"() ({
      %run_scoped3A = tpu.sem_alloc : memref<!tpu.dma_semaphore, #tpu.memory_space<semaphore_mem>>
      %dma_start3A_198 = arith.constant 0 : i32
      %dma_start3A_199 = tpu.memref_slice %arg10[%mul3A_30, %dma_start3A_198] : memref<10000x64xf32, #tpu.memory_space<vmem_shared>> -> memref<104x64xf32, #tpu.memory_space<vmem_shared>>
      %dma_start3A_200 = arith.constant 0 : i32
      %dma_start3A_201 = tpu.memref_slice %arg10[%mul3A_30, %dma_start3A_200] : memref<10000x64xf32, #tpu.memory_space<vmem_shared>> -> memref<104x64xf32, #tpu.memory_space<vmem_shared>>
      tpu.enqueue_dma source(%arg9 : memref<104x64xf32, #tpu.memory_space<vmem>>) target(%dma_start3A_201 : memref<104x64xf32, #tpu.memory_space<vmem_shared>>) target_semaphore(%run_scoped3A : memref<!tpu.dma_semaphore, #tpu.memory_space<semaphore_mem>>)
      %dma_wait3A = arith.constant 0 : i32
      %dma_wait3A_202 = tpu.memref_slice %arg10[%mul3A_30, %dma_wait3A] : memref<10000x64xf32, #tpu.memory_space<vmem_shared>> -> memref<104x64xf32, #tpu.memory_space<vmem_shared>>
      %dma_wait3A_203 = arith.constant 0 : i32
      %dma_wait3A_204 = tpu.memref_slice %arg10[%mul3A_30, %dma_wait3A_203] : memref<10000x64xf32, #tpu.memory_space<vmem_shared>> -> memref<104x64xf32, #tpu.memory_space<vmem_shared>>
      tpu.wait_dma2 semaphore(%run_scoped3A : memref<!tpu.dma_semaphore, #tpu.memory_space<semaphore_mem>>) src(%arg9 : memref<104x64xf32, #tpu.memory_space<vmem>>) dst(%dma_wait3A_204 : memref<104x64xf32, #tpu.memory_space<vmem_shared>>)
      tpu.yield
    }) : () -> ()
    %eq3A = arith.constant 0 : i32
    %eq3A_31 = arith.cmpi eq, %arg1, %eq3A : i32
    %convert_element_type3A = arith.extui %eq3A_31 : i1 to i32
    %cond3A = arith.constant 0 : i32
    %cond3A_32 = arith.cmpi ne, %convert_element_type3A, %cond3A : i32
    scf.if %cond3A_32 {
      "tpu.region"() ({
        %run_scoped3A = tpu.sem_alloc : memref<!tpu.dma_semaphore, #tpu.memory_space<semaphore_mem>>
        %dma_start3A_198 = arith.constant 0 : i32
        %dma_start3A_199 = arith.constant 0 : i32
        %dma_start3A_200 = tpu.memref_slice %arg9[%dma_start3A_198, %dma_start3A_199] : memref<104x64xf32, #tpu.memory_space<vmem>> -> memref<16x64xf32, #tpu.memory_space<vmem>>
        %dma_start3A_201 = arith.constant 9984 : i32
        %dma_start3A_202 = arith.constant 0 : i32
        %dma_start3A_203 = tpu.memref_slice %arg10[%dma_start3A_201, %dma_start3A_202] : memref<10000x64xf32, #tpu.memory_space<vmem_shared>> -> memref<16x64xf32, #tpu.memory_space<vmem_shared>>
        %dma_start3A_204 = arith.constant 9984 : i32
        %dma_start3A_205 = arith.constant 0 : i32
        %dma_start3A_206 = tpu.memref_slice %arg10[%dma_start3A_204, %dma_start3A_205] : memref<10000x64xf32, #tpu.memory_space<vmem_shared>> -> memref<16x64xf32, #tpu.memory_space<vmem_shared>>
        %dma_start3A_207 = arith.constant 0 : i32
        %dma_start3A_208 = arith.constant 0 : i32
        %dma_start3A_209 = tpu.memref_slice %arg9[%dma_start3A_207, %dma_start3A_208] : memref<104x64xf32, #tpu.memory_space<vmem>> -> memref<16x64xf32, #tpu.memory_space<vmem>>
        tpu.enqueue_dma source(%dma_start3A_209 : memref<16x64xf32, #tpu.memory_space<vmem>>) target(%dma_start3A_206 : memref<16x64xf32, #tpu.memory_space<vmem_shared>>) target_semaphore(%run_scoped3A : memref<!tpu.dma_semaphore, #tpu.memory_space<semaphore_mem>>)
        %dma_wait3A = arith.constant 0 : i32
        %dma_wait3A_210 = arith.constant 0 : i32
        %dma_wait3A_211 = tpu.memref_slice %arg9[%dma_wait3A, %dma_wait3A_210] : memref<104x64xf32, #tpu.memory_space<vmem>> -> memref<16x64xf32, #tpu.memory_space<vmem>>
        %dma_wait3A_212 = arith.constant 9984 : i32
        %dma_wait3A_213 = arith.constant 0 : i32
        %dma_wait3A_214 = tpu.memref_slice %arg10[%dma_wait3A_212, %dma_wait3A_213] : memref<10000x64xf32, #tpu.memory_space<vmem_shared>> -> memref<16x64xf32, #tpu.memory_space<vmem_shared>>
        %dma_wait3A_215 = arith.constant 9984 : i32
        %dma_wait3A_216 = arith.constant 0 : i32
        %dma_wait3A_217 = tpu.memref_slice %arg10[%dma_wait3A_215, %dma_wait3A_216] : memref<10000x64xf32, #tpu.memory_space<vmem_shared>> -> memref<16x64xf32, #tpu.memory_space<vmem_shared>>
        %dma_wait3A_218 = arith.constant 0 : i32
        %dma_wait3A_219 = arith.constant 0 : i32
        %dma_wait3A_220 = tpu.memref_slice %arg9[%dma_wait3A_218, %dma_wait3A_219] : memref<104x64xf32, #tpu.memory_space<vmem>> -> memref<16x64xf32, #tpu.memory_space<vmem>>
        tpu.wait_dma2 semaphore(%run_scoped3A : memref<!tpu.dma_semaphore, #tpu.memory_space<semaphore_mem>>) src(%dma_wait3A_220 : memref<16x64xf32, #tpu.memory_space<vmem>>) dst(%dma_wait3A_217 : memref<16x64xf32, #tpu.memory_space<vmem_shared>>)
        tpu.yield
      }) : () -> ()
    } else {
    }
    %broadcast_in_dim3A_33 = arith.constant 1.000000e+00 : f32
    %broadcast_in_dim3A_34 = vector.broadcast %broadcast_in_dim3A_33 : f32 to vector<16xf32>
    %scan3A_35 = arith.constant 0 : i32
    %scan3A_36 = arith.constant 0 : i32
    %scan3A_37 = arith.constant 80 : i32
    %scan3A_38 = arith.addi %scan3A_36, %scan3A_37 : i32
    %scan3A_39 = arith.constant 1 : i32
    %scan3A_40 = scf.for %scan3A_198 = %scan3A_36 to %scan3A_38 step %scan3A_39 iter_args(%scan3A_199 = %scan3A_35) -> (i32)  : i32 {
      %swap3A = arith.index_cast %scan3A_198 : i32 to index
      %swap3A_200 = arith.constant 0 : index
      %swap3A_201 = tpu.vector_load %arg26[%swap3A, %swap3A_200] {strides = array<i32>} : memref<80x16xf32, #tpu.memory_space<vmem>>, vector<1x16xf32>,
      %swap3A_202 = vector.shape_cast %swap3A_201 : vector<1x16xf32> to vector<16xf32>
      %swap3A_203 = vector.shape_cast %broadcast_in_dim3A_34 : vector<16xf32> to vector<1x16xf32>
      tpu.vector_store %arg26[%swap3A, %swap3A_200], %swap3A_203 {strides = array<i32>} : memref<80x16xf32, #tpu.memory_space<vmem>>, vector<1x16xf32>,
      %scan3A_204 = arith.constant 0 : i32
      scf.yield %scan3A_204 : i32
    }
    %scan3A_41 = arith.constant 80 : i32
    %scan3A_42 = arith.constant 0 : i32
    %scan3A_43 = arith.constant 0 : i32
    %scan3A_44 = arith.constant 104 : i32
    %scan3A_45 = arith.addi %scan3A_43, %scan3A_44 : i32
    %scan3A_46 = arith.constant 1 : i32
    %scan3A_47 = scf.for %scan3A_198 = %scan3A_43 to %scan3A_45 step %scan3A_46 iter_args(%scan3A_199 = %scan3A_42) -> (i32)  : i32 {
      %swap3A = arith.index_cast %scan3A_198 : i32 to index
      %swap3A_200 = arith.constant 0 : index
      %swap3A_201 = tpu.vector_load %arg27[%swap3A, %swap3A_200] {strides = array<i32>} : memref<104x16xf32, #tpu.memory_space<vmem>>, vector<1x16xf32>,
      %swap3A_202 = vector.shape_cast %swap3A_201 : vector<1x16xf32> to vector<16xf32>
      %swap3A_203 = vector.shape_cast %broadcast_in_dim3A_0 : vector<16xf32> to vector<1x16xf32>
      tpu.vector_store %arg27[%swap3A, %swap3A_200], %swap3A_203 {strides = array<i32>} : memref<104x16xf32, #tpu.memory_space<vmem>>, vector<1x16xf32>,
      %scan3A_204 = arith.constant 0 : i32
      scf.yield %scan3A_204 : i32
    }
    %scan3A_48 = arith.constant 104 : i32
    %add3A_49 = arith.constant 0 : i32
    %add3A_50 = arith.addi %arg1, %add3A_49 : i32
    %mul3A_51 = arith.constant 104 : i32
    %mul3A_52 = arith.muli %add3A_50, %mul3A_51 : i32
    "tpu.region"() ({
      %run_scoped3A = tpu.sem_alloc : memref<!tpu.dma_semaphore, #tpu.memory_space<semaphore_mem>>
      %dma_start3A_198 = arith.constant 0 : i32
      %dma_start3A_199 = tpu.memref_slice %arg28[%mul3A_52, %dma_start3A_198] : memref<10000x16xf32, #tpu.memory_space<vmem_shared>> -> memref<104x16xf32, #tpu.memory_space<vmem_shared>>
      %dma_start3A_200 = arith.constant 0 : i32
      %dma_start3A_201 = tpu.memref_slice %arg28[%mul3A_52, %dma_start3A_200] : memref<10000x16xf32, #tpu.memory_space<vmem_shared>> -> memref<104x16xf32, #tpu.memory_space<vmem_shared>>
      tpu.enqueue_dma source(%arg27 : memref<104x16xf32, #tpu.memory_space<vmem>>) target(%dma_start3A_201 : memref<104x16xf32, #tpu.memory_space<vmem_shared>>) target_semaphore(%run_scoped3A : memref<!tpu.dma_semaphore, #tpu.memory_space<semaphore_mem>>)
      %dma_wait3A = arith.constant 0 : i32
      %dma_wait3A_202 = tpu.memref_slice %arg28[%mul3A_52, %dma_wait3A] : memref<10000x16xf32, #tpu.memory_space<vmem_shared>> -> memref<104x16xf32, #tpu.memory_space<vmem_shared>>
      %dma_wait3A_203 = arith.constant 0 : i32
      %dma_wait3A_204 = tpu.memref_slice %arg28[%mul3A_52, %dma_wait3A_203] : memref<10000x16xf32, #tpu.memory_space<vmem_shared>> -> memref<104x16xf32, #tpu.memory_space<vmem_shared>>
      tpu.wait_dma2 semaphore(%run_scoped3A : memref<!tpu.dma_semaphore, #tpu.memory_space<semaphore_mem>>) src(%arg27 : memref<104x16xf32, #tpu.memory_space<vmem>>) dst(%dma_wait3A_204 : memref<104x16xf32, #tpu.memory_space<vmem_shared>>)
      tpu.yield
    }) : () -> ()
    %add3A_53 = arith.constant 16 : i32
    %add3A_54 = arith.addi %arg1, %add3A_53 : i32
    %mul3A_55 = arith.constant 104 : i32
    %mul3A_56 = arith.muli %add3A_54, %mul3A_55 : i32
    "tpu.region"() ({
      %run_scoped3A = tpu.sem_alloc : memref<!tpu.dma_semaphore, #tpu.memory_space<semaphore_mem>>
      %dma_start3A_198 = arith.constant 0 : i32
      %dma_start3A_199 = tpu.memref_slice %arg28[%mul3A_56, %dma_start3A_198] : memref<10000x16xf32, #tpu.memory_space<vmem_shared>> -> memref<104x16xf32, #tpu.memory_space<vmem_shared>>
      %dma_start3A_200 = arith.constant 0 : i32
      %dma_start3A_201 = tpu.memref_slice %arg28[%mul3A_56, %dma_start3A_200] : memref<10000x16xf32, #tpu.memory_space<vmem_shared>> -> memref<104x16xf32, #tpu.memory_space<vmem_shared>>
      tpu.enqueue_dma source(%arg27 : memref<104x16xf32, #tpu.memory_space<vmem>>) target(%dma_start3A_201 : memref<104x16xf32, #tpu.memory_space<vmem_shared>>) target_semaphore(%run_scoped3A : memref<!tpu.dma_semaphore, #tpu.memory_space<semaphore_mem>>)
      %dma_wait3A = arith.constant 0 : i32
      %dma_wait3A_202 = tpu.memref_slice %arg28[%mul3A_56, %dma_wait3A] : memref<10000x16xf32, #tpu.memory_space<vmem_shared>> -> memref<104x16xf32, #tpu.memory_space<vmem_shared>>
      %dma_wait3A_203 = arith.constant 0 : i32
      %dma_wait3A_204 = tpu.memref_slice %arg28[%mul3A_56, %dma_wait3A_203] : memref<10000x16xf32, #tpu.memory_space<vmem_shared>> -> memref<104x16xf32, #tpu.memory_space<vmem_shared>>
      tpu.wait_dma2 semaphore(%run_scoped3A : memref<!tpu.dma_semaphore, #tpu.memory_space<semaphore_mem>>) src(%arg27 : memref<104x16xf32, #tpu.memory_space<vmem>>) dst(%dma_wait3A_204 : memref<104x16xf32, #tpu.memory_space<vmem_shared>>)
      tpu.yield
    }) : () -> ()
    %add3A_57 = arith.constant 32 : i32
    %add3A_58 = arith.addi %arg1, %add3A_57 : i32
    %mul3A_59 = arith.constant 104 : i32
    %mul3A_60 = arith.muli %add3A_58, %mul3A_59 : i32
    "tpu.region"() ({
      %run_scoped3A = tpu.sem_alloc : memref<!tpu.dma_semaphore, #tpu.memory_space<semaphore_mem>>
      %dma_start3A_198 = arith.constant 0 : i32
      %dma_start3A_199 = tpu.memref_slice %arg28[%mul3A_60, %dma_start3A_198] : memref<10000x16xf32, #tpu.memory_space<vmem_shared>> -> memref<104x16xf32, #tpu.memory_space<vmem_shared>>
      %dma_start3A_200 = arith.constant 0 : i32
      %dma_start3A_201 = tpu.memref_slice %arg28[%mul3A_60, %dma_start3A_200] : memref<10000x16xf32, #tpu.memory_space<vmem_shared>> -> memref<104x16xf32, #tpu.memory_space<vmem_shared>>
      tpu.enqueue_dma source(%arg27 : memref<104x16xf32, #tpu.memory_space<vmem>>) target(%dma_start3A_201 : memref<104x16xf32, #tpu.memory_space<vmem_shared>>) target_semaphore(%run_scoped3A : memref<!tpu.dma_semaphore, #tpu.memory_space<semaphore_mem>>)
      %dma_wait3A = arith.constant 0 : i32
      %dma_wait3A_202 = tpu.memref_slice %arg28[%mul3A_60, %dma_wait3A] : memref<10000x16xf32, #tpu.memory_space<vmem_shared>> -> memref<104x16xf32, #tpu.memory_space<vmem_shared>>
      %dma_wait3A_203 = arith.constant 0 : i32
      %dma_wait3A_204 = tpu.memref_slice %arg28[%mul3A_60, %dma_wait3A_203] : memref<10000x16xf32, #tpu.memory_space<vmem_shared>> -> memref<104x16xf32, #tpu.memory_space<vmem_shared>>
      tpu.wait_dma2 semaphore(%run_scoped3A : memref<!tpu.dma_semaphore, #tpu.memory_space<semaphore_mem>>) src(%arg27 : memref<104x16xf32, #tpu.memory_space<vmem>>) dst(%dma_wait3A_204 : memref<104x16xf32, #tpu.memory_space<vmem_shared>>)
      tpu.yield
    }) : () -> ()
    %add3A_61 = arith.constant 48 : i32
    %add3A_62 = arith.addi %arg1, %add3A_61 : i32
    %mul3A_63 = arith.constant 104 : i32
    %mul3A_64 = arith.muli %add3A_62, %mul3A_63 : i32
    "tpu.region"() ({
      %run_scoped3A = tpu.sem_alloc : memref<!tpu.dma_semaphore, #tpu.memory_space<semaphore_mem>>
      %dma_start3A_198 = arith.constant 0 : i32
      %dma_start3A_199 = tpu.memref_slice %arg28[%mul3A_64, %dma_start3A_198] : memref<10000x16xf32, #tpu.memory_space<vmem_shared>> -> memref<104x16xf32, #tpu.memory_space<vmem_shared>>
      %dma_start3A_200 = arith.constant 0 : i32
      %dma_start3A_201 = tpu.memref_slice %arg28[%mul3A_64, %dma_start3A_200] : memref<10000x16xf32, #tpu.memory_space<vmem_shared>> -> memref<104x16xf32, #tpu.memory_space<vmem_shared>>
      tpu.enqueue_dma source(%arg27 : memref<104x16xf32, #tpu.memory_space<vmem>>) target(%dma_start3A_201 : memref<104x16xf32, #tpu.memory_space<vmem_shared>>) target_semaphore(%run_scoped3A : memref<!tpu.dma_semaphore, #tpu.memory_space<semaphore_mem>>)
      %dma_wait3A = arith.constant 0 : i32
      %dma_wait3A_202 = tpu.memref_slice %arg28[%mul3A_64, %dma_wait3A] : memref<10000x16xf32, #tpu.memory_space<vmem_shared>> -> memref<104x16xf32, #tpu.memory_space<vmem_shared>>
      %dma_wait3A_203 = arith.constant 0 : i32
      %dma_wait3A_204 = tpu.memref_slice %arg28[%mul3A_64, %dma_wait3A_203] : memref<10000x16xf32, #tpu.memory_space<vmem_shared>> -> memref<104x16xf32, #tpu.memory_space<vmem_shared>>
      tpu.wait_dma2 semaphore(%run_scoped3A : memref<!tpu.dma_semaphore, #tpu.memory_space<semaphore_mem>>) src(%arg27 : memref<104x16xf32, #tpu.memory_space<vmem>>) dst(%dma_wait3A_204 : memref<104x16xf32, #tpu.memory_space<vmem_shared>>)
      tpu.yield
    }) : () -> ()
    %add3A_65 = arith.constant 64 : i32
    %add3A_66 = arith.addi %arg1, %add3A_65 : i32
    %mul3A_67 = arith.constant 104 : i32
    %mul3A_68 = arith.muli %add3A_66, %mul3A_67 : i32
    "tpu.region"() ({
      %run_scoped3A = tpu.sem_alloc : memref<!tpu.dma_semaphore, #tpu.memory_space<semaphore_mem>>
      %dma_start3A_198 = arith.constant 0 : i32
      %dma_start3A_199 = tpu.memref_slice %arg28[%mul3A_68, %dma_start3A_198] : memref<10000x16xf32, #tpu.memory_space<vmem_shared>> -> memref<104x16xf32, #tpu.memory_space<vmem_shared>>
      %dma_start3A_200 = arith.constant 0 : i32
      %dma_start3A_201 = tpu.memref_slice %arg28[%mul3A_68, %dma_start3A_200] : memref<10000x16xf32, #tpu.memory_space<vmem_shared>> -> memref<104x16xf32, #tpu.memory_space<vmem_shared>>
      tpu.enqueue_dma source(%arg27 : memref<104x16xf32, #tpu.memory_space<vmem>>) target(%dma_start3A_201 : memref<104x16xf32, #tpu.memory_space<vmem_shared>>) target_semaphore(%run_scoped3A : memref<!tpu.dma_semaphore, #tpu.memory_space<semaphore_mem>>)
      %dma_wait3A = arith.constant 0 : i32
      %dma_wait3A_202 = tpu.memref_slice %arg28[%mul3A_68, %dma_wait3A] : memref<10000x16xf32, #tpu.memory_space<vmem_shared>> -> memref<104x16xf32, #tpu.memory_space<vmem_shared>>
      %dma_wait3A_203 = arith.constant 0 : i32
      %dma_wait3A_204 = tpu.memref_slice %arg28[%mul3A_68, %dma_wait3A_203] : memref<10000x16xf32, #tpu.memory_space<vmem_shared>> -> memref<104x16xf32, #tpu.memory_space<vmem_shared>>
      tpu.wait_dma2 semaphore(%run_scoped3A : memref<!tpu.dma_semaphore, #tpu.memory_space<semaphore_mem>>) src(%arg27 : memref<104x16xf32, #tpu.memory_space<vmem>>) dst(%dma_wait3A_204 : memref<104x16xf32, #tpu.memory_space<vmem_shared>>)
      tpu.yield
    }) : () -> ()
    %add3A_69 = arith.constant 80 : i32
    %add3A_70 = arith.addi %arg1, %add3A_69 : i32
    %mul3A_71 = arith.constant 104 : i32
    %mul3A_72 = arith.muli %add3A_70, %mul3A_71 : i32
    "tpu.region"() ({
      %run_scoped3A = tpu.sem_alloc : memref<!tpu.dma_semaphore, #tpu.memory_space<semaphore_mem>>
      %dma_start3A_198 = arith.constant 0 : i32
      %dma_start3A_199 = tpu.memref_slice %arg28[%mul3A_72, %dma_start3A_198] : memref<10000x16xf32, #tpu.memory_space<vmem_shared>> -> memref<104x16xf32, #tpu.memory_space<vmem_shared>>
      %dma_start3A_200 = arith.constant 0 : i32
      %dma_start3A_201 = tpu.memref_slice %arg28[%mul3A_72, %dma_start3A_200] : memref<10000x16xf32, #tpu.memory_space<vmem_shared>> -> memref<104x16xf32, #tpu.memory_space<vmem_shared>>
      tpu.enqueue_dma source(%arg27 : memref<104x16xf32, #tpu.memory_space<vmem>>) target(%dma_start3A_201 : memref<104x16xf32, #tpu.memory_space<vmem_shared>>) target_semaphore(%run_scoped3A : memref<!tpu.dma_semaphore, #tpu.memory_space<semaphore_mem>>)
      %dma_wait3A = arith.constant 0 : i32
      %dma_wait3A_202 = tpu.memref_slice %arg28[%mul3A_72, %dma_wait3A] : memref<10000x16xf32, #tpu.memory_space<vmem_shared>> -> memref<104x16xf32, #tpu.memory_space<vmem_shared>>
      %dma_wait3A_203 = arith.constant 0 : i32
      %dma_wait3A_204 = tpu.memref_slice %arg28[%mul3A_72, %dma_wait3A_203] : memref<10000x16xf32, #tpu.memory_space<vmem_shared>> -> memref<104x16xf32, #tpu.memory_space<vmem_shared>>
      tpu.wait_dma2 semaphore(%run_scoped3A : memref<!tpu.dma_semaphore, #tpu.memory_space<semaphore_mem>>) src(%arg27 : memref<104x16xf32, #tpu.memory_space<vmem>>) dst(%dma_wait3A_204 : memref<104x16xf32, #tpu.memory_space<vmem_shared>>)
      tpu.yield
    }) : () -> ()
    %eq3A_73 = arith.constant 0 : i32
    %eq3A_74 = arith.cmpi eq, %arg1, %eq3A_73 : i32
    %convert_element_type3A_75 = arith.extui %eq3A_74 : i1 to i32
    %cond3A_76 = arith.constant 0 : i32
    %cond3A_77 = arith.cmpi ne, %convert_element_type3A_75, %cond3A_76 : i32
    scf.if %cond3A_77 {
      "tpu.region"() ({
        %run_scoped3A = tpu.sem_alloc : memref<!tpu.dma_semaphore, #tpu.memory_space<semaphore_mem>>
        %dma_start3A_198 = arith.constant 0 : i32
        %dma_start3A_199 = arith.constant 0 : i32
        %dma_start3A_200 = tpu.memref_slice %arg27[%dma_start3A_198, %dma_start3A_199] : memref<104x16xf32, #tpu.memory_space<vmem>> -> memref<16x16xf32, #tpu.memory_space<vmem>>
        %dma_start3A_201 = arith.constant 9984 : i32
        %dma_start3A_202 = arith.constant 0 : i32
        %dma_start3A_203 = tpu.memref_slice %arg28[%dma_start3A_201, %dma_start3A_202] : memref<10000x16xf32, #tpu.memory_space<vmem_shared>> -> memref<16x16xf32, #tpu.memory_space<vmem_shared>>
        %dma_start3A_204 = arith.constant 9984 : i32
        %dma_start3A_205 = arith.constant 0 : i32
        %dma_start3A_206 = tpu.memref_slice %arg28[%dma_start3A_204, %dma_start3A_205] : memref<10000x16xf32, #tpu.memory_space<vmem_shared>> -> memref<16x16xf32, #tpu.memory_space<vmem_shared>>
        %dma_start3A_207 = arith.constant 0 : i32
        %dma_start3A_208 = arith.constant 0 : i32
        %dma_start3A_209 = tpu.memref_slice %arg27[%dma_start3A_207, %dma_start3A_208] : memref<104x16xf32, #tpu.memory_space<vmem>> -> memref<16x16xf32, #tpu.memory_space<vmem>>
        tpu.enqueue_dma source(%dma_start3A_209 : memref<16x16xf32, #tpu.memory_space<vmem>>) target(%dma_start3A_206 : memref<16x16xf32, #tpu.memory_space<vmem_shared>>) target_semaphore(%run_scoped3A : memref<!tpu.dma_semaphore, #tpu.memory_space<semaphore_mem>>)
        %dma_wait3A = arith.constant 0 : i32
        %dma_wait3A_210 = arith.constant 0 : i32
        %dma_wait3A_211 = tpu.memref_slice %arg27[%dma_wait3A, %dma_wait3A_210] : memref<104x16xf32, #tpu.memory_space<vmem>> -> memref<16x16xf32, #tpu.memory_space<vmem>>
        %dma_wait3A_212 = arith.constant 9984 : i32
        %dma_wait3A_213 = arith.constant 0 : i32
        %dma_wait3A_214 = tpu.memref_slice %arg28[%dma_wait3A_212, %dma_wait3A_213] : memref<10000x16xf32, #tpu.memory_space<vmem_shared>> -> memref<16x16xf32, #tpu.memory_space<vmem_shared>>
        %dma_wait3A_215 = arith.constant 9984 : i32
        %dma_wait3A_216 = arith.constant 0 : i32
        %dma_wait3A_217 = tpu.memref_slice %arg28[%dma_wait3A_215, %dma_wait3A_216] : memref<10000x16xf32, #tpu.memory_space<vmem_shared>> -> memref<16x16xf32, #tpu.memory_space<vmem_shared>>
        %dma_wait3A_218 = arith.constant 0 : i32
        %dma_wait3A_219 = arith.constant 0 : i32
        %dma_wait3A_220 = tpu.memref_slice %arg27[%dma_wait3A_218, %dma_wait3A_219] : memref<104x16xf32, #tpu.memory_space<vmem>> -> memref<16x16xf32, #tpu.memory_space<vmem>>
        tpu.wait_dma2 semaphore(%run_scoped3A : memref<!tpu.dma_semaphore, #tpu.memory_space<semaphore_mem>>) src(%dma_wait3A_220 : memref<16x16xf32, #tpu.memory_space<vmem>>) dst(%dma_wait3A_217 : memref<16x16xf32, #tpu.memory_space<vmem_shared>>)
        tpu.yield
      }) : () -> ()
    } else {
    }
    %barrier3A = arith.constant 0 : index
    tpu.barrier barrier_id(%barrier3A)
    %dma_start3A = arith.constant 0 : i32
    %dma_start3A_78 = arith.constant 0 : i32
    %dma_start3A_79 = tpu.memref_slice %arg7[%dma_start3A, %dma_start3A_78] : memref<250x80xi32, #tpu.memory_space<vmem>> -> memref<1x80xi32, #tpu.memory_space<vmem>>
    %dma_start3A_80 = tpu.memref_squeeze %dma_start3A_79 : memref<1x80xi32, #tpu.memory_space<vmem>> -> memref<80xi32, #tpu.memory_space<vmem>>
    %dma_start3A_81 = arith.constant 0 : i32
    %dma_start3A_82 = arith.constant 0 : i32
    %dma_start3A_83 = tpu.memref_slice %arg2[%arg0, %dma_start3A_81, %dma_start3A_82] : memref<2x10000x64xf32, #tpu.memory_space<hbm>> -> memref<1x10000x64xf32, #tpu.memory_space<hbm>>
    %dma_start3A_84 = tpu.memref_squeeze %dma_start3A_83 : memref<1x10000x64xf32, #tpu.memory_space<hbm>> -> memref<10000x64xf32, #tpu.memory_space<hbm>>
    %dma_start3A_85 = arith.constant 0 : i32
    %dma_start3A_86 = arith.constant 0 : i32
    %dma_start3A_87 = tpu.memref_slice %dma_start3A_84[%dma_start3A_85, %dma_start3A_86] : memref<10000x64xf32, #tpu.memory_space<hbm>> -> memref<10000x64xf32, #tpu.memory_space<hbm>>
    tpu.enqueue_indirect_dma source(%dma_start3A_87 : memref<10000x64xf32, #tpu.memory_space<hbm>>) target(%arg11 : memref<80x64xf32, #tpu.memory_space<vmem>>) offsets(%dma_start3A_80 : memref<80xi32, #tpu.memory_space<vmem>>) semaphore(%arg16 : memref<!tpu.dma_semaphore, #tpu.memory_space<semaphore_mem>>)
    %dma_start3A_88 = arith.constant 1 : i32
    %dma_start3A_89 = arith.constant 0 : i32
    %dma_start3A_90 = tpu.memref_slice %arg7[%dma_start3A_88, %dma_start3A_89] : memref<250x80xi32, #tpu.memory_space<vmem>> -> memref<1x80xi32, #tpu.memory_space<vmem>>
    %dma_start3A_91 = tpu.memref_squeeze %dma_start3A_90 : memref<1x80xi32, #tpu.memory_space<vmem>> -> memref<80xi32, #tpu.memory_space<vmem>>
    %dma_start3A_92 = arith.constant 0 : i32
    %dma_start3A_93 = arith.constant 0 : i32
    %dma_start3A_94 = tpu.memref_slice %arg2[%arg0, %dma_start3A_92, %dma_start3A_93] : memref<2x10000x64xf32, #tpu.memory_space<hbm>> -> memref<1x10000x64xf32, #tpu.memory_space<hbm>>
    %dma_start3A_95 = tpu.memref_squeeze %dma_start3A_94 : memref<1x10000x64xf32, #tpu.memory_space<hbm>> -> memref<10000x64xf32, #tpu.memory_space<hbm>>
    %dma_start3A_96 = arith.constant 0 : i32
    %dma_start3A_97 = arith.constant 0 : i32
    %dma_start3A_98 = tpu.memref_slice %dma_start3A_95[%dma_start3A_96, %dma_start3A_97] : memref<10000x64xf32, #tpu.memory_space<hbm>> -> memref<10000x64xf32, #tpu.memory_space<hbm>>
    tpu.enqueue_indirect_dma source(%dma_start3A_98 : memref<10000x64xf32, #tpu.memory_space<hbm>>) target(%arg12 : memref<80x64xf32, #tpu.memory_space<vmem>>) offsets(%dma_start3A_91 : memref<80xi32, #tpu.memory_space<vmem>>) semaphore(%arg17 : memref<!tpu.dma_semaphore, #tpu.memory_space<semaphore_mem>>)
    %dma_start3A_99 = arith.constant 2 : i32
    %dma_start3A_100 = arith.constant 0 : i32
    %dma_start3A_101 = tpu.memref_slice %arg7[%dma_start3A_99, %dma_start3A_100] : memref<250x80xi32, #tpu.memory_space<vmem>> -> memref<1x80xi32, #tpu.memory_space<vmem>>
    %dma_start3A_102 = tpu.memref_squeeze %dma_start3A_101 : memref<1x80xi32, #tpu.memory_space<vmem>> -> memref<80xi32, #tpu.memory_space<vmem>>
    %dma_start3A_103 = arith.constant 0 : i32
    %dma_start3A_104 = arith.constant 0 : i32
    %dma_start3A_105 = tpu.memref_slice %arg2[%arg0, %dma_start3A_103, %dma_start3A_104] : memref<2x10000x64xf32, #tpu.memory_space<hbm>> -> memref<1x10000x64xf32, #tpu.memory_space<hbm>>
    %dma_start3A_106 = tpu.memref_squeeze %dma_start3A_105 : memref<1x10000x64xf32, #tpu.memory_space<hbm>> -> memref<10000x64xf32, #tpu.memory_space<hbm>>
    %dma_start3A_107 = arith.constant 0 : i32
    %dma_start3A_108 = arith.constant 0 : i32
    %dma_start3A_109 = tpu.memref_slice %dma_start3A_106[%dma_start3A_107, %dma_start3A_108] : memref<10000x64xf32, #tpu.memory_space<hbm>> -> memref<10000x64xf32, #tpu.memory_space<hbm>>
    tpu.enqueue_indirect_dma source(%dma_start3A_109 : memref<10000x64xf32, #tpu.memory_space<hbm>>) target(%arg13 : memref<80x64xf32, #tpu.memory_space<vmem>>) offsets(%dma_start3A_102 : memref<80xi32, #tpu.memory_space<vmem>>) semaphore(%arg18 : memref<!tpu.dma_semaphore, #tpu.memory_space<semaphore_mem>>)
    %dma_start3A_110 = arith.constant 3 : i32
    %dma_start3A_111 = arith.constant 0 : i32
    %dma_start3A_112 = tpu.memref_slice %arg7[%dma_start3A_110, %dma_start3A_111] : memref<250x80xi32, #tpu.memory_space<vmem>> -> memref<1x80xi32, #tpu.memory_space<vmem>>
    %dma_start3A_113 = tpu.memref_squeeze %dma_start3A_112 : memref<1x80xi32, #tpu.memory_space<vmem>> -> memref<80xi32, #tpu.memory_space<vmem>>
    %dma_start3A_114 = arith.constant 0 : i32
    %dma_start3A_115 = arith.constant 0 : i32
    %dma_start3A_116 = tpu.memref_slice %arg2[%arg0, %dma_start3A_114, %dma_start3A_115] : memref<2x10000x64xf32, #tpu.memory_space<hbm>> -> memref<1x10000x64xf32, #tpu.memory_space<hbm>>
    %dma_start3A_117 = tpu.memref_squeeze %dma_start3A_116 : memref<1x10000x64xf32, #tpu.memory_space<hbm>> -> memref<10000x64xf32, #tpu.memory_space<hbm>>
    %dma_start3A_118 = arith.constant 0 : i32
    %dma_start3A_119 = arith.constant 0 : i32
    %dma_start3A_120 = tpu.memref_slice %dma_start3A_117[%dma_start3A_118, %dma_start3A_119] : memref<10000x64xf32, #tpu.memory_space<hbm>> -> memref<10000x64xf32, #tpu.memory_space<hbm>>
    tpu.enqueue_indirect_dma source(%dma_start3A_120 : memref<10000x64xf32, #tpu.memory_space<hbm>>) target(%arg14 : memref<80x64xf32, #tpu.memory_space<vmem>>) offsets(%dma_start3A_113 : memref<80xi32, #tpu.memory_space<vmem>>) semaphore(%arg19 : memref<!tpu.dma_semaphore, #tpu.memory_space<semaphore_mem>>)
    %dma_start3A_121 = arith.constant 4 : i32
    %dma_start3A_122 = arith.constant 0 : i32
    %dma_start3A_123 = tpu.memref_slice %arg7[%dma_start3A_121, %dma_start3A_122] : memref<250x80xi32, #tpu.memory_space<vmem>> -> memref<1x80xi32, #tpu.memory_space<vmem>>
    %dma_start3A_124 = tpu.memref_squeeze %dma_start3A_123 : memref<1x80xi32, #tpu.memory_space<vmem>> -> memref<80xi32, #tpu.memory_space<vmem>>
    %dma_start3A_125 = arith.constant 0 : i32
    %dma_start3A_126 = arith.constant 0 : i32
    %dma_start3A_127 = tpu.memref_slice %arg2[%arg0, %dma_start3A_125, %dma_start3A_126] : memref<2x10000x64xf32, #tpu.memory_space<hbm>> -> memref<1x10000x64xf32, #tpu.memory_space<hbm>>
    %dma_start3A_128 = tpu.memref_squeeze %dma_start3A_127 : memref<1x10000x64xf32, #tpu.memory_space<hbm>> -> memref<10000x64xf32, #tpu.memory_space<hbm>>
    %dma_start3A_129 = arith.constant 0 : i32
    %dma_start3A_130 = arith.constant 0 : i32
    %dma_start3A_131 = tpu.memref_slice %dma_start3A_128[%dma_start3A_129, %dma_start3A_130] : memref<10000x64xf32, #tpu.memory_space<hbm>> -> memref<10000x64xf32, #tpu.memory_space<hbm>>
    tpu.enqueue_indirect_dma source(%dma_start3A_131 : memref<10000x64xf32, #tpu.memory_space<hbm>>) target(%arg15 : memref<80x64xf32, #tpu.memory_space<vmem>>) offsets(%dma_start3A_124 : memref<80xi32, #tpu.memory_space<vmem>>) semaphore(%arg20 : memref<!tpu.dma_semaphore, #tpu.memory_space<semaphore_mem>>)
    %scan3A_132 = arith.constant 0 : i32
    %scan3A_133 = arith.constant 0 : i32
    %scan3A_134 = arith.constant 50 : i32
    %scan3A_135 = arith.addi %scan3A_133, %scan3A_134 : i32
    %scan3A_136 = arith.constant 1 : i32
    %scan3A_137 = scf.for %scan3A_198 = %scan3A_133 to %scan3A_135 step %scan3A_136 iter_args(%scan3A_199 = %scan3A_132) -> (i32)  : i32 {
      %mul3A_200 = arith.constant 5 : i32
      %mul3A_201 = arith.muli %scan3A_198, %mul3A_200 : i32
      %add3A_202 = arith.constant 0 : i32
      %add3A_203 = arith.addi %mul3A_201, %add3A_202 : i32
      %dma_wait3A = arith.constant 0 : i32
      %dma_wait3A_204 = tpu.memref_slice %arg7[%add3A_203, %dma_wait3A] : memref<250x80xi32, #tpu.memory_space<vmem>> -> memref<1x80xi32, #tpu.memory_space<vmem>>
      %dma_wait3A_205 = tpu.memref_squeeze %dma_wait3A_204 : memref<1x80xi32, #tpu.memory_space<vmem>> -> memref<80xi32, #tpu.memory_space<vmem>>
      %dma_wait3A_206 = arith.constant 0 : i32
      %dma_wait3A_207 = arith.constant 0 : i32
      %dma_wait3A_208 = tpu.memref_slice %arg2[%arg0, %dma_wait3A_206, %dma_wait3A_207] : memref<2x10000x64xf32, #tpu.memory_space<hbm>> -> memref<1x10000x64xf32, #tpu.memory_space<hbm>>
      %dma_wait3A_209 = tpu.memref_squeeze %dma_wait3A_208 : memref<1x10000x64xf32, #tpu.memory_space<hbm>> -> memref<10000x64xf32, #tpu.memory_space<hbm>>
      %dma_wait3A_210 = arith.constant 0 : i32
      %dma_wait3A_211 = arith.constant 0 : i32
      %dma_wait3A_212 = tpu.memref_slice %dma_wait3A_209[%dma_wait3A_210, %dma_wait3A_211] : memref<10000x64xf32, #tpu.memory_space<hbm>> -> memref<10000x64xf32, #tpu.memory_space<hbm>>
      tpu.wait_indirect_dma semaphore(%arg16 : memref<!tpu.dma_semaphore, #tpu.memory_space<semaphore_mem>>) src(%dma_wait3A_212 : memref<10000x64xf32, #tpu.memory_space<hbm>>) dst(%arg11 : memref<80x64xf32, #tpu.memory_space<vmem>>)
      %dma_start3A_213 = arith.constant 0 : i32
      %dma_start3A_214 = tpu.memref_slice %arg8[%add3A_203, %dma_start3A_213] : memref<250x80xi32, #tpu.memory_space<vmem>> -> memref<1x80xi32, #tpu.memory_space<vmem>>
      %dma_start3A_215 = tpu.memref_squeeze %dma_start3A_214 : memref<1x80xi32, #tpu.memory_space<vmem>> -> memref<80xi32, #tpu.memory_space<vmem>>
      %dma_start3A_216 = arith.constant 0 : i32
      %dma_start3A_217 = arith.constant 0 : i32
      %dma_start3A_218 = tpu.memref_slice %arg10[%dma_start3A_216, %dma_start3A_217] : memref<10000x64xf32, #tpu.memory_space<vmem_shared>> -> memref<10000x64xf32, #tpu.memory_space<vmem_shared>>
      tpu.enqueue_indirect_dma source(%arg11 : memref<80x64xf32, #tpu.memory_space<vmem>>) target(%dma_start3A_218 : memref<10000x64xf32, #tpu.memory_space<vmem_shared>>) offsets(%dma_start3A_215 : memref<80xi32, #tpu.memory_space<vmem>>) semaphore(%arg21 : memref<!tpu.dma_semaphore, #tpu.memory_space<semaphore_mem>>) {add = true}
      %dma_start3A_219 = arith.constant 0 : i32
      %dma_start3A_220 = tpu.memref_slice %arg8[%add3A_203, %dma_start3A_219] : memref<250x80xi32, #tpu.memory_space<vmem>> -> memref<1x80xi32, #tpu.memory_space<vmem>>
      %dma_start3A_221 = tpu.memref_squeeze %dma_start3A_220 : memref<1x80xi32, #tpu.memory_space<vmem>> -> memref<80xi32, #tpu.memory_space<vmem>>
      %dma_start3A_222 = arith.constant 0 : i32
      %dma_start3A_223 = arith.constant 0 : i32
      %dma_start3A_224 = tpu.memref_slice %arg28[%dma_start3A_222, %dma_start3A_223] : memref<10000x16xf32, #tpu.memory_space<vmem_shared>> -> memref<10000x16xf32, #tpu.memory_space<vmem_shared>>
      tpu.enqueue_indirect_dma source(%arg26 : memref<80x16xf32, #tpu.memory_space<vmem>>) target(%dma_start3A_224 : memref<10000x16xf32, #tpu.memory_space<vmem_shared>>) offsets(%dma_start3A_221 : memref<80xi32, #tpu.memory_space<vmem>>) semaphore(%arg29 : memref<!tpu.dma_semaphore, #tpu.memory_space<semaphore_mem>>) {add = true}
      %add3A_225 = arith.constant 1 : i32
      %add3A_226 = arith.addi %mul3A_201, %add3A_225 : i32
      %dma_wait3A_227 = arith.constant 0 : i32
      %dma_wait3A_228 = tpu.memref_slice %arg7[%add3A_226, %dma_wait3A_227] : memref<250x80xi32, #tpu.memory_space<vmem>> -> memref<1x80xi32, #tpu.memory_space<vmem>>
      %dma_wait3A_229 = tpu.memref_squeeze %dma_wait3A_228 : memref<1x80xi32, #tpu.memory_space<vmem>> -> memref<80xi32, #tpu.memory_space<vmem>>
      %dma_wait3A_230 = arith.constant 0 : i32
      %dma_wait3A_231 = arith.constant 0 : i32
      %dma_wait3A_232 = tpu.memref_slice %arg2[%arg0, %dma_wait3A_230, %dma_wait3A_231] : memref<2x10000x64xf32, #tpu.memory_space<hbm>> -> memref<1x10000x64xf32, #tpu.memory_space<hbm>>
      %dma_wait3A_233 = tpu.memref_squeeze %dma_wait3A_232 : memref<1x10000x64xf32, #tpu.memory_space<hbm>> -> memref<10000x64xf32, #tpu.memory_space<hbm>>
      %dma_wait3A_234 = arith.constant 0 : i32
      %dma_wait3A_235 = arith.constant 0 : i32
      %dma_wait3A_236 = tpu.memref_slice %dma_wait3A_233[%dma_wait3A_234, %dma_wait3A_235] : memref<10000x64xf32, #tpu.memory_space<hbm>> -> memref<10000x64xf32, #tpu.memory_space<hbm>>
      tpu.wait_indirect_dma semaphore(%arg17 : memref<!tpu.dma_semaphore, #tpu.memory_space<semaphore_mem>>) src(%dma_wait3A_236 : memref<10000x64xf32, #tpu.memory_space<hbm>>) dst(%arg12 : memref<80x64xf32, #tpu.memory_space<vmem>>)
      %dma_start3A_237 = arith.constant 0 : i32
      %dma_start3A_238 = tpu.memref_slice %arg8[%add3A_226, %dma_start3A_237] : memref<250x80xi32, #tpu.memory_space<vmem>> -> memref<1x80xi32, #tpu.memory_space<vmem>>
      %dma_start3A_239 = tpu.memref_squeeze %dma_start3A_238 : memref<1x80xi32, #tpu.memory_space<vmem>> -> memref<80xi32, #tpu.memory_space<vmem>>
      %dma_start3A_240 = arith.constant 0 : i32
      %dma_start3A_241 = arith.constant 0 : i32
      %dma_start3A_242 = tpu.memref_slice %arg10[%dma_start3A_240, %dma_start3A_241] : memref<10000x64xf32, #tpu.memory_space<vmem_shared>> -> memref<10000x64xf32, #tpu.memory_space<vmem_shared>>
      tpu.enqueue_indirect_dma source(%arg12 : memref<80x64xf32, #tpu.memory_space<vmem>>) target(%dma_start3A_242 : memref<10000x64xf32, #tpu.memory_space<vmem_shared>>) offsets(%dma_start3A_239 : memref<80xi32, #tpu.memory_space<vmem>>) semaphore(%arg22 : memref<!tpu.dma_semaphore, #tpu.memory_space<semaphore_mem>>) {add = true}
      %dma_start3A_243 = arith.constant 0 : i32
      %dma_start3A_244 = tpu.memref_slice %arg8[%add3A_226, %dma_start3A_243] : memref<250x80xi32, #tpu.memory_space<vmem>> -> memref<1x80xi32, #tpu.memory_space<vmem>>
      %dma_start3A_245 = tpu.memref_squeeze %dma_start3A_244 : memref<1x80xi32, #tpu.memory_space<vmem>> -> memref<80xi32, #tpu.memory_space<vmem>>
      %dma_start3A_246 = arith.constant 0 : i32
      %dma_start3A_247 = arith.constant 0 : i32
      %dma_start3A_248 = tpu.memref_slice %arg28[%dma_start3A_246, %dma_start3A_247] : memref<10000x16xf32, #tpu.memory_space<vmem_shared>> -> memref<10000x16xf32, #tpu.memory_space<vmem_shared>>
      tpu.enqueue_indirect_dma source(%arg26 : memref<80x16xf32, #tpu.memory_space<vmem>>) target(%dma_start3A_248 : memref<10000x16xf32, #tpu.memory_space<vmem_shared>>) offsets(%dma_start3A_245 : memref<80xi32, #tpu.memory_space<vmem>>) semaphore(%arg30 : memref<!tpu.dma_semaphore, #tpu.memory_space<semaphore_mem>>) {add = true}
      %add3A_249 = arith.constant 2 : i32
      %add3A_250 = arith.addi %mul3A_201, %add3A_249 : i32
      %dma_wait3A_251 = arith.constant 0 : i32
      %dma_wait3A_252 = tpu.memref_slice %arg7[%add3A_250, %dma_wait3A_251] : memref<250x80xi32, #tpu.memory_space<vmem>> -> memref<1x80xi32, #tpu.memory_space<vmem>>
      %dma_wait3A_253 = tpu.memref_squeeze %dma_wait3A_252 : memref<1x80xi32, #tpu.memory_space<vmem>> -> memref<80xi32, #tpu.memory_space<vmem>>
      %dma_wait3A_254 = arith.constant 0 : i32
      %dma_wait3A_255 = arith.constant 0 : i32
      %dma_wait3A_256 = tpu.memref_slice %arg2[%arg0, %dma_wait3A_254, %dma_wait3A_255] : memref<2x10000x64xf32, #tpu.memory_space<hbm>> -> memref<1x10000x64xf32, #tpu.memory_space<hbm>>
      %dma_wait3A_257 = tpu.memref_squeeze %dma_wait3A_256 : memref<1x10000x64xf32, #tpu.memory_space<hbm>> -> memref<10000x64xf32, #tpu.memory_space<hbm>>
      %dma_wait3A_258 = arith.constant 0 : i32
      %dma_wait3A_259 = arith.constant 0 : i32
      %dma_wait3A_260 = tpu.memref_slice %dma_wait3A_257[%dma_wait3A_258, %dma_wait3A_259] : memref<10000x64xf32, #tpu.memory_space<hbm>> -> memref<10000x64xf32, #tpu.memory_space<hbm>>
      tpu.wait_indirect_dma semaphore(%arg18 : memref<!tpu.dma_semaphore, #tpu.memory_space<semaphore_mem>>) src(%dma_wait3A_260 : memref<10000x64xf32, #tpu.memory_space<hbm>>) dst(%arg13 : memref<80x64xf32, #tpu.memory_space<vmem>>)
      %dma_start3A_261 = arith.constant 0 : i32
      %dma_start3A_262 = tpu.memref_slice %arg8[%add3A_250, %dma_start3A_261] : memref<250x80xi32, #tpu.memory_space<vmem>> -> memref<1x80xi32, #tpu.memory_space<vmem>>
      %dma_start3A_263 = tpu.memref_squeeze %dma_start3A_262 : memref<1x80xi32, #tpu.memory_space<vmem>> -> memref<80xi32, #tpu.memory_space<vmem>>
      %dma_start3A_264 = arith.constant 0 : i32
      %dma_start3A_265 = arith.constant 0 : i32
      %dma_start3A_266 = tpu.memref_slice %arg10[%dma_start3A_264, %dma_start3A_265] : memref<10000x64xf32, #tpu.memory_space<vmem_shared>> -> memref<10000x64xf32, #tpu.memory_space<vmem_shared>>
      tpu.enqueue_indirect_dma source(%arg13 : memref<80x64xf32, #tpu.memory_space<vmem>>) target(%dma_start3A_266 : memref<10000x64xf32, #tpu.memory_space<vmem_shared>>) offsets(%dma_start3A_263 : memref<80xi32, #tpu.memory_space<vmem>>) semaphore(%arg23 : memref<!tpu.dma_semaphore, #tpu.memory_space<semaphore_mem>>) {add = true}
      %dma_start3A_267 = arith.constant 0 : i32
      %dma_start3A_268 = tpu.memref_slice %arg8[%add3A_250, %dma_start3A_267] : memref<250x80xi32, #tpu.memory_space<vmem>> -> memref<1x80xi32, #tpu.memory_space<vmem>>
      %dma_start3A_269 = tpu.memref_squeeze %dma_start3A_268 : memref<1x80xi32, #tpu.memory_space<vmem>> -> memref<80xi32, #tpu.memory_space<vmem>>
      %dma_start3A_270 = arith.constant 0 : i32
      %dma_start3A_271 = arith.constant 0 : i32
      %dma_start3A_272 = tpu.memref_slice %arg28[%dma_start3A_270, %dma_start3A_271] : memref<10000x16xf32, #tpu.memory_space<vmem_shared>> -> memref<10000x16xf32, #tpu.memory_space<vmem_shared>>
      tpu.enqueue_indirect_dma source(%arg26 : memref<80x16xf32, #tpu.memory_space<vmem>>) target(%dma_start3A_272 : memref<10000x16xf32, #tpu.memory_space<vmem_shared>>) offsets(%dma_start3A_269 : memref<80xi32, #tpu.memory_space<vmem>>) semaphore(%arg31 : memref<!tpu.dma_semaphore, #tpu.memory_space<semaphore_mem>>) {add = true}
      %add3A_273 = arith.constant 3 : i32
      %add3A_274 = arith.addi %mul3A_201, %add3A_273 : i32
      %dma_wait3A_275 = arith.constant 0 : i32
      %dma_wait3A_276 = tpu.memref_slice %arg7[%add3A_274, %dma_wait3A_275] : memref<250x80xi32, #tpu.memory_space<vmem>> -> memref<1x80xi32, #tpu.memory_space<vmem>>
      %dma_wait3A_277 = tpu.memref_squeeze %dma_wait3A_276 : memref<1x80xi32, #tpu.memory_space<vmem>> -> memref<80xi32, #tpu.memory_space<vmem>>
      %dma_wait3A_278 = arith.constant 0 : i32
      %dma_wait3A_279 = arith.constant 0 : i32
      %dma_wait3A_280 = tpu.memref_slice %arg2[%arg0, %dma_wait3A_278, %dma_wait3A_279] : memref<2x10000x64xf32, #tpu.memory_space<hbm>> -> memref<1x10000x64xf32, #tpu.memory_space<hbm>>
      %dma_wait3A_281 = tpu.memref_squeeze %dma_wait3A_280 : memref<1x10000x64xf32, #tpu.memory_space<hbm>> -> memref<10000x64xf32, #tpu.memory_space<hbm>>
      %dma_wait3A_282 = arith.constant 0 : i32
      %dma_wait3A_283 = arith.constant 0 : i32
      %dma_wait3A_284 = tpu.memref_slice %dma_wait3A_281[%dma_wait3A_282, %dma_wait3A_283] : memref<10000x64xf32, #tpu.memory_space<hbm>> -> memref<10000x64xf32, #tpu.memory_space<hbm>>
      tpu.wait_indirect_dma semaphore(%arg19 : memref<!tpu.dma_semaphore, #tpu.memory_space<semaphore_mem>>) src(%dma_wait3A_284 : memref<10000x64xf32, #tpu.memory_space<hbm>>) dst(%arg14 : memref<80x64xf32, #tpu.memory_space<vmem>>)
      %dma_start3A_285 = arith.constant 0 : i32
      %dma_start3A_286 = tpu.memref_slice %arg8[%add3A_274, %dma_start3A_285] : memref<250x80xi32, #tpu.memory_space<vmem>> -> memref<1x80xi32, #tpu.memory_space<vmem>>
      %dma_start3A_287 = tpu.memref_squeeze %dma_start3A_286 : memref<1x80xi32, #tpu.memory_space<vmem>> -> memref<80xi32, #tpu.memory_space<vmem>>
      %dma_start3A_288 = arith.constant 0 : i32
      %dma_start3A_289 = arith.constant 0 : i32
      %dma_start3A_290 = tpu.memref_slice %arg10[%dma_start3A_288, %dma_start3A_289] : memref<10000x64xf32, #tpu.memory_space<vmem_shared>> -> memref<10000x64xf32, #tpu.memory_space<vmem_shared>>
      tpu.enqueue_indirect_dma source(%arg14 : memref<80x64xf32, #tpu.memory_space<vmem>>) target(%dma_start3A_290 : memref<10000x64xf32, #tpu.memory_space<vmem_shared>>) offsets(%dma_start3A_287 : memref<80xi32, #tpu.memory_space<vmem>>) semaphore(%arg24 : memref<!tpu.dma_semaphore, #tpu.memory_space<semaphore_mem>>) {add = true}
      %dma_start3A_291 = arith.constant 0 : i32
      %dma_start3A_292 = tpu.memref_slice %arg8[%add3A_274, %dma_start3A_291] : memref<250x80xi32, #tpu.memory_space<vmem>> -> memref<1x80xi32, #tpu.memory_space<vmem>>
      %dma_start3A_293 = tpu.memref_squeeze %dma_start3A_292 : memref<1x80xi32, #tpu.memory_space<vmem>> -> memref<80xi32, #tpu.memory_space<vmem>>
      %dma_start3A_294 = arith.constant 0 : i32
      %dma_start3A_295 = arith.constant 0 : i32
      %dma_start3A_296 = tpu.memref_slice %arg28[%dma_start3A_294, %dma_start3A_295] : memref<10000x16xf32, #tpu.memory_space<vmem_shared>> -> memref<10000x16xf32, #tpu.memory_space<vmem_shared>>
      tpu.enqueue_indirect_dma source(%arg26 : memref<80x16xf32, #tpu.memory_space<vmem>>) target(%dma_start3A_296 : memref<10000x16xf32, #tpu.memory_space<vmem_shared>>) offsets(%dma_start3A_293 : memref<80xi32, #tpu.memory_space<vmem>>) semaphore(%arg32 : memref<!tpu.dma_semaphore, #tpu.memory_space<semaphore_mem>>) {add = true}
      %add3A_297 = arith.constant 4 : i32
      %add3A_298 = arith.addi %mul3A_201, %add3A_297 : i32
      %dma_wait3A_299 = arith.constant 0 : i32
      %dma_wait3A_300 = tpu.memref_slice %arg7[%add3A_298, %dma_wait3A_299] : memref<250x80xi32, #tpu.memory_space<vmem>> -> memref<1x80xi32, #tpu.memory_space<vmem>>
      %dma_wait3A_301 = tpu.memref_squeeze %dma_wait3A_300 : memref<1x80xi32, #tpu.memory_space<vmem>> -> memref<80xi32, #tpu.memory_space<vmem>>
      %dma_wait3A_302 = arith.constant 0 : i32
      %dma_wait3A_303 = arith.constant 0 : i32
      %dma_wait3A_304 = tpu.memref_slice %arg2[%arg0, %dma_wait3A_302, %dma_wait3A_303] : memref<2x10000x64xf32, #tpu.memory_space<hbm>> -> memref<1x10000x64xf32, #tpu.memory_space<hbm>>
      %dma_wait3A_305 = tpu.memref_squeeze %dma_wait3A_304 : memref<1x10000x64xf32, #tpu.memory_space<hbm>> -> memref<10000x64xf32, #tpu.memory_space<hbm>>
      %dma_wait3A_306 = arith.constant 0 : i32
      %dma_wait3A_307 = arith.constant 0 : i32
      %dma_wait3A_308 = tpu.memref_slice %dma_wait3A_305[%dma_wait3A_306, %dma_wait3A_307] : memref<10000x64xf32, #tpu.memory_space<hbm>> -> memref<10000x64xf32, #tpu.memory_space<hbm>>
      tpu.wait_indirect_dma semaphore(%arg20 : memref<!tpu.dma_semaphore, #tpu.memory_space<semaphore_mem>>) src(%dma_wait3A_308 : memref<10000x64xf32, #tpu.memory_space<hbm>>) dst(%arg15 : memref<80x64xf32, #tpu.memory_space<vmem>>)
      %dma_start3A_309 = arith.constant 0 : i32
      %dma_start3A_310 = tpu.memref_slice %arg8[%add3A_298, %dma_start3A_309] : memref<250x80xi32, #tpu.memory_space<vmem>> -> memref<1x80xi32, #tpu.memory_space<vmem>>
      %dma_start3A_311 = tpu.memref_squeeze %dma_start3A_310 : memref<1x80xi32, #tpu.memory_space<vmem>> -> memref<80xi32, #tpu.memory_space<vmem>>
      %dma_start3A_312 = arith.constant 0 : i32
      %dma_start3A_313 = arith.constant 0 : i32
      %dma_start3A_314 = tpu.memref_slice %arg10[%dma_start3A_312, %dma_start3A_313] : memref<10000x64xf32, #tpu.memory_space<vmem_shared>> -> memref<10000x64xf32, #tpu.memory_space<vmem_shared>>
      tpu.enqueue_indirect_dma source(%arg15 : memref<80x64xf32, #tpu.memory_space<vmem>>) target(%dma_start3A_314 : memref<10000x64xf32, #tpu.memory_space<vmem_shared>>) offsets(%dma_start3A_311 : memref<80xi32, #tpu.memory_space<vmem>>) semaphore(%arg25 : memref<!tpu.dma_semaphore, #tpu.memory_space<semaphore_mem>>) {add = true}
      %dma_start3A_315 = arith.constant 0 : i32
      %dma_start3A_316 = tpu.memref_slice %arg8[%add3A_298, %dma_start3A_315] : memref<250x80xi32, #tpu.memory_space<vmem>> -> memref<1x80xi32, #tpu.memory_space<vmem>>
      %dma_start3A_317 = tpu.memref_squeeze %dma_start3A_316 : memref<1x80xi32, #tpu.memory_space<vmem>> -> memref<80xi32, #tpu.memory_space<vmem>>
      %dma_start3A_318 = arith.constant 0 : i32
      %dma_start3A_319 = arith.constant 0 : i32
      %dma_start3A_320 = tpu.memref_slice %arg28[%dma_start3A_318, %dma_start3A_319] : memref<10000x16xf32, #tpu.memory_space<vmem_shared>> -> memref<10000x16xf32, #tpu.memory_space<vmem_shared>>
      tpu.enqueue_indirect_dma source(%arg26 : memref<80x16xf32, #tpu.memory_space<vmem>>) target(%dma_start3A_320 : memref<10000x16xf32, #tpu.memory_space<vmem_shared>>) offsets(%dma_start3A_317 : memref<80xi32, #tpu.memory_space<vmem>>) semaphore(%arg33 : memref<!tpu.dma_semaphore, #tpu.memory_space<semaphore_mem>>) {add = true}
      %add3A_321 = arith.constant 0 : i32
      %add3A_322 = arith.addi %mul3A_201, %add3A_321 : i32
      %dma_wait3A_323 = arith.constant 0 : i32
      %dma_wait3A_324 = tpu.memref_slice %arg8[%add3A_322, %dma_wait3A_323] : memref<250x80xi32, #tpu.memory_space<vmem>> -> memref<1x80xi32, #tpu.memory_space<vmem>>
      %dma_wait3A_325 = tpu.memref_squeeze %dma_wait3A_324 : memref<1x80xi32, #tpu.memory_space<vmem>> -> memref<80xi32, #tpu.memory_space<vmem>>
      %dma_wait3A_326 = arith.constant 0 : i32
      %dma_wait3A_327 = arith.constant 0 : i32
      %dma_wait3A_328 = tpu.memref_slice %arg10[%dma_wait3A_326, %dma_wait3A_327] : memref<10000x64xf32, #tpu.memory_space<vmem_shared>> -> memref<10000x64xf32, #tpu.memory_space<vmem_shared>>
      tpu.wait_indirect_dma semaphore(%arg21 : memref<!tpu.dma_semaphore, #tpu.memory_space<semaphore_mem>>) src(%arg11 : memref<80x64xf32, #tpu.memory_space<vmem>>) dst(%dma_wait3A_328 : memref<10000x64xf32, #tpu.memory_space<vmem_shared>>)
      %dma_wait3A_329 = arith.constant 0 : i32
      %dma_wait3A_330 = tpu.memref_slice %arg8[%add3A_322, %dma_wait3A_329] : memref<250x80xi32, #tpu.memory_space<vmem>> -> memref<1x80xi32, #tpu.memory_space<vmem>>
      %dma_wait3A_331 = tpu.memref_squeeze %dma_wait3A_330 : memref<1x80xi32, #tpu.memory_space<vmem>> -> memref<80xi32, #tpu.memory_space<vmem>>
      %dma_wait3A_332 = arith.constant 0 : i32
      %dma_wait3A_333 = arith.constant 0 : i32
      %dma_wait3A_334 = tpu.memref_slice %arg28[%dma_wait3A_332, %dma_wait3A_333] : memref<10000x16xf32, #tpu.memory_space<vmem_shared>> -> memref<10000x16xf32, #tpu.memory_space<vmem_shared>>
      tpu.wait_indirect_dma semaphore(%arg29 : memref<!tpu.dma_semaphore, #tpu.memory_space<semaphore_mem>>) src(%arg26 : memref<80x16xf32, #tpu.memory_space<vmem>>) dst(%dma_wait3A_334 : memref<10000x16xf32, #tpu.memory_space<vmem_shared>>)
      %add3A_335 = arith.constant 5 : i32
      %add3A_336 = arith.addi %add3A_322, %add3A_335 : i32
      %lt3A = arith.constant 250 : i32
      %lt3A_337 = arith.cmpi slt, %add3A_336, %lt3A : i32
      %convert_element_type3A_338 = arith.extui %lt3A_337 : i1 to i32
      %cond3A_339 = arith.constant 0 : i32
      %cond3A_340 = arith.cmpi ne, %convert_element_type3A_338, %cond3A_339 : i32
      scf.if %cond3A_340 {
        %dma_start3A_426 = arith.constant 0 : i32
        %dma_start3A_427 = tpu.memref_slice %arg7[%add3A_336, %dma_start3A_426] : memref<250x80xi32, #tpu.memory_space<vmem>> -> memref<1x80xi32, #tpu.memory_space<vmem>>
        %dma_start3A_428 = tpu.memref_squeeze %dma_start3A_427 : memref<1x80xi32, #tpu.memory_space<vmem>> -> memref<80xi32, #tpu.memory_space<vmem>>
        %dma_start3A_429 = arith.constant 0 : i32
        %dma_start3A_430 = arith.constant 0 : i32
        %dma_start3A_431 = tpu.memref_slice %arg2[%arg0, %dma_start3A_429, %dma_start3A_430] : memref<2x10000x64xf32, #tpu.memory_space<hbm>> -> memref<1x10000x64xf32, #tpu.memory_space<hbm>>
        %dma_start3A_432 = tpu.memref_squeeze %dma_start3A_431 : memref<1x10000x64xf32, #tpu.memory_space<hbm>> -> memref<10000x64xf32, #tpu.memory_space<hbm>>
        %dma_start3A_433 = arith.constant 0 : i32
        %dma_start3A_434 = arith.constant 0 : i32
        %dma_start3A_435 = tpu.memref_slice %dma_start3A_432[%dma_start3A_433, %dma_start3A_434] : memref<10000x64xf32, #tpu.memory_space<hbm>> -> memref<10000x64xf32, #tpu.memory_space<hbm>>
        tpu.enqueue_indirect_dma source(%dma_start3A_435 : memref<10000x64xf32, #tpu.memory_space<hbm>>) target(%arg11 : memref<80x64xf32, #tpu.memory_space<vmem>>) offsets(%dma_start3A_428 : memref<80xi32, #tpu.memory_space<vmem>>) semaphore(%arg16 : memref<!tpu.dma_semaphore, #tpu.memory_space<semaphore_mem>>)
      } else {
      }
      %add3A_341 = arith.constant 1 : i32
      %add3A_342 = arith.addi %mul3A_201, %add3A_341 : i32
      %dma_wait3A_343 = arith.constant 0 : i32
      %dma_wait3A_344 = tpu.memref_slice %arg8[%add3A_342, %dma_wait3A_343] : memref<250x80xi32, #tpu.memory_space<vmem>> -> memref<1x80xi32, #tpu.memory_space<vmem>>
      %dma_wait3A_345 = tpu.memref_squeeze %dma_wait3A_344 : memref<1x80xi32, #tpu.memory_space<vmem>> -> memref<80xi32, #tpu.memory_space<vmem>>
      %dma_wait3A_346 = arith.constant 0 : i32
      %dma_wait3A_347 = arith.constant 0 : i32
      %dma_wait3A_348 = tpu.memref_slice %arg10[%dma_wait3A_346, %dma_wait3A_347] : memref<10000x64xf32, #tpu.memory_space<vmem_shared>> -> memref<10000x64xf32, #tpu.memory_space<vmem_shared>>
      tpu.wait_indirect_dma semaphore(%arg22 : memref<!tpu.dma_semaphore, #tpu.memory_space<semaphore_mem>>) src(%arg12 : memref<80x64xf32, #tpu.memory_space<vmem>>) dst(%dma_wait3A_348 : memref<10000x64xf32, #tpu.memory_space<vmem_shared>>)
      %dma_wait3A_349 = arith.constant 0 : i32
      %dma_wait3A_350 = tpu.memref_slice %arg8[%add3A_342, %dma_wait3A_349] : memref<250x80xi32, #tpu.memory_space<vmem>> -> memref<1x80xi32, #tpu.memory_space<vmem>>
      %dma_wait3A_351 = tpu.memref_squeeze %dma_wait3A_350 : memref<1x80xi32, #tpu.memory_space<vmem>> -> memref<80xi32, #tpu.memory_space<vmem>>
      %dma_wait3A_352 = arith.constant 0 : i32
      %dma_wait3A_353 = arith.constant 0 : i32
      %dma_wait3A_354 = tpu.memref_slice %arg28[%dma_wait3A_352, %dma_wait3A_353] : memref<10000x16xf32, #tpu.memory_space<vmem_shared>> -> memref<10000x16xf32, #tpu.memory_space<vmem_shared>>
      tpu.wait_indirect_dma semaphore(%arg30 : memref<!tpu.dma_semaphore, #tpu.memory_space<semaphore_mem>>) src(%arg26 : memref<80x16xf32, #tpu.memory_space<vmem>>) dst(%dma_wait3A_354 : memref<10000x16xf32, #tpu.memory_space<vmem_shared>>)
      %add3A_355 = arith.constant 5 : i32
      %add3A_356 = arith.addi %add3A_342, %add3A_355 : i32
      %lt3A_357 = arith.constant 250 : i32
      %lt3A_358 = arith.cmpi slt, %add3A_356, %lt3A_357 : i32
      %convert_element_type3A_359 = arith.extui %lt3A_358 : i1 to i32
      %cond3A_360 = arith.constant 0 : i32
      %cond3A_361 = arith.cmpi ne, %convert_element_type3A_359, %cond3A_360 : i32
      scf.if %cond3A_361 {
        %dma_start3A_426 = arith.constant 0 : i32
        %dma_start3A_427 = tpu.memref_slice %arg7[%add3A_356, %dma_start3A_426] : memref<250x80xi32, #tpu.memory_space<vmem>> -> memref<1x80xi32, #tpu.memory_space<vmem>>
        %dma_start3A_428 = tpu.memref_squeeze %dma_start3A_427 : memref<1x80xi32, #tpu.memory_space<vmem>> -> memref<80xi32, #tpu.memory_space<vmem>>
        %dma_start3A_429 = arith.constant 0 : i32
        %dma_start3A_430 = arith.constant 0 : i32
        %dma_start3A_431 = tpu.memref_slice %arg2[%arg0, %dma_start3A_429, %dma_start3A_430] : memref<2x10000x64xf32, #tpu.memory_space<hbm>> -> memref<1x10000x64xf32, #tpu.memory_space<hbm>>
        %dma_start3A_432 = tpu.memref_squeeze %dma_start3A_431 : memref<1x10000x64xf32, #tpu.memory_space<hbm>> -> memref<10000x64xf32, #tpu.memory_space<hbm>>
        %dma_start3A_433 = arith.constant 0 : i32
        %dma_start3A_434 = arith.constant 0 : i32
        %dma_start3A_435 = tpu.memref_slice %dma_start3A_432[%dma_start3A_433, %dma_start3A_434] : memref<10000x64xf32, #tpu.memory_space<hbm>> -> memref<10000x64xf32, #tpu.memory_space<hbm>>
        tpu.enqueue_indirect_dma source(%dma_start3A_435 : memref<10000x64xf32, #tpu.memory_space<hbm>>) target(%arg12 : memref<80x64xf32, #tpu.memory_space<vmem>>) offsets(%dma_start3A_428 : memref<80xi32, #tpu.memory_space<vmem>>) semaphore(%arg17 : memref<!tpu.dma_semaphore, #tpu.memory_space<semaphore_mem>>)
      } else {
      }
      %add3A_362 = arith.constant 2 : i32
      %add3A_363 = arith.addi %mul3A_201, %add3A_362 : i32
      %dma_wait3A_364 = arith.constant 0 : i32
      %dma_wait3A_365 = tpu.memref_slice %arg8[%add3A_363, %dma_wait3A_364] : memref<250x80xi32, #tpu.memory_space<vmem>> -> memref<1x80xi32, #tpu.memory_space<vmem>>
      %dma_wait3A_366 = tpu.memref_squeeze %dma_wait3A_365 : memref<1x80xi32, #tpu.memory_space<vmem>> -> memref<80xi32, #tpu.memory_space<vmem>>
      %dma_wait3A_367 = arith.constant 0 : i32
      %dma_wait3A_368 = arith.constant 0 : i32
      %dma_wait3A_369 = tpu.memref_slice %arg10[%dma_wait3A_367, %dma_wait3A_368] : memref<10000x64xf32, #tpu.memory_space<vmem_shared>> -> memref<10000x64xf32, #tpu.memory_space<vmem_shared>>
      tpu.wait_indirect_dma semaphore(%arg23 : memref<!tpu.dma_semaphore, #tpu.memory_space<semaphore_mem>>) src(%arg13 : memref<80x64xf32, #tpu.memory_space<vmem>>) dst(%dma_wait3A_369 : memref<10000x64xf32, #tpu.memory_space<vmem_shared>>)
      %dma_wait3A_370 = arith.constant 0 : i32
      %dma_wait3A_371 = tpu.memref_slice %arg8[%add3A_363, %dma_wait3A_370] : memref<250x80xi32, #tpu.memory_space<vmem>> -> memref<1x80xi32, #tpu.memory_space<vmem>>
      %dma_wait3A_372 = tpu.memref_squeeze %dma_wait3A_371 : memref<1x80xi32, #tpu.memory_space<vmem>> -> memref<80xi32, #tpu.memory_space<vmem>>
      %dma_wait3A_373 = arith.constant 0 : i32
      %dma_wait3A_374 = arith.constant 0 : i32
      %dma_wait3A_375 = tpu.memref_slice %arg28[%dma_wait3A_373, %dma_wait3A_374] : memref<10000x16xf32, #tpu.memory_space<vmem_shared>> -> memref<10000x16xf32, #tpu.memory_space<vmem_shared>>
      tpu.wait_indirect_dma semaphore(%arg31 : memref<!tpu.dma_semaphore, #tpu.memory_space<semaphore_mem>>) src(%arg26 : memref<80x16xf32, #tpu.memory_space<vmem>>) dst(%dma_wait3A_375 : memref<10000x16xf32, #tpu.memory_space<vmem_shared>>)
      %add3A_376 = arith.constant 5 : i32
      %add3A_377 = arith.addi %add3A_363, %add3A_376 : i32
      %lt3A_378 = arith.constant 250 : i32
      %lt3A_379 = arith.cmpi slt, %add3A_377, %lt3A_378 : i32
      %convert_element_type3A_380 = arith.extui %lt3A_379 : i1 to i32
      %cond3A_381 = arith.constant 0 : i32
      %cond3A_382 = arith.cmpi ne, %convert_element_type3A_380, %cond3A_381 : i32
      scf.if %cond3A_382 {
        %dma_start3A_426 = arith.constant 0 : i32
        %dma_start3A_427 = tpu.memref_slice %arg7[%add3A_377, %dma_start3A_426] : memref<250x80xi32, #tpu.memory_space<vmem>> -> memref<1x80xi32, #tpu.memory_space<vmem>>
        %dma_start3A_428 = tpu.memref_squeeze %dma_start3A_427 : memref<1x80xi32, #tpu.memory_space<vmem>> -> memref<80xi32, #tpu.memory_space<vmem>>
        %dma_start3A_429 = arith.constant 0 : i32
        %dma_start3A_430 = arith.constant 0 : i32
        %dma_start3A_431 = tpu.memref_slice %arg2[%arg0, %dma_start3A_429, %dma_start3A_430] : memref<2x10000x64xf32, #tpu.memory_space<hbm>> -> memref<1x10000x64xf32, #tpu.memory_space<hbm>>
        %dma_start3A_432 = tpu.memref_squeeze %dma_start3A_431 : memref<1x10000x64xf32, #tpu.memory_space<hbm>> -> memref<10000x64xf32, #tpu.memory_space<hbm>>
        %dma_start3A_433 = arith.constant 0 : i32
        %dma_start3A_434 = arith.constant 0 : i32
        %dma_start3A_435 = tpu.memref_slice %dma_start3A_432[%dma_start3A_433, %dma_start3A_434] : memref<10000x64xf32, #tpu.memory_space<hbm>> -> memref<10000x64xf32, #tpu.memory_space<hbm>>
        tpu.enqueue_indirect_dma source(%dma_start3A_435 : memref<10000x64xf32, #tpu.memory_space<hbm>>) target(%arg13 : memref<80x64xf32, #tpu.memory_space<vmem>>) offsets(%dma_start3A_428 : memref<80xi32, #tpu.memory_space<vmem>>) semaphore(%arg18 : memref<!tpu.dma_semaphore, #tpu.memory_space<semaphore_mem>>)
      } else {
      }
      %add3A_383 = arith.constant 3 : i32
      %add3A_384 = arith.addi %mul3A_201, %add3A_383 : i32
      %dma_wait3A_385 = arith.constant 0 : i32
      %dma_wait3A_386 = tpu.memref_slice %arg8[%add3A_384, %dma_wait3A_385] : memref<250x80xi32, #tpu.memory_space<vmem>> -> memref<1x80xi32, #tpu.memory_space<vmem>>
      %dma_wait3A_387 = tpu.memref_squeeze %dma_wait3A_386 : memref<1x80xi32, #tpu.memory_space<vmem>> -> memref<80xi32, #tpu.memory_space<vmem>>
      %dma_wait3A_388 = arith.constant 0 : i32
      %dma_wait3A_389 = arith.constant 0 : i32
      %dma_wait3A_390 = tpu.memref_slice %arg10[%dma_wait3A_388, %dma_wait3A_389] : memref<10000x64xf32, #tpu.memory_space<vmem_shared>> -> memref<10000x64xf32, #tpu.memory_space<vmem_shared>>
      tpu.wait_indirect_dma semaphore(%arg24 : memref<!tpu.dma_semaphore, #tpu.memory_space<semaphore_mem>>) src(%arg14 : memref<80x64xf32, #tpu.memory_space<vmem>>) dst(%dma_wait3A_390 : memref<10000x64xf32, #tpu.memory_space<vmem_shared>>)
      %dma_wait3A_391 = arith.constant 0 : i32
      %dma_wait3A_392 = tpu.memref_slice %arg8[%add3A_384, %dma_wait3A_391] : memref<250x80xi32, #tpu.memory_space<vmem>> -> memref<1x80xi32, #tpu.memory_space<vmem>>
      %dma_wait3A_393 = tpu.memref_squeeze %dma_wait3A_392 : memref<1x80xi32, #tpu.memory_space<vmem>> -> memref<80xi32, #tpu.memory_space<vmem>>
      %dma_wait3A_394 = arith.constant 0 : i32
      %dma_wait3A_395 = arith.constant 0 : i32
      %dma_wait3A_396 = tpu.memref_slice %arg28[%dma_wait3A_394, %dma_wait3A_395] : memref<10000x16xf32, #tpu.memory_space<vmem_shared>> -> memref<10000x16xf32, #tpu.memory_space<vmem_shared>>
      tpu.wait_indirect_dma semaphore(%arg32 : memref<!tpu.dma_semaphore, #tpu.memory_space<semaphore_mem>>) src(%arg26 : memref<80x16xf32, #tpu.memory_space<vmem>>) dst(%dma_wait3A_396 : memref<10000x16xf32, #tpu.memory_space<vmem_shared>>)
      %add3A_397 = arith.constant 5 : i32
      %add3A_398 = arith.addi %add3A_384, %add3A_397 : i32
      %lt3A_399 = arith.constant 250 : i32
      %lt3A_400 = arith.cmpi slt, %add3A_398, %lt3A_399 : i32
      %convert_element_type3A_401 = arith.extui %lt3A_400 : i1 to i32
      %cond3A_402 = arith.constant 0 : i32
      %cond3A_403 = arith.cmpi ne, %convert_element_type3A_401, %cond3A_402 : i32
      scf.if %cond3A_403 {
        %dma_start3A_426 = arith.constant 0 : i32
        %dma_start3A_427 = tpu.memref_slice %arg7[%add3A_398, %dma_start3A_426] : memref<250x80xi32, #tpu.memory_space<vmem>> -> memref<1x80xi32, #tpu.memory_space<vmem>>
        %dma_start3A_428 = tpu.memref_squeeze %dma_start3A_427 : memref<1x80xi32, #tpu.memory_space<vmem>> -> memref<80xi32, #tpu.memory_space<vmem>>
        %dma_start3A_429 = arith.constant 0 : i32
        %dma_start3A_430 = arith.constant 0 : i32
        %dma_start3A_431 = tpu.memref_slice %arg2[%arg0, %dma_start3A_429, %dma_start3A_430] : memref<2x10000x64xf32, #tpu.memory_space<hbm>> -> memref<1x10000x64xf32, #tpu.memory_space<hbm>>
        %dma_start3A_432 = tpu.memref_squeeze %dma_start3A_431 : memref<1x10000x64xf32, #tpu.memory_space<hbm>> -> memref<10000x64xf32, #tpu.memory_space<hbm>>
        %dma_start3A_433 = arith.constant 0 : i32
        %dma_start3A_434 = arith.constant 0 : i32
        %dma_start3A_435 = tpu.memref_slice %dma_start3A_432[%dma_start3A_433, %dma_start3A_434] : memref<10000x64xf32, #tpu.memory_space<hbm>> -> memref<10000x64xf32, #tpu.memory_space<hbm>>
        tpu.enqueue_indirect_dma source(%dma_start3A_435 : memref<10000x64xf32, #tpu.memory_space<hbm>>) target(%arg14 : memref<80x64xf32, #tpu.memory_space<vmem>>) offsets(%dma_start3A_428 : memref<80xi32, #tpu.memory_space<vmem>>) semaphore(%arg19 : memref<!tpu.dma_semaphore, #tpu.memory_space<semaphore_mem>>)
      } else {
      }
      %add3A_404 = arith.constant 4 : i32
      %add3A_405 = arith.addi %mul3A_201, %add3A_404 : i32
      %dma_wait3A_406 = arith.constant 0 : i32
      %dma_wait3A_407 = tpu.memref_slice %arg8[%add3A_405, %dma_wait3A_406] : memref<250x80xi32, #tpu.memory_space<vmem>> -> memref<1x80xi32, #tpu.memory_space<vmem>>
      %dma_wait3A_408 = tpu.memref_squeeze %dma_wait3A_407 : memref<1x80xi32, #tpu.memory_space<vmem>> -> memref<80xi32, #tpu.memory_space<vmem>>
      %dma_wait3A_409 = arith.constant 0 : i32
      %dma_wait3A_410 = arith.constant 0 : i32
      %dma_wait3A_411 = tpu.memref_slice %arg10[%dma_wait3A_409, %dma_wait3A_410] : memref<10000x64xf32, #tpu.memory_space<vmem_shared>> -> memref<10000x64xf32, #tpu.memory_space<vmem_shared>>
      tpu.wait_indirect_dma semaphore(%arg25 : memref<!tpu.dma_semaphore, #tpu.memory_space<semaphore_mem>>) src(%arg15 : memref<80x64xf32, #tpu.memory_space<vmem>>) dst(%dma_wait3A_411 : memref<10000x64xf32, #tpu.memory_space<vmem_shared>>)
      %dma_wait3A_412 = arith.constant 0 : i32
      %dma_wait3A_413 = tpu.memref_slice %arg8[%add3A_405, %dma_wait3A_412] : memref<250x80xi32, #tpu.memory_space<vmem>> -> memref<1x80xi32, #tpu.memory_space<vmem>>
      %dma_wait3A_414 = tpu.memref_squeeze %dma_wait3A_413 : memref<1x80xi32, #tpu.memory_space<vmem>> -> memref<80xi32, #tpu.memory_space<vmem>>
      %dma_wait3A_415 = arith.constant 0 : i32
      %dma_wait3A_416 = arith.constant 0 : i32
      %dma_wait3A_417 = tpu.memref_slice %arg28[%dma_wait3A_415, %dma_wait3A_416] : memref<10000x16xf32, #tpu.memory_space<vmem_shared>> -> memref<10000x16xf32, #tpu.memory_space<vmem_shared>>
      tpu.wait_indirect_dma semaphore(%arg33 : memref<!tpu.dma_semaphore, #tpu.memory_space<semaphore_mem>>) src(%arg26 : memref<80x16xf32, #tpu.memory_space<vmem>>) dst(%dma_wait3A_417 : memref<10000x16xf32, #tpu.memory_space<vmem_shared>>)
      %add3A_418 = arith.constant 5 : i32
      %add3A_419 = arith.addi %add3A_405, %add3A_418 : i32
      %lt3A_420 = arith.constant 250 : i32
      %lt3A_421 = arith.cmpi slt, %add3A_419, %lt3A_420 : i32
      %convert_element_type3A_422 = arith.extui %lt3A_421 : i1 to i32
      %cond3A_423 = arith.constant 0 : i32
      %cond3A_424 = arith.cmpi ne, %convert_element_type3A_422, %cond3A_423 : i32
      scf.if %cond3A_424 {
        %dma_start3A_426 = arith.constant 0 : i32
        %dma_start3A_427 = tpu.memref_slice %arg7[%add3A_419, %dma_start3A_426] : memref<250x80xi32, #tpu.memory_space<vmem>> -> memref<1x80xi32, #tpu.memory_space<vmem>>
        %dma_start3A_428 = tpu.memref_squeeze %dma_start3A_427 : memref<1x80xi32, #tpu.memory_space<vmem>> -> memref<80xi32, #tpu.memory_space<vmem>>
        %dma_start3A_429 = arith.constant 0 : i32
        %dma_start3A_430 = arith.constant 0 : i32
        %dma_start3A_431 = tpu.memref_slice %arg2[%arg0, %dma_start3A_429, %dma_start3A_430] : memref<2x10000x64xf32, #tpu.memory_space<hbm>> -> memref<1x10000x64xf32, #tpu.memory_space<hbm>>
        %dma_start3A_432 = tpu.memref_squeeze %dma_start3A_431 : memref<1x10000x64xf32, #tpu.memory_space<hbm>> -> memref<10000x64xf32, #tpu.memory_space<hbm>>
        %dma_start3A_433 = arith.constant 0 : i32
        %dma_start3A_434 = arith.constant 0 : i32
        %dma_start3A_435 = tpu.memref_slice %dma_start3A_432[%dma_start3A_433, %dma_start3A_434] : memref<10000x64xf32, #tpu.memory_space<hbm>> -> memref<10000x64xf32, #tpu.memory_space<hbm>>
        tpu.enqueue_indirect_dma source(%dma_start3A_435 : memref<10000x64xf32, #tpu.memory_space<hbm>>) target(%arg15 : memref<80x64xf32, #tpu.memory_space<vmem>>) offsets(%dma_start3A_428 : memref<80xi32, #tpu.memory_space<vmem>>) semaphore(%arg20 : memref<!tpu.dma_semaphore, #tpu.memory_space<semaphore_mem>>)
      } else {
      }
      %scan3A_425 = arith.constant 0 : i32
      scf.yield %scan3A_425 : i32
    }
    %scan3A_138 = arith.constant 50 : i32
    %barrier3A_139 = arith.constant 0 : index
    tpu.barrier barrier_id(%barrier3A_139)
    %add3A_140 = arith.constant 0 : i32
    %add3A_141 = arith.addi %arg1, %add3A_140 : i32
    %mul3A_142 = arith.constant 104 : i32
    %mul3A_143 = arith.muli %add3A_141, %mul3A_142 : i32
    "tpu.region"() ({
      %run_scoped3A = tpu.sem_alloc : memref<!tpu.dma_semaphore, #tpu.memory_space<semaphore_mem>>
      %dma_start3A_198 = arith.constant 0 : i32
      %dma_start3A_199 = tpu.memref_slice %arg5[%arg0, %mul3A_143, %dma_start3A_198] : memref<2x10000x64xf32, #tpu.memory_space<hbm>> -> memref<1x104x64xf32, #tpu.memory_space<hbm>>
      %dma_start3A_200 = tpu.memref_squeeze %dma_start3A_199 : memref<1x104x64xf32, #tpu.memory_space<hbm>> -> memref<104x64xf32, #tpu.memory_space<hbm>>
      %dma_start3A_201 = arith.constant 0 : i32
      %dma_start3A_202 = tpu.memref_slice %arg10[%mul3A_143, %dma_start3A_201] : memref<10000x64xf32, #tpu.memory_space<vmem_shared>> -> memref<104x64xf32, #tpu.memory_space<vmem_shared>>
      tpu.enqueue_dma source(%dma_start3A_202 : memref<104x64xf32, #tpu.memory_space<vmem_shared>>) target(%dma_start3A_200 : memref<104x64xf32, #tpu.memory_space<hbm>>) target_semaphore(%run_scoped3A : memref<!tpu.dma_semaphore, #tpu.memory_space<semaphore_mem>>)
      %dma_wait3A = arith.constant 0 : i32
      %dma_wait3A_203 = tpu.memref_slice %arg5[%arg0, %mul3A_143, %dma_wait3A] : memref<2x10000x64xf32, #tpu.memory_space<hbm>> -> memref<1x104x64xf32, #tpu.memory_space<hbm>>
      %dma_wait3A_204 = tpu.memref_squeeze %dma_wait3A_203 : memref<1x104x64xf32, #tpu.memory_space<hbm>> -> memref<104x64xf32, #tpu.memory_space<hbm>>
      %dma_wait3A_205 = arith.constant 0 : i32
      %dma_wait3A_206 = tpu.memref_slice %arg10[%mul3A_143, %dma_wait3A_205] : memref<10000x64xf32, #tpu.memory_space<vmem_shared>> -> memref<104x64xf32, #tpu.memory_space<vmem_shared>>
      tpu.wait_dma2 semaphore(%run_scoped3A : memref<!tpu.dma_semaphore, #tpu.memory_space<semaphore_mem>>) src(%dma_wait3A_206 : memref<104x64xf32, #tpu.memory_space<vmem_shared>>) dst(%dma_wait3A_204 : memref<104x64xf32, #tpu.memory_space<hbm>>)
      tpu.yield
    }) : () -> ()
    %add3A_144 = arith.constant 16 : i32
    %add3A_145 = arith.addi %arg1, %add3A_144 : i32
    %mul3A_146 = arith.constant 104 : i32
    %mul3A_147 = arith.muli %add3A_145, %mul3A_146 : i32
    "tpu.region"() ({
      %run_scoped3A = tpu.sem_alloc : memref<!tpu.dma_semaphore, #tpu.memory_space<semaphore_mem>>
      %dma_start3A_198 = arith.constant 0 : i32
      %dma_start3A_199 = tpu.memref_slice %arg5[%arg0, %mul3A_147, %dma_start3A_198] : memref<2x10000x64xf32, #tpu.memory_space<hbm>> -> memref<1x104x64xf32, #tpu.memory_space<hbm>>
      %dma_start3A_200 = tpu.memref_squeeze %dma_start3A_199 : memref<1x104x64xf32, #tpu.memory_space<hbm>> -> memref<104x64xf32, #tpu.memory_space<hbm>>
      %dma_start3A_201 = arith.constant 0 : i32
      %dma_start3A_202 = tpu.memref_slice %arg10[%mul3A_147, %dma_start3A_201] : memref<10000x64xf32, #tpu.memory_space<vmem_shared>> -> memref<104x64xf32, #tpu.memory_space<vmem_shared>>
      tpu.enqueue_dma source(%dma_start3A_202 : memref<104x64xf32, #tpu.memory_space<vmem_shared>>) target(%dma_start3A_200 : memref<104x64xf32, #tpu.memory_space<hbm>>) target_semaphore(%run_scoped3A : memref<!tpu.dma_semaphore, #tpu.memory_space<semaphore_mem>>)
      %dma_wait3A = arith.constant 0 : i32
      %dma_wait3A_203 = tpu.memref_slice %arg5[%arg0, %mul3A_147, %dma_wait3A] : memref<2x10000x64xf32, #tpu.memory_space<hbm>> -> memref<1x104x64xf32, #tpu.memory_space<hbm>>
      %dma_wait3A_204 = tpu.memref_squeeze %dma_wait3A_203 : memref<1x104x64xf32, #tpu.memory_space<hbm>> -> memref<104x64xf32, #tpu.memory_space<hbm>>
      %dma_wait3A_205 = arith.constant 0 : i32
      %dma_wait3A_206 = tpu.memref_slice %arg10[%mul3A_147, %dma_wait3A_205] : memref<10000x64xf32, #tpu.memory_space<vmem_shared>> -> memref<104x64xf32, #tpu.memory_space<vmem_shared>>
      tpu.wait_dma2 semaphore(%run_scoped3A : memref<!tpu.dma_semaphore, #tpu.memory_space<semaphore_mem>>) src(%dma_wait3A_206 : memref<104x64xf32, #tpu.memory_space<vmem_shared>>) dst(%dma_wait3A_204 : memref<104x64xf32, #tpu.memory_space<hbm>>)
      tpu.yield
    }) : () -> ()
    %add3A_148 = arith.constant 32 : i32
    %add3A_149 = arith.addi %arg1, %add3A_148 : i32
    %mul3A_150 = arith.constant 104 : i32
    %mul3A_151 = arith.muli %add3A_149, %mul3A_150 : i32
    "tpu.region"() ({
      %run_scoped3A = tpu.sem_alloc : memref<!tpu.dma_semaphore, #tpu.memory_space<semaphore_mem>>
      %dma_start3A_198 = arith.constant 0 : i32
      %dma_start3A_199 = tpu.memref_slice %arg5[%arg0, %mul3A_151, %dma_start3A_198] : memref<2x10000x64xf32, #tpu.memory_space<hbm>> -> memref<1x104x64xf32, #tpu.memory_space<hbm>>
      %dma_start3A_200 = tpu.memref_squeeze %dma_start3A_199 : memref<1x104x64xf32, #tpu.memory_space<hbm>> -> memref<104x64xf32, #tpu.memory_space<hbm>>
      %dma_start3A_201 = arith.constant 0 : i32
      %dma_start3A_202 = tpu.memref_slice %arg10[%mul3A_151, %dma_start3A_201] : memref<10000x64xf32, #tpu.memory_space<vmem_shared>> -> memref<104x64xf32, #tpu.memory_space<vmem_shared>>
      tpu.enqueue_dma source(%dma_start3A_202 : memref<104x64xf32, #tpu.memory_space<vmem_shared>>) target(%dma_start3A_200 : memref<104x64xf32, #tpu.memory_space<hbm>>) target_semaphore(%run_scoped3A : memref<!tpu.dma_semaphore, #tpu.memory_space<semaphore_mem>>)
      %dma_wait3A = arith.constant 0 : i32
      %dma_wait3A_203 = tpu.memref_slice %arg5[%arg0, %mul3A_151, %dma_wait3A] : memref<2x10000x64xf32, #tpu.memory_space<hbm>> -> memref<1x104x64xf32, #tpu.memory_space<hbm>>
      %dma_wait3A_204 = tpu.memref_squeeze %dma_wait3A_203 : memref<1x104x64xf32, #tpu.memory_space<hbm>> -> memref<104x64xf32, #tpu.memory_space<hbm>>
      %dma_wait3A_205 = arith.constant 0 : i32
      %dma_wait3A_206 = tpu.memref_slice %arg10[%mul3A_151, %dma_wait3A_205] : memref<10000x64xf32, #tpu.memory_space<vmem_shared>> -> memref<104x64xf32, #tpu.memory_space<vmem_shared>>
      tpu.wait_dma2 semaphore(%run_scoped3A : memref<!tpu.dma_semaphore, #tpu.memory_space<semaphore_mem>>) src(%dma_wait3A_206 : memref<104x64xf32, #tpu.memory_space<vmem_shared>>) dst(%dma_wait3A_204 : memref<104x64xf32, #tpu.memory_space<hbm>>)
      tpu.yield
    }) : () -> ()
    %add3A_152 = arith.constant 48 : i32
    %add3A_153 = arith.addi %arg1, %add3A_152 : i32
    %mul3A_154 = arith.constant 104 : i32
    %mul3A_155 = arith.muli %add3A_153, %mul3A_154 : i32
    "tpu.region"() ({
      %run_scoped3A = tpu.sem_alloc : memref<!tpu.dma_semaphore, #tpu.memory_space<semaphore_mem>>
      %dma_start3A_198 = arith.constant 0 : i32
      %dma_start3A_199 = tpu.memref_slice %arg5[%arg0, %mul3A_155, %dma_start3A_198] : memref<2x10000x64xf32, #tpu.memory_space<hbm>> -> memref<1x104x64xf32, #tpu.memory_space<hbm>>
      %dma_start3A_200 = tpu.memref_squeeze %dma_start3A_199 : memref<1x104x64xf32, #tpu.memory_space<hbm>> -> memref<104x64xf32, #tpu.memory_space<hbm>>
      %dma_start3A_201 = arith.constant 0 : i32
      %dma_start3A_202 = tpu.memref_slice %arg10[%mul3A_155, %dma_start3A_201] : memref<10000x64xf32, #tpu.memory_space<vmem_shared>> -> memref<104x64xf32, #tpu.memory_space<vmem_shared>>
      tpu.enqueue_dma source(%dma_start3A_202 : memref<104x64xf32, #tpu.memory_space<vmem_shared>>) target(%dma_start3A_200 : memref<104x64xf32, #tpu.memory_space<hbm>>) target_semaphore(%run_scoped3A : memref<!tpu.dma_semaphore, #tpu.memory_space<semaphore_mem>>)
      %dma_wait3A = arith.constant 0 : i32
      %dma_wait3A_203 = tpu.memref_slice %arg5[%arg0, %mul3A_155, %dma_wait3A] : memref<2x10000x64xf32, #tpu.memory_space<hbm>> -> memref<1x104x64xf32, #tpu.memory_space<hbm>>
      %dma_wait3A_204 = tpu.memref_squeeze %dma_wait3A_203 : memref<1x104x64xf32, #tpu.memory_space<hbm>> -> memref<104x64xf32, #tpu.memory_space<hbm>>
      %dma_wait3A_205 = arith.constant 0 : i32
      %dma_wait3A_206 = tpu.memref_slice %arg10[%mul3A_155, %dma_wait3A_205] : memref<10000x64xf32, #tpu.memory_space<vmem_shared>> -> memref<104x64xf32, #tpu.memory_space<vmem_shared>>
      tpu.wait_dma2 semaphore(%run_scoped3A : memref<!tpu.dma_semaphore, #tpu.memory_space<semaphore_mem>>) src(%dma_wait3A_206 : memref<104x64xf32, #tpu.memory_space<vmem_shared>>) dst(%dma_wait3A_204 : memref<104x64xf32, #tpu.memory_space<hbm>>)
      tpu.yield
    }) : () -> ()
    %add3A_156 = arith.constant 64 : i32
    %add3A_157 = arith.addi %arg1, %add3A_156 : i32
    %mul3A_158 = arith.constant 104 : i32
    %mul3A_159 = arith.muli %add3A_157, %mul3A_158 : i32
    "tpu.region"() ({
      %run_scoped3A = tpu.sem_alloc : memref<!tpu.dma_semaphore, #tpu.memory_space<semaphore_mem>>
      %dma_start3A_198 = arith.constant 0 : i32
      %dma_start3A_199 = tpu.memref_slice %arg5[%arg0, %mul3A_159, %dma_start3A_198] : memref<2x10000x64xf32, #tpu.memory_space<hbm>> -> memref<1x104x64xf32, #tpu.memory_space<hbm>>
      %dma_start3A_200 = tpu.memref_squeeze %dma_start3A_199 : memref<1x104x64xf32, #tpu.memory_space<hbm>> -> memref<104x64xf32, #tpu.memory_space<hbm>>
      %dma_start3A_201 = arith.constant 0 : i32
      %dma_start3A_202 = tpu.memref_slice %arg10[%mul3A_159, %dma_start3A_201] : memref<10000x64xf32, #tpu.memory_space<vmem_shared>> -> memref<104x64xf32, #tpu.memory_space<vmem_shared>>
      tpu.enqueue_dma source(%dma_start3A_202 : memref<104x64xf32, #tpu.memory_space<vmem_shared>>) target(%dma_start3A_200 : memref<104x64xf32, #tpu.memory_space<hbm>>) target_semaphore(%run_scoped3A : memref<!tpu.dma_semaphore, #tpu.memory_space<semaphore_mem>>)
      %dma_wait3A = arith.constant 0 : i32
      %dma_wait3A_203 = tpu.memref_slice %arg5[%arg0, %mul3A_159, %dma_wait3A] : memref<2x10000x64xf32, #tpu.memory_space<hbm>> -> memref<1x104x64xf32, #tpu.memory_space<hbm>>
      %dma_wait3A_204 = tpu.memref_squeeze %dma_wait3A_203 : memref<1x104x64xf32, #tpu.memory_space<hbm>> -> memref<104x64xf32, #tpu.memory_space<hbm>>
      %dma_wait3A_205 = arith.constant 0 : i32
      %dma_wait3A_206 = tpu.memref_slice %arg10[%mul3A_159, %dma_wait3A_205] : memref<10000x64xf32, #tpu.memory_space<vmem_shared>> -> memref<104x64xf32, #tpu.memory_space<vmem_shared>>
      tpu.wait_dma2 semaphore(%run_scoped3A : memref<!tpu.dma_semaphore, #tpu.memory_space<semaphore_mem>>) src(%dma_wait3A_206 : memref<104x64xf32, #tpu.memory_space<vmem_shared>>) dst(%dma_wait3A_204 : memref<104x64xf32, #tpu.memory_space<hbm>>)
      tpu.yield
    }) : () -> ()
    %add3A_160 = arith.constant 80 : i32
    %add3A_161 = arith.addi %arg1, %add3A_160 : i32
    %mul3A_162 = arith.constant 104 : i32
    %mul3A_163 = arith.muli %add3A_161, %mul3A_162 : i32
    "tpu.region"() ({
      %run_scoped3A = tpu.sem_alloc : memref<!tpu.dma_semaphore, #tpu.memory_space<semaphore_mem>>
      %dma_start3A_198 = arith.constant 0 : i32
      %dma_start3A_199 = tpu.memref_slice %arg5[%arg0, %mul3A_163, %dma_start3A_198] : memref<2x10000x64xf32, #tpu.memory_space<hbm>> -> memref<1x104x64xf32, #tpu.memory_space<hbm>>
      %dma_start3A_200 = tpu.memref_squeeze %dma_start3A_199 : memref<1x104x64xf32, #tpu.memory_space<hbm>> -> memref<104x64xf32, #tpu.memory_space<hbm>>
      %dma_start3A_201 = arith.constant 0 : i32
      %dma_start3A_202 = tpu.memref_slice %arg10[%mul3A_163, %dma_start3A_201] : memref<10000x64xf32, #tpu.memory_space<vmem_shared>> -> memref<104x64xf32, #tpu.memory_space<vmem_shared>>
      tpu.enqueue_dma source(%dma_start3A_202 : memref<104x64xf32, #tpu.memory_space<vmem_shared>>) target(%dma_start3A_200 : memref<104x64xf32, #tpu.memory_space<hbm>>) target_semaphore(%run_scoped3A : memref<!tpu.dma_semaphore, #tpu.memory_space<semaphore_mem>>)
      %dma_wait3A = arith.constant 0 : i32
      %dma_wait3A_203 = tpu.memref_slice %arg5[%arg0, %mul3A_163, %dma_wait3A] : memref<2x10000x64xf32, #tpu.memory_space<hbm>> -> memref<1x104x64xf32, #tpu.memory_space<hbm>>
      %dma_wait3A_204 = tpu.memref_squeeze %dma_wait3A_203 : memref<1x104x64xf32, #tpu.memory_space<hbm>> -> memref<104x64xf32, #tpu.memory_space<hbm>>
      %dma_wait3A_205 = arith.constant 0 : i32
      %dma_wait3A_206 = tpu.memref_slice %arg10[%mul3A_163, %dma_wait3A_205] : memref<10000x64xf32, #tpu.memory_space<vmem_shared>> -> memref<104x64xf32, #tpu.memory_space<vmem_shared>>
      tpu.wait_dma2 semaphore(%run_scoped3A : memref<!tpu.dma_semaphore, #tpu.memory_space<semaphore_mem>>) src(%dma_wait3A_206 : memref<104x64xf32, #tpu.memory_space<vmem_shared>>) dst(%dma_wait3A_204 : memref<104x64xf32, #tpu.memory_space<hbm>>)
      tpu.yield
    }) : () -> ()
    %eq3A_164 = arith.constant 0 : i32
    %eq3A_165 = arith.cmpi eq, %arg1, %eq3A_164 : i32
    %convert_element_type3A_166 = arith.extui %eq3A_165 : i1 to i32
    %cond3A_167 = arith.constant 0 : i32
    %cond3A_168 = arith.cmpi ne, %convert_element_type3A_166, %cond3A_167 : i32
    scf.if %cond3A_168 {
      "tpu.region"() ({
        %run_scoped3A = tpu.sem_alloc : memref<!tpu.dma_semaphore, #tpu.memory_space<semaphore_mem>>
        %dma_start3A_198 = arith.constant 9984 : i32
        %dma_start3A_199 = arith.constant 0 : i32
        %dma_start3A_200 = tpu.memref_slice %arg5[%arg0, %dma_start3A_198, %dma_start3A_199] : memref<2x10000x64xf32, #tpu.memory_space<hbm>> -> memref<1x16x64xf32, #tpu.memory_space<hbm>>
        %dma_start3A_201 = tpu.memref_squeeze %dma_start3A_200 : memref<1x16x64xf32, #tpu.memory_space<hbm>> -> memref<16x64xf32, #tpu.memory_space<hbm>>
        %dma_start3A_202 = arith.constant 9984 : i32
        %dma_start3A_203 = arith.constant 0 : i32
        %dma_start3A_204 = tpu.memref_slice %arg10[%dma_start3A_202, %dma_start3A_203] : memref<10000x64xf32, #tpu.memory_space<vmem_shared>> -> memref<16x64xf32, #tpu.memory_space<vmem_shared>>
        tpu.enqueue_dma source(%dma_start3A_204 : memref<16x64xf32, #tpu.memory_space<vmem_shared>>) target(%dma_start3A_201 : memref<16x64xf32, #tpu.memory_space<hbm>>) target_semaphore(%run_scoped3A : memref<!tpu.dma_semaphore, #tpu.memory_space<semaphore_mem>>)
        %dma_wait3A = arith.constant 9984 : i32
        %dma_wait3A_205 = arith.constant 0 : i32
        %dma_wait3A_206 = tpu.memref_slice %arg5[%arg0, %dma_wait3A, %dma_wait3A_205] : memref<2x10000x64xf32, #tpu.memory_space<hbm>> -> memref<1x16x64xf32, #tpu.memory_space<hbm>>
        %dma_wait3A_207 = tpu.memref_squeeze %dma_wait3A_206 : memref<1x16x64xf32, #tpu.memory_space<hbm>> -> memref<16x64xf32, #tpu.memory_space<hbm>>
        %dma_wait3A_208 = arith.constant 9984 : i32
        %dma_wait3A_209 = arith.constant 0 : i32
        %dma_wait3A_210 = tpu.memref_slice %arg10[%dma_wait3A_208, %dma_wait3A_209] : memref<10000x64xf32, #tpu.memory_space<vmem_shared>> -> memref<16x64xf32, #tpu.memory_space<vmem_shared>>
        tpu.wait_dma2 semaphore(%run_scoped3A : memref<!tpu.dma_semaphore, #tpu.memory_space<semaphore_mem>>) src(%dma_wait3A_210 : memref<16x64xf32, #tpu.memory_space<vmem_shared>>) dst(%dma_wait3A_207 : memref<16x64xf32, #tpu.memory_space<hbm>>)
        tpu.yield
      }) : () -> ()
    } else {
    }
    %add3A_169 = arith.constant 0 : i32
    %add3A_170 = arith.addi %arg1, %add3A_169 : i32
    %mul3A_171 = arith.constant 104 : i32
    %mul3A_172 = arith.muli %add3A_170, %mul3A_171 : i32
    "tpu.region"() ({
      %run_scoped3A = tpu.sem_alloc : memref<!tpu.dma_semaphore, #tpu.memory_space<semaphore_mem>>
      %dma_start3A_198 = arith.constant 0 : i32
      %dma_start3A_199 = tpu.memref_slice %arg6[%arg0, %mul3A_172, %dma_start3A_198] : memref<2x10000x16xf32, #tpu.memory_space<hbm>> -> memref<1x104x16xf32, #tpu.memory_space<hbm>>
      %dma_start3A_200 = tpu.memref_squeeze %dma_start3A_199 : memref<1x104x16xf32, #tpu.memory_space<hbm>> -> memref<104x16xf32, #tpu.memory_space<hbm>>
      %dma_start3A_201 = arith.constant 0 : i32
      %dma_start3A_202 = tpu.memref_slice %arg28[%mul3A_172, %dma_start3A_201] : memref<10000x16xf32, #tpu.memory_space<vmem_shared>> -> memref<104x16xf32, #tpu.memory_space<vmem_shared>>
      tpu.enqueue_dma source(%dma_start3A_202 : memref<104x16xf32, #tpu.memory_space<vmem_shared>>) target(%dma_start3A_200 : memref<104x16xf32, #tpu.memory_space<hbm>>) target_semaphore(%run_scoped3A : memref<!tpu.dma_semaphore, #tpu.memory_space<semaphore_mem>>)
      %dma_wait3A = arith.constant 0 : i32
      %dma_wait3A_203 = tpu.memref_slice %arg6[%arg0, %mul3A_172, %dma_wait3A] : memref<2x10000x16xf32, #tpu.memory_space<hbm>> -> memref<1x104x16xf32, #tpu.memory_space<hbm>>
      %dma_wait3A_204 = tpu.memref_squeeze %dma_wait3A_203 : memref<1x104x16xf32, #tpu.memory_space<hbm>> -> memref<104x16xf32, #tpu.memory_space<hbm>>
      %dma_wait3A_205 = arith.constant 0 : i32
      %dma_wait3A_206 = tpu.memref_slice %arg28[%mul3A_172, %dma_wait3A_205] : memref<10000x16xf32, #tpu.memory_space<vmem_shared>> -> memref<104x16xf32, #tpu.memory_space<vmem_shared>>
      tpu.wait_dma2 semaphore(%run_scoped3A : memref<!tpu.dma_semaphore, #tpu.memory_space<semaphore_mem>>) src(%dma_wait3A_206 : memref<104x16xf32, #tpu.memory_space<vmem_shared>>) dst(%dma_wait3A_204 : memref<104x16xf32, #tpu.memory_space<hbm>>)
      tpu.yield
    }) : () -> ()
    %add3A_173 = arith.constant 16 : i32
    %add3A_174 = arith.addi %arg1, %add3A_173 : i32
    %mul3A_175 = arith.constant 104 : i32
    %mul3A_176 = arith.muli %add3A_174, %mul3A_175 : i32
    "tpu.region"() ({
      %run_scoped3A = tpu.sem_alloc : memref<!tpu.dma_semaphore, #tpu.memory_space<semaphore_mem>>
      %dma_start3A_198 = arith.constant 0 : i32
      %dma_start3A_199 = tpu.memref_slice %arg6[%arg0, %mul3A_176, %dma_start3A_198] : memref<2x10000x16xf32, #tpu.memory_space<hbm>> -> memref<1x104x16xf32, #tpu.memory_space<hbm>>
      %dma_start3A_200 = tpu.memref_squeeze %dma_start3A_199 : memref<1x104x16xf32, #tpu.memory_space<hbm>> -> memref<104x16xf32, #tpu.memory_space<hbm>>
      %dma_start3A_201 = arith.constant 0 : i32
      %dma_start3A_202 = tpu.memref_slice %arg28[%mul3A_176, %dma_start3A_201] : memref<10000x16xf32, #tpu.memory_space<vmem_shared>> -> memref<104x16xf32, #tpu.memory_space<vmem_shared>>
      tpu.enqueue_dma source(%dma_start3A_202 : memref<104x16xf32, #tpu.memory_space<vmem_shared>>) target(%dma_start3A_200 : memref<104x16xf32, #tpu.memory_space<hbm>>) target_semaphore(%run_scoped3A : memref<!tpu.dma_semaphore, #tpu.memory_space<semaphore_mem>>)
      %dma_wait3A = arith.constant 0 : i32
      %dma_wait3A_203 = tpu.memref_slice %arg6[%arg0, %mul3A_176, %dma_wait3A] : memref<2x10000x16xf32, #tpu.memory_space<hbm>> -> memref<1x104x16xf32, #tpu.memory_space<hbm>>
      %dma_wait3A_204 = tpu.memref_squeeze %dma_wait3A_203 : memref<1x104x16xf32, #tpu.memory_space<hbm>> -> memref<104x16xf32, #tpu.memory_space<hbm>>
      %dma_wait3A_205 = arith.constant 0 : i32
      %dma_wait3A_206 = tpu.memref_slice %arg28[%mul3A_176, %dma_wait3A_205] : memref<10000x16xf32, #tpu.memory_space<vmem_shared>> -> memref<104x16xf32, #tpu.memory_space<vmem_shared>>
      tpu.wait_dma2 semaphore(%run_scoped3A : memref<!tpu.dma_semaphore, #tpu.memory_space<semaphore_mem>>) src(%dma_wait3A_206 : memref<104x16xf32, #tpu.memory_space<vmem_shared>>) dst(%dma_wait3A_204 : memref<104x16xf32, #tpu.memory_space<hbm>>)
      tpu.yield
    }) : () -> ()
    %add3A_177 = arith.constant 32 : i32
    %add3A_178 = arith.addi %arg1, %add3A_177 : i32
    %mul3A_179 = arith.constant 104 : i32
    %mul3A_180 = arith.muli %add3A_178, %mul3A_179 : i32
    "tpu.region"() ({
      %run_scoped3A = tpu.sem_alloc : memref<!tpu.dma_semaphore, #tpu.memory_space<semaphore_mem>>
      %dma_start3A_198 = arith.constant 0 : i32
      %dma_start3A_199 = tpu.memref_slice %arg6[%arg0, %mul3A_180, %dma_start3A_198] : memref<2x10000x16xf32, #tpu.memory_space<hbm>> -> memref<1x104x16xf32, #tpu.memory_space<hbm>>
      %dma_start3A_200 = tpu.memref_squeeze %dma_start3A_199 : memref<1x104x16xf32, #tpu.memory_space<hbm>> -> memref<104x16xf32, #tpu.memory_space<hbm>>
      %dma_start3A_201 = arith.constant 0 : i32
      %dma_start3A_202 = tpu.memref_slice %arg28[%mul3A_180, %dma_start3A_201] : memref<10000x16xf32, #tpu.memory_space<vmem_shared>> -> memref<104x16xf32, #tpu.memory_space<vmem_shared>>
      tpu.enqueue_dma source(%dma_start3A_202 : memref<104x16xf32, #tpu.memory_space<vmem_shared>>) target(%dma_start3A_200 : memref<104x16xf32, #tpu.memory_space<hbm>>) target_semaphore(%run_scoped3A : memref<!tpu.dma_semaphore, #tpu.memory_space<semaphore_mem>>)
      %dma_wait3A = arith.constant 0 : i32
      %dma_wait3A_203 = tpu.memref_slice %arg6[%arg0, %mul3A_180, %dma_wait3A] : memref<2x10000x16xf32, #tpu.memory_space<hbm>> -> memref<1x104x16xf32, #tpu.memory_space<hbm>>
      %dma_wait3A_204 = tpu.memref_squeeze %dma_wait3A_203 : memref<1x104x16xf32, #tpu.memory_space<hbm>> -> memref<104x16xf32, #tpu.memory_space<hbm>>
      %dma_wait3A_205 = arith.constant 0 : i32
      %dma_wait3A_206 = tpu.memref_slice %arg28[%mul3A_180, %dma_wait3A_205] : memref<10000x16xf32, #tpu.memory_space<vmem_shared>> -> memref<104x16xf32, #tpu.memory_space<vmem_shared>>
      tpu.wait_dma2 semaphore(%run_scoped3A : memref<!tpu.dma_semaphore, #tpu.memory_space<semaphore_mem>>) src(%dma_wait3A_206 : memref<104x16xf32, #tpu.memory_space<vmem_shared>>) dst(%dma_wait3A_204 : memref<104x16xf32, #tpu.memory_space<hbm>>)
      tpu.yield
    }) : () -> ()
    %add3A_181 = arith.constant 48 : i32
    %add3A_182 = arith.addi %arg1, %add3A_181 : i32
    %mul3A_183 = arith.constant 104 : i32
    %mul3A_184 = arith.muli %add3A_182, %mul3A_183 : i32
    "tpu.region"() ({
      %run_scoped3A = tpu.sem_alloc : memref<!tpu.dma_semaphore, #tpu.memory_space<semaphore_mem>>
      %dma_start3A_198 = arith.constant 0 : i32
      %dma_start3A_199 = tpu.memref_slice %arg6[%arg0, %mul3A_184, %dma_start3A_198] : memref<2x10000x16xf32, #tpu.memory_space<hbm>> -> memref<1x104x16xf32, #tpu.memory_space<hbm>>
      %dma_start3A_200 = tpu.memref_squeeze %dma_start3A_199 : memref<1x104x16xf32, #tpu.memory_space<hbm>> -> memref<104x16xf32, #tpu.memory_space<hbm>>
      %dma_start3A_201 = arith.constant 0 : i32
      %dma_start3A_202 = tpu.memref_slice %arg28[%mul3A_184, %dma_start3A_201] : memref<10000x16xf32, #tpu.memory_space<vmem_shared>> -> memref<104x16xf32, #tpu.memory_space<vmem_shared>>
      tpu.enqueue_dma source(%dma_start3A_202 : memref<104x16xf32, #tpu.memory_space<vmem_shared>>) target(%dma_start3A_200 : memref<104x16xf32, #tpu.memory_space<hbm>>) target_semaphore(%run_scoped3A : memref<!tpu.dma_semaphore, #tpu.memory_space<semaphore_mem>>)
      %dma_wait3A = arith.constant 0 : i32
      %dma_wait3A_203 = tpu.memref_slice %arg6[%arg0, %mul3A_184, %dma_wait3A] : memref<2x10000x16xf32, #tpu.memory_space<hbm>> -> memref<1x104x16xf32, #tpu.memory_space<hbm>>
      %dma_wait3A_204 = tpu.memref_squeeze %dma_wait3A_203 : memref<1x104x16xf32, #tpu.memory_space<hbm>> -> memref<104x16xf32, #tpu.memory_space<hbm>>
      %dma_wait3A_205 = arith.constant 0 : i32
      %dma_wait3A_206 = tpu.memref_slice %arg28[%mul3A_184, %dma_wait3A_205] : memref<10000x16xf32, #tpu.memory_space<vmem_shared>> -> memref<104x16xf32, #tpu.memory_space<vmem_shared>>
      tpu.wait_dma2 semaphore(%run_scoped3A : memref<!tpu.dma_semaphore, #tpu.memory_space<semaphore_mem>>) src(%dma_wait3A_206 : memref<104x16xf32, #tpu.memory_space<vmem_shared>>) dst(%dma_wait3A_204 : memref<104x16xf32, #tpu.memory_space<hbm>>)
      tpu.yield
    }) : () -> ()
    %add3A_185 = arith.constant 64 : i32
    %add3A_186 = arith.addi %arg1, %add3A_185 : i32
    %mul3A_187 = arith.constant 104 : i32
    %mul3A_188 = arith.muli %add3A_186, %mul3A_187 : i32
    "tpu.region"() ({
      %run_scoped3A = tpu.sem_alloc : memref<!tpu.dma_semaphore, #tpu.memory_space<semaphore_mem>>
      %dma_start3A_198 = arith.constant 0 : i32
      %dma_start3A_199 = tpu.memref_slice %arg6[%arg0, %mul3A_188, %dma_start3A_198] : memref<2x10000x16xf32, #tpu.memory_space<hbm>> -> memref<1x104x16xf32, #tpu.memory_space<hbm>>
      %dma_start3A_200 = tpu.memref_squeeze %dma_start3A_199 : memref<1x104x16xf32, #tpu.memory_space<hbm>> -> memref<104x16xf32, #tpu.memory_space<hbm>>
      %dma_start3A_201 = arith.constant 0 : i32
      %dma_start3A_202 = tpu.memref_slice %arg28[%mul3A_188, %dma_start3A_201] : memref<10000x16xf32, #tpu.memory_space<vmem_shared>> -> memref<104x16xf32, #tpu.memory_space<vmem_shared>>
      tpu.enqueue_dma source(%dma_start3A_202 : memref<104x16xf32, #tpu.memory_space<vmem_shared>>) target(%dma_start3A_200 : memref<104x16xf32, #tpu.memory_space<hbm>>) target_semaphore(%run_scoped3A : memref<!tpu.dma_semaphore, #tpu.memory_space<semaphore_mem>>)
      %dma_wait3A = arith.constant 0 : i32
      %dma_wait3A_203 = tpu.memref_slice %arg6[%arg0, %mul3A_188, %dma_wait3A] : memref<2x10000x16xf32, #tpu.memory_space<hbm>> -> memref<1x104x16xf32, #tpu.memory_space<hbm>>
      %dma_wait3A_204 = tpu.memref_squeeze %dma_wait3A_203 : memref<1x104x16xf32, #tpu.memory_space<hbm>> -> memref<104x16xf32, #tpu.memory_space<hbm>>
      %dma_wait3A_205 = arith.constant 0 : i32
      %dma_wait3A_206 = tpu.memref_slice %arg28[%mul3A_188, %dma_wait3A_205] : memref<10000x16xf32, #tpu.memory_space<vmem_shared>> -> memref<104x16xf32, #tpu.memory_space<vmem_shared>>
      tpu.wait_dma2 semaphore(%run_scoped3A : memref<!tpu.dma_semaphore, #tpu.memory_space<semaphore_mem>>) src(%dma_wait3A_206 : memref<104x16xf32, #tpu.memory_space<vmem_shared>>) dst(%dma_wait3A_204 : memref<104x16xf32, #tpu.memory_space<hbm>>)
      tpu.yield
    }) : () -> ()
    %add3A_189 = arith.constant 80 : i32
    %add3A_190 = arith.addi %arg1, %add3A_189 : i32
    %mul3A_191 = arith.constant 104 : i32
    %mul3A_192 = arith.muli %add3A_190, %mul3A_191 : i32
    "tpu.region"() ({
      %run_scoped3A = tpu.sem_alloc : memref<!tpu.dma_semaphore, #tpu.memory_space<semaphore_mem>>
      %dma_start3A_198 = arith.constant 0 : i32
      %dma_start3A_199 = tpu.memref_slice %arg6[%arg0, %mul3A_192, %dma_start3A_198] : memref<2x10000x16xf32, #tpu.memory_space<hbm>> -> memref<1x104x16xf32, #tpu.memory_space<hbm>>
      %dma_start3A_200 = tpu.memref_squeeze %dma_start3A_199 : memref<1x104x16xf32, #tpu.memory_space<hbm>> -> memref<104x16xf32, #tpu.memory_space<hbm>>
      %dma_start3A_201 = arith.constant 0 : i32
      %dma_start3A_202 = tpu.memref_slice %arg28[%mul3A_192, %dma_start3A_201] : memref<10000x16xf32, #tpu.memory_space<vmem_shared>> -> memref<104x16xf32, #tpu.memory_space<vmem_shared>>
      tpu.enqueue_dma source(%dma_start3A_202 : memref<104x16xf32, #tpu.memory_space<vmem_shared>>) target(%dma_start3A_200 : memref<104x16xf32, #tpu.memory_space<hbm>>) target_semaphore(%run_scoped3A : memref<!tpu.dma_semaphore, #tpu.memory_space<semaphore_mem>>)
      %dma_wait3A = arith.constant 0 : i32
      %dma_wait3A_203 = tpu.memref_slice %arg6[%arg0, %mul3A_192, %dma_wait3A] : memref<2x10000x16xf32, #tpu.memory_space<hbm>> -> memref<1x104x16xf32, #tpu.memory_space<hbm>>
      %dma_wait3A_204 = tpu.memref_squeeze %dma_wait3A_203 : memref<1x104x16xf32, #tpu.memory_space<hbm>> -> memref<104x16xf32, #tpu.memory_space<hbm>>
      %dma_wait3A_205 = arith.constant 0 : i32
      %dma_wait3A_206 = tpu.memref_slice %arg28[%mul3A_192, %dma_wait3A_205] : memref<10000x16xf32, #tpu.memory_space<vmem_shared>> -> memref<104x16xf32, #tpu.memory_space<vmem_shared>>
      tpu.wait_dma2 semaphore(%run_scoped3A : memref<!tpu.dma_semaphore, #tpu.memory_space<semaphore_mem>>) src(%dma_wait3A_206 : memref<104x16xf32, #tpu.memory_space<vmem_shared>>) dst(%dma_wait3A_204 : memref<104x16xf32, #tpu.memory_space<hbm>>)
      tpu.yield
    }) : () -> ()
    %eq3A_193 = arith.constant 0 : i32
    %eq3A_194 = arith.cmpi eq, %arg1, %eq3A_193 : i32
    %convert_element_type3A_195 = arith.extui %eq3A_194 : i1 to i32
    %cond3A_196 = arith.constant 0 : i32
    %cond3A_197 = arith.cmpi ne, %convert_element_type3A_195, %cond3A_196 : i32
    scf.if %cond3A_197 {
      "tpu.region"() ({
        %run_scoped3A = tpu.sem_alloc : memref<!tpu.dma_semaphore, #tpu.memory_space<semaphore_mem>>
        %dma_start3A_198 = arith.constant 9984 : i32
        %dma_start3A_199 = arith.constant 0 : i32
        %dma_start3A_200 = tpu.memref_slice %arg6[%arg0, %dma_start3A_198, %dma_start3A_199] : memref<2x10000x16xf32, #tpu.memory_space<hbm>> -> memref<1x16x16xf32, #tpu.memory_space<hbm>>
        %dma_start3A_201 = tpu.memref_squeeze %dma_start3A_200 : memref<1x16x16xf32, #tpu.memory_space<hbm>> -> memref<16x16xf32, #tpu.memory_space<hbm>>
        %dma_start3A_202 = arith.constant 9984 : i32
        %dma_start3A_203 = arith.constant 0 : i32
        %dma_start3A_204 = tpu.memref_slice %arg28[%dma_start3A_202, %dma_start3A_203] : memref<10000x16xf32, #tpu.memory_space<vmem_shared>> -> memref<16x16xf32, #tpu.memory_space<vmem_shared>>
        tpu.enqueue_dma source(%dma_start3A_204 : memref<16x16xf32, #tpu.memory_space<vmem_shared>>) target(%dma_start3A_201 : memref<16x16xf32, #tpu.memory_space<hbm>>) target_semaphore(%run_scoped3A : memref<!tpu.dma_semaphore, #tpu.memory_space<semaphore_mem>>)
        %dma_wait3A = arith.constant 9984 : i32
        %dma_wait3A_205 = arith.constant 0 : i32
        %dma_wait3A_206 = tpu.memref_slice %arg6[%arg0, %dma_wait3A, %dma_wait3A_205] : memref<2x10000x16xf32, #tpu.memory_space<hbm>> -> memref<1x16x16xf32, #tpu.memory_space<hbm>>
        %dma_wait3A_207 = tpu.memref_squeeze %dma_wait3A_206 : memref<1x16x16xf32, #tpu.memory_space<hbm>> -> memref<16x16xf32, #tpu.memory_space<hbm>>
        %dma_wait3A_208 = arith.constant 9984 : i32
        %dma_wait3A_209 = arith.constant 0 : i32
        %dma_wait3A_210 = tpu.memref_slice %arg28[%dma_wait3A_208, %dma_wait3A_209] : memref<10000x16xf32, #tpu.memory_space<vmem_shared>> -> memref<16x16xf32, #tpu.memory_space<vmem_shared>>
        tpu.wait_dma2 semaphore(%run_scoped3A : memref<!tpu.dma_semaphore, #tpu.memory_space<semaphore_mem>>) src(%dma_wait3A_210 : memref<16x16xf32, #tpu.memory_space<vmem_shared>>) dst(%dma_wait3A_207 : memref<16x16xf32, #tpu.memory_space<hbm>>)
        tpu.yield
      }) : () -> ()
    } else {
    }
    return
  }
}

module attributes {stable_mosaic.version = 14 : i64} {
  func.func @body(%arg0: i32, %arg1: memref<1000x128xf32, #tpu.memory_space<vmem>>, %arg2: memref<2x1000x64xf32, #tpu.memory_space<vmem>>, %arg3: memref<1x1000x16xf32, #tpu.memory_space<vmem>>, %arg4: memref<128x128xf32, #tpu.memory_space<vmem>>, %arg5: memref<64x128xf32, #tpu.memory_space<vmem>>, %arg6: memref<64x128xf32, #tpu.memory_space<vmem>>, %arg7: memref<1x128xf32, #tpu.memory_space<vmem>>, %arg8: memref<128x64xf32, #tpu.memory_space<vmem>>, %arg9: memref<1000x128xf32, #tpu.memory_space<vmem>>, %arg10: memref<1000x64xf32, #tpu.memory_space<vmem>>) attributes {dimension_semantics = [#tpu.dimension_semantics<arbitrary>], iteration_bounds = array<i64: 10>, scalar_prefetch = 0 : i64, scratch_operands = 0 : i64, tpu.core_type = #tpu.core_type<tc>, window_params = [{transform_indices = @transform_0, window_bounds = array<i64: 1000, 128>}, {transform_indices = @transform_1, window_bounds = array<i64: 2, 1000, 64>}, {transform_indices = @transform_2, window_bounds = array<i64: 1, 1000, 16>}, {pipeline_mode = #tpu.pipeline_mode<synchronous>, transform_indices = @transform_3, window_bounds = array<i64: 128, 128>}, {pipeline_mode = #tpu.pipeline_mode<synchronous>, transform_indices = @transform_4, window_bounds = array<i64: 64, 128>}, {pipeline_mode = #tpu.pipeline_mode<synchronous>, transform_indices = @transform_5, window_bounds = array<i64: 64, 128>}, {pipeline_mode = #tpu.pipeline_mode<synchronous>, transform_indices = @transform_6, window_bounds = array<i64: 1, 128>}, {pipeline_mode = #tpu.pipeline_mode<synchronous>, transform_indices = @transform_7, window_bounds = array<i64: 128, 64>}, {transform_indices = @transform_8, window_bounds = array<i64: 1000, 128>}, {transform_indices = @transform_9, window_bounds = array<i64: 1000, 64>}]} {
    %get3A = arith.constant 0 : index
    %get3A_0 = arith.constant 0 : index
    %get3A_1 = arith.constant 0 : index
    %get3A_2 = vector.load %arg3[%get3A, %get3A_0, %get3A_1] : memref<1x1000x16xf32, #tpu.memory_space<vmem>>, vector<1x1000x16xf32>
    %get3A_3 = vector.shape_cast %get3A_2 : vector<1x1000x16xf32> to vector<1000x16xf32>
    %slice3A = vector.extract_strided_slice %get3A_3 {offsets = [0, 0], sizes = [1000, 1], strides = [1, 1]} : vector<1000x16xf32> to vector<1000x1xf32>
    %max3A = arith.constant 1.000000e+00 : f32
    %max3A_4 = vector.broadcast %max3A : f32 to vector<1000x1xf32>
    %max3A_5 = arith.maximumf %slice3A, %max3A_4 : vector<1000x1xf32>
    %get3A_6 = arith.constant 0 : index
    %get3A_7 = arith.constant 0 : index
    %get3A_8 = arith.constant 0 : index
    %get3A_9 = vector.load %arg2[%get3A_6, %get3A_7, %get3A_8] : memref<2x1000x64xf32, #tpu.memory_space<vmem>>, vector<1x1000x64xf32>
    %get3A_10 = vector.shape_cast %get3A_9 : vector<1x1000x64xf32> to vector<1000x64xf32>
    %div3A = vector.broadcast %max3A_5 : vector<1000x1xf32> to vector<1000x64xf32>
    %div3A_11 = arith.divf %get3A_10, %div3A : vector<1000x64xf32>
    %get3A_12 = arith.constant 1 : index
    %get3A_13 = arith.constant 0 : index
    %get3A_14 = arith.constant 0 : index
    %get3A_15 = vector.load %arg2[%get3A_12, %get3A_13, %get3A_14] : memref<2x1000x64xf32, #tpu.memory_space<vmem>>, vector<1x1000x64xf32>
    %get3A_16 = vector.shape_cast %get3A_15 : vector<1x1000x64xf32> to vector<1000x64xf32>
    %div3A_17 = vector.broadcast %max3A_5 : vector<1000x1xf32> to vector<1000x64xf32>
    %div3A_18 = arith.divf %get3A_16, %div3A_17 : vector<1000x64xf32>
    %get3A_19 = arith.constant 0 : index
    %get3A_20 = arith.constant 0 : index
    %get3A_21 = vector.load %arg1[%get3A_19, %get3A_20] : memref<1000x128xf32, #tpu.memory_space<vmem>>, vector<1000x128xf32>
    %get3A_22 = arith.constant 0 : index
    %get3A_23 = arith.constant 0 : index
    %get3A_24 = vector.load %arg4[%get3A_22, %get3A_23] : memref<128x128xf32, #tpu.memory_space<vmem>>, vector<128x128xf32>
    %dot_general3A = arith.constant dense<0.000000e+00> : vector<1000x128xf32>
    %dot_general3A_25 = tpu.matmul %get3A_21, %get3A_24, %dot_general3A {dimension_numbers = #tpu.dot_dimension_numbers<[1], [0], [0], [1], [0, 0, 1, 1], [], []>, precision = #tpu.contract_precision<fp32>, transpose_lhs_hint = false} : vector<1000x128xf32>, vector<128x128xf32>, vector<1000x128xf32> -> vector<1000x128xf32>
    %get3A_26 = arith.constant 0 : index
    %get3A_27 = arith.constant 0 : index
    %get3A_28 = vector.load %arg5[%get3A_26, %get3A_27] : memref<64x128xf32, #tpu.memory_space<vmem>>, vector<64x128xf32>
    %dot_general3A_29 = arith.constant dense<0.000000e+00> : vector<1000x128xf32>
    %dot_general3A_30 = tpu.matmul %div3A_11, %get3A_28, %dot_general3A_29 {dimension_numbers = #tpu.dot_dimension_numbers<[1], [0], [0], [1], [0, 0, 1, 1], [], []>, precision = #tpu.contract_precision<fp32>, transpose_lhs_hint = false} : vector<1000x64xf32>, vector<64x128xf32>, vector<1000x128xf32> -> vector<1000x128xf32>
    %add3A = arith.addf %dot_general3A_25, %dot_general3A_30 : vector<1000x128xf32>
    %get3A_31 = arith.constant 0 : index
    %get3A_32 = arith.constant 0 : index
    %get3A_33 = vector.load %arg6[%get3A_31, %get3A_32] : memref<64x128xf32, #tpu.memory_space<vmem>>, vector<64x128xf32>
    %dot_general3A_34 = arith.constant dense<0.000000e+00> : vector<1000x128xf32>
    %dot_general3A_35 = tpu.matmul %div3A_18, %get3A_33, %dot_general3A_34 {dimension_numbers = #tpu.dot_dimension_numbers<[1], [0], [0], [1], [0, 0, 1, 1], [], []>, precision = #tpu.contract_precision<fp32>, transpose_lhs_hint = false} : vector<1000x64xf32>, vector<64x128xf32>, vector<1000x128xf32> -> vector<1000x128xf32>
    %add3A_36 = arith.addf %add3A, %dot_general3A_35 : vector<1000x128xf32>
    %get3A_37 = arith.constant 0 : index
    %get3A_38 = arith.constant 0 : index
    %get3A_39 = vector.load %arg7[%get3A_37, %get3A_38] : memref<1x128xf32, #tpu.memory_space<vmem>>, vector<1x128xf32>
    %add3A_40 = vector.broadcast %get3A_39 : vector<1x128xf32> to vector<1000x128xf32>
    %add3A_41 = arith.addf %add3A_36, %add3A_40 : vector<1000x128xf32>
    %ge3A = arith.constant 0.000000e+00 : f32
    %ge3A_42 = vector.broadcast %ge3A : f32 to vector<1000x128xf32>
    %ge3A_43 = arith.cmpf oge, %add3A_41, %ge3A_42 : vector<1000x128xf32>
    %mul3A = arith.constant 2.000000e-01 : f32
    %mul3A_44 = vector.broadcast %mul3A : f32 to vector<1000x128xf32>
    %mul3A_45 = arith.mulf %mul3A_44, %add3A_41 : vector<1000x128xf32>
    %select_n3A = arith.select %ge3A_43, %add3A_41, %mul3A_45 : vector<1000x128xi1>, vector<1000x128xf32>
    %swap3A = arith.constant 0 : index
    %swap3A_46 = arith.constant 0 : index
    %swap3A_47 = vector.load %arg9[%swap3A, %swap3A_46] : memref<1000x128xf32, #tpu.memory_space<vmem>>, vector<1000x128xf32>
    tpu.vector_store %arg9[%swap3A, %swap3A_46], %select_n3A {strides = array<i32>} : memref<1000x128xf32, #tpu.memory_space<vmem>>, vector<1000x128xf32>,
    %get3A_48 = arith.constant 0 : index
    %get3A_49 = arith.constant 0 : index
    %get3A_50 = vector.load %arg8[%get3A_48, %get3A_49] : memref<128x64xf32, #tpu.memory_space<vmem>>, vector<128x64xf32>
    %dot_general3A_51 = arith.constant dense<0.000000e+00> : vector<1000x64xf32>
    %dot_general3A_52 = tpu.matmul %select_n3A, %get3A_50, %dot_general3A_51 {dimension_numbers = #tpu.dot_dimension_numbers<[1], [0], [0], [1], [0, 0, 1, 1], [], []>, precision = #tpu.contract_precision<fp32>, transpose_lhs_hint = false} : vector<1000x128xf32>, vector<128x64xf32>, vector<1000x64xf32> -> vector<1000x64xf32>
    %swap3A_53 = arith.constant 0 : index
    %swap3A_54 = arith.constant 0 : index
    %swap3A_55 = vector.load %arg10[%swap3A_53, %swap3A_54] : memref<1000x64xf32, #tpu.memory_space<vmem>>, vector<1000x64xf32>
    tpu.vector_store %arg10[%swap3A_53, %swap3A_54], %dot_general3A_52 {strides = array<i32>} : memref<1000x64xf32, #tpu.memory_space<vmem>>, vector<1000x64xf32>,
    return
  }
  func.func @transform_0(%arg0: i32) -> (i32, i32) {
    %c0_i32 = arith.constant 0 : i32
    %c0_i32_0 = arith.constant 0 : i32
    return %arg0, %c0_i32 : i32, i32
  }
  func.func @transform_1(%arg0: i32) -> (i32, i32, i32) {
    %c0_i32 = arith.constant 0 : i32
    %c0_i32_0 = arith.constant 0 : i32
    %c0_i32_1 = arith.constant 0 : i32
    return %c0_i32, %arg0, %c0_i32_0 : i32, i32, i32
  }
  func.func @transform_2(%arg0: i32) -> (i32, i32, i32) {
    %c0_i32 = arith.constant 0 : i32
    %c0_i32_0 = arith.constant 0 : i32
    %c0_i32_1 = arith.constant 0 : i32
    return %c0_i32, %arg0, %c0_i32_0 : i32, i32, i32
  }
  func.func @transform_3(%arg0: i32) -> (i32, i32) {
    %c0_i32 = arith.constant 0 : i32
    %c0_i32_0 = arith.constant 0 : i32
    %c0_i32_1 = arith.constant 0 : i32
    return %c0_i32, %c0_i32_0 : i32, i32
  }
  func.func @transform_4(%arg0: i32) -> (i32, i32) {
    %c0_i32 = arith.constant 0 : i32
    %c0_i32_0 = arith.constant 0 : i32
    %c0_i32_1 = arith.constant 0 : i32
    return %c0_i32, %c0_i32_0 : i32, i32
  }
  func.func @transform_5(%arg0: i32) -> (i32, i32) {
    %c0_i32 = arith.constant 0 : i32
    %c0_i32_0 = arith.constant 0 : i32
    %c0_i32_1 = arith.constant 0 : i32
    return %c0_i32, %c0_i32_0 : i32, i32
  }
  func.func @transform_6(%arg0: i32) -> (i32, i32) {
    %c0_i32 = arith.constant 0 : i32
    %c0_i32_0 = arith.constant 0 : i32
    %c0_i32_1 = arith.constant 0 : i32
    return %c0_i32, %c0_i32_0 : i32, i32
  }
  func.func @transform_7(%arg0: i32) -> (i32, i32) {
    %c0_i32 = arith.constant 0 : i32
    %c0_i32_0 = arith.constant 0 : i32
    %c0_i32_1 = arith.constant 0 : i32
    return %c0_i32, %c0_i32_0 : i32, i32
  }
  func.func @transform_8(%arg0: i32) -> (i32, i32) {
    %c0_i32 = arith.constant 0 : i32
    %c0_i32_0 = arith.constant 0 : i32
    return %arg0, %c0_i32 : i32, i32
  }
  func.func @transform_9(%arg0: i32) -> (i32, i32) {
    %c0_i32 = arith.constant 0 : i32
    %c0_i32_0 = arith.constant 0 : i32
    return %arg0, %c0_i32 : i32, i32
  }
}

module attributes {stable_mosaic.version = 14 : i64} {
  func.func @body(%arg0: i32, %arg1: memref<1000x128xf32, #tpu.memory_space<vmem>>, %arg2: memref<2x1000x64xf32, #tpu.memory_space<vmem>>, %arg3: memref<1x1000x16xf32, #tpu.memory_space<vmem>>, %arg4: memref<128x64xf32, #tpu.memory_space<vmem>>, %arg5: memref<1x64xf32, #tpu.memory_space<vmem>>, %arg6: memref<1000x64xf32, #tpu.memory_space<vmem>>) attributes {dimension_semantics = [#tpu.dimension_semantics<arbitrary>], iteration_bounds = array<i64: 10>, scalar_prefetch = 0 : i64, scratch_operands = 0 : i64, tpu.core_type = #tpu.core_type<tc>, window_params = [{transform_indices = @transform_0, window_bounds = array<i64: 1000, 128>}, {transform_indices = @transform_1, window_bounds = array<i64: 2, 1000, 64>}, {transform_indices = @transform_2, window_bounds = array<i64: 1, 1000, 16>}, {pipeline_mode = #tpu.pipeline_mode<synchronous>, transform_indices = @transform_3, window_bounds = array<i64: 128, 64>}, {pipeline_mode = #tpu.pipeline_mode<synchronous>, transform_indices = @transform_4, window_bounds = array<i64: 1, 64>}, {transform_indices = @transform_5, window_bounds = array<i64: 1000, 64>}]} {
    %get3A = arith.constant 0 : index
    %get3A_0 = arith.constant 0 : index
    %get3A_1 = arith.constant 0 : index
    %get3A_2 = vector.load %arg3[%get3A, %get3A_0, %get3A_1] : memref<1x1000x16xf32, #tpu.memory_space<vmem>>, vector<1x1000x16xf32>
    %get3A_3 = vector.shape_cast %get3A_2 : vector<1x1000x16xf32> to vector<1000x16xf32>
    %slice3A = vector.extract_strided_slice %get3A_3 {offsets = [0, 0], sizes = [1000, 1], strides = [1, 1]} : vector<1000x16xf32> to vector<1000x1xf32>
    %max3A = arith.constant 1.000000e+00 : f32
    %max3A_4 = vector.broadcast %max3A : f32 to vector<1000x1xf32>
    %max3A_5 = arith.maximumf %slice3A, %max3A_4 : vector<1000x1xf32>
    %get3A_6 = arith.constant 0 : index
    %get3A_7 = arith.constant 0 : index
    %get3A_8 = arith.constant 0 : index
    %get3A_9 = vector.load %arg2[%get3A_6, %get3A_7, %get3A_8] : memref<2x1000x64xf32, #tpu.memory_space<vmem>>, vector<1x1000x64xf32>
    %get3A_10 = vector.shape_cast %get3A_9 : vector<1x1000x64xf32> to vector<1000x64xf32>
    %get3A_11 = arith.constant 1 : index
    %get3A_12 = arith.constant 0 : index
    %get3A_13 = arith.constant 0 : index
    %get3A_14 = vector.load %arg2[%get3A_11, %get3A_12, %get3A_13] : memref<2x1000x64xf32, #tpu.memory_space<vmem>>, vector<1x1000x64xf32>
    %get3A_15 = vector.shape_cast %get3A_14 : vector<1x1000x64xf32> to vector<1000x64xf32>
    %add3A = arith.addf %get3A_10, %get3A_15 : vector<1000x64xf32>
    %div3A = vector.broadcast %max3A_5 : vector<1000x1xf32> to vector<1000x64xf32>
    %div3A_16 = arith.divf %add3A, %div3A : vector<1000x64xf32>
    %get3A_17 = arith.constant 0 : index
    %get3A_18 = arith.constant 0 : index
    %get3A_19 = vector.load %arg1[%get3A_17, %get3A_18] : memref<1000x128xf32, #tpu.memory_space<vmem>>, vector<1000x128xf32>
    %get3A_20 = arith.constant 0 : index
    %get3A_21 = arith.constant 0 : index
    %get3A_22 = vector.load %arg4[%get3A_20, %get3A_21] : memref<128x64xf32, #tpu.memory_space<vmem>>, vector<128x64xf32>
    %dot_general3A = arith.constant dense<0.000000e+00> : vector<1000x64xf32>
    %dot_general3A_23 = tpu.matmul %get3A_19, %get3A_22, %dot_general3A {dimension_numbers = #tpu.dot_dimension_numbers<[1], [0], [0], [1], [0, 0, 1, 1], [], []>, precision = #tpu.contract_precision<fp32>, transpose_lhs_hint = false} : vector<1000x128xf32>, vector<128x64xf32>, vector<1000x64xf32> -> vector<1000x64xf32>
    %add3A_24 = arith.addf %dot_general3A_23, %div3A_16 : vector<1000x64xf32>
    %get3A_25 = arith.constant 0 : index
    %get3A_26 = arith.constant 0 : index
    %get3A_27 = vector.load %arg5[%get3A_25, %get3A_26] : memref<1x64xf32, #tpu.memory_space<vmem>>, vector<1x64xf32>
    %add3A_28 = vector.broadcast %get3A_27 : vector<1x64xf32> to vector<1000x64xf32>
    %add3A_29 = arith.addf %add3A_24, %add3A_28 : vector<1000x64xf32>
    %ge3A = arith.constant 0.000000e+00 : f32
    %ge3A_30 = vector.broadcast %ge3A : f32 to vector<1000x64xf32>
    %ge3A_31 = arith.cmpf oge, %add3A_29, %ge3A_30 : vector<1000x64xf32>
    %mul3A = arith.constant 2.000000e-01 : f32
    %mul3A_32 = vector.broadcast %mul3A : f32 to vector<1000x64xf32>
    %mul3A_33 = arith.mulf %mul3A_32, %add3A_29 : vector<1000x64xf32>
    %select_n3A = arith.select %ge3A_31, %add3A_29, %mul3A_33 : vector<1000x64xi1>, vector<1000x64xf32>
    %swap3A = arith.constant 0 : index
    %swap3A_34 = arith.constant 0 : index
    %swap3A_35 = vector.load %arg6[%swap3A, %swap3A_34] : memref<1000x64xf32, #tpu.memory_space<vmem>>, vector<1000x64xf32>
    tpu.vector_store %arg6[%swap3A, %swap3A_34], %select_n3A {strides = array<i32>} : memref<1000x64xf32, #tpu.memory_space<vmem>>, vector<1000x64xf32>,
    return
  }
  func.func @transform_0(%arg0: i32) -> (i32, i32) {
    %c0_i32 = arith.constant 0 : i32
    %c0_i32_0 = arith.constant 0 : i32
    return %arg0, %c0_i32 : i32, i32
  }
  func.func @transform_1(%arg0: i32) -> (i32, i32, i32) {
    %c0_i32 = arith.constant 0 : i32
    %c0_i32_0 = arith.constant 0 : i32
    %c0_i32_1 = arith.constant 0 : i32
    return %c0_i32, %arg0, %c0_i32_0 : i32, i32, i32
  }
  func.func @transform_2(%arg0: i32) -> (i32, i32, i32) {
    %c0_i32 = arith.constant 0 : i32
    %c0_i32_0 = arith.constant 0 : i32
    %c0_i32_1 = arith.constant 0 : i32
    return %c0_i32, %arg0, %c0_i32_0 : i32, i32, i32
  }
  func.func @transform_3(%arg0: i32) -> (i32, i32) {
    %c0_i32 = arith.constant 0 : i32
    %c0_i32_0 = arith.constant 0 : i32
    %c0_i32_1 = arith.constant 0 : i32
    return %c0_i32, %c0_i32_0 : i32, i32
  }
  func.func @transform_4(%arg0: i32) -> (i32, i32) {
    %c0_i32 = arith.constant 0 : i32
    %c0_i32_0 = arith.constant 0 : i32
    %c0_i32_1 = arith.constant 0 : i32
    return %c0_i32, %c0_i32_0 : i32, i32
  }
  func.func @transform_5(%arg0: i32) -> (i32, i32) {
    %c0_i32 = arith.constant 0 : i32
    %c0_i32_0 = arith.constant 0 : i32
    return %arg0, %c0_i32 : i32, i32
  }
}

</mosaic_0001>

<sc_bundles>
// kernel: kernel.6.cloned.1.call-start
scs
__scs_entry_jumppad:
0x0: {  	(pc) =	sbr.rel $0x88, $3  }
0x1: {  	(tag) =	ssettag $0x0;
	lr =	simm.s32 $0x1  }
0x2: {  	[smem:$0x3F95] =	sst lr;
	_ =	strace $0xD0000000  }
0x3: {  	_ = 	snop  }
0x4: {  	_ = 	snop  }
0x5: {  	_ = 	snop  }
0x6: {  	_ = 	snop  }
0x7: {  	_ = 	snop  }
__scs_overlays_trampoline_lowered:
0x8: {  	[smem:$0x3FA4] =	sst s0  }
0x9: {  	[smem:$0x3FA5] =	sst s1  }
0xa: {  	[smem:$0x3FA6] =	sst s2  }
0xb: {  	[smem:$0x3FA7] =	sst s3  }
0xc: {  	[smem:$0x3FA8] =	sst s4  }
0xd: {  	[smem:$0x3FA9] =	sst s5  }
0xe: {  	[smem:$0x3FAA] =	sst s6  }
0xf: {  	[smem:$0x3FAB] =	sst s7  }
0x10: {  	[smem:$0x3FAC] =	sst s8  }
0x11: {  	[smem:$0x3FAD] =	sst s9;
	s0 =	simm.s32 @!p0 $0x0  }
0x12: {  	s1 =	sld [smem:$0x3F93];
	s0 =	simm.s32 @p0 $0x1  }
0x13: {  	[smem:$0x3FAE] =	sst s0;
	s0 =	simm.s32 @!p1 $0x0  }
0x14: {  	s2 =	sld [smem:$0x3F92];
	s0 =	simm.s32 @p1 $0x1  }
0x15: {  	[smem:$0x3FAF] =	sst s0;
	s0 =	simm.s32 @!p2 $0x0  }
0x16: {  	s3 =	sld [smem:$0x3FDB];
	s0 =	simm.s32 @p2 $0x1  }
0x17: {  	s4 =	simm.s32 $0x1BF5;
	[smem:$0x3FB1] =	sst s0  }
0x18: {  	s0 =	sld [smem:$0x3F94];
	_ =	swait.ge [sflag:s4], $0x0  }
0x19: {  	s7 =	sld [smem:$0x3F95]  }
0x1a: {  	s8 =	sadd.s32 $0xFFFFE003, lr  }
0x1b: {  	s9 =	sadd.s32 $0xFFFFFEF7, lr;
	s5 =	simm.s32 $0xFFFFFFFF;
	p2 =	slt.u32 s8, $0xFFFFF086  }
0x1c: {  	p1 =	slt.u32 s9, $0xF7A;
	s5 =	simm.s32 @!p2 $0x0  }
0x1d: {  	s5 =	simm.s32 @p1 $0x1;
	p0 =	seq.s32 s7, s2  }
0x1e: {  	s7 =	smul.u32 @!p0 $0xF7A, s2;
	p2 =	seq.s32 @!p0 s5, $0x0  }
0x1f: {  	s9 =	smul.u32 $0xF7A, s1;
	s8 =	simm.s32 @!p0 $0x1BF5;
	p2 =	por !p2, p0  }
0x20: {  	[sflag:s8] =	ssyncset.s32 @!p0 $0xFFFFF086;
	s6 =	sadd.s32 @!p0 s3, s7;
	s7 =	simm.s32 @!p0 $0x108  }
0x21: {  	s3 =	sadd.s32 s3, s9;
	s6 =	sadd.s32 @!p0 $0x88, s6;
	s7 =	simm.s32 @p2 $0x1082  }
0x22: {  	[simem:s7], [sflag:s8] =	dma.local @!p0 [hbm:s6], $0xF7A  }
0x23: {  	s9 =	sor.u32 $0xD0000000, s2;
	s6 =	simm.s32 $0x108;
	_ =	swait.ge @!p0 [sflag:s8], $0x0  }
0x24: {  	s3 =	sadd.s32 $0x88, s3;
	s6 =	simm.s32 @!p1 $0x1082;
	[sflag:s4] =	ssyncset.s32 $0xFFFFF086  }
0x25: {  	[simem:s6], [sflag:s4] =	dma.local [hbm:s3], $0xF7A  }
0x26: {  	[smem:$0x3F95] =	sst s1;
	(tag) =	ssettag s2;
	_ =	strace s9  }
0x27: {  	s1 =	sld [smem:$0x3FA5]  }
0x28: {  	s2 =	sld [smem:$0x3FA6]  }
0x29: {  	s4 =	sld [smem:$0x3FA8]  }
0x2a: {  	p0 =	seq.s32 s5, $0x0;
	s5 =	sld [smem:$0x3FA9]  }
0x2b: {  	s6 =	sld [smem:$0x3FAA]  }
0x2c: {  	s7 =	sld [smem:$0x3FAB]  }
0x2d: {  	s3 =	simm.s32 $0x108;
	s8 =	sld [smem:$0x3FAC]  }
0x2e: {  	s3 =	simm.s32 @!p0 $0x1082;
	s9 =	sld [smem:$0x3FAD]  }
0x2f: {  	lr =	sadd.s32 s0, s3;
	s0 =	sld [smem:$0x3FA4]  }
0x30: {  	s3 =	sld [smem:$0x3FA7]  }
0x31: {  	[smem:$0x3FB0] =	sst s10  }
0x32: {  	s10 =	sld [smem:$0x3FAE];
	_ =	sdelay $0x3  }
0x33: {  	p0 =	seq.s32 s10, $0x1;
	s10 =	sld [smem:$0x3FB0];
	_ =	sdelay $0x3  }
0x34: {  	[smem:$0x3FB0] =	sst s10  }
0x35: {  	s10 =	sld [smem:$0x3FAF];
	_ =	sdelay $0x3  }
0x36: {  	p1 =	seq.s32 s10, $0x1;
	s10 =	sld [smem:$0x3FB0];
	_ =	sdelay $0x3  }
0x37: {  	[smem:$0x3FB0] =	sst s10  }
0x38: {  	s10 =	sld [smem:$0x3FB1]  }
0x39: {  	_ = 	snop;
	(pc) =	sbr.ind lr, $3  }
0x3a: {  	_ = 	snop  }
0x3b: {  	_ = 	snop  }
0x3c: {  	p2 =	seq.s32 s10, $0x1;
	s10 =	sld [smem:$0x3FB0]  }
0x3d: {  	_ =	shalt  }
0x3e: {  	_ =	shalt  }
0x3f: {  	_ =	shalt  }
0x40: {  	_ =	shalt  }
0x41: {  	_ =	shalt  }
0x42: {  	_ =	shalt  }
0x43: {  	_ =	shalt  }
0x44: {  	_ =	shalt  }
0x45: {  	_ =	shalt  }
0x46: {  	_ =	shalt  }
0x47: {  	_ =	shalt  }
0x48: {  	_ =	shalt  }
0x49: {  	_ =	shalt  }
0x4a: {  	_ =	shalt  }
0x4b: {  	_ =	shalt  }
0x4c: {  	_ =	shalt  }
0x4d: {  	_ =	shalt  }
0x4e: {  	_ =	shalt  }
0x4f: {  	_ =	shalt  }
0x50: {  	_ =	shalt  }
0x51: {  	_ =	shalt  }
0x52: {  	_ =	shalt  }
0x53: {  	_ =	shalt  }
0x54: {  	_ =	shalt  }
0x55: {  	_ =	shalt  }
0x56: {  	_ =	shalt  }
0x57: {  	_ =	shalt  }
0x58: {  	_ =	shalt  }
0x59: {  	_ =	shalt  }
0x5a: {  	_ =	shalt  }
0x5b: {  	_ =	shalt  }
0x5c: {  	_ =	shalt  }
0x5d: {  	_ =	shalt  }
0x5e: {  	_ =	shalt  }
0x5f: {  	_ =	shalt  }
0x60: {  	_ =	shalt  }
0x61: {  	_ =	shalt  }
0x62: {  	_ =	shalt  }
0x63: {  	_ =	shalt  }
0x64: {  	_ =	shalt  }
0x65: {  	_ =	shalt  }
0x66: {  	_ =	shalt  }
0x67: {  	_ =	shalt  }
0x68: {  	_ =	shalt  }
0x69: {  	_ =	shalt  }
0x6a: {  	_ =	shalt  }
0x6b: {  	_ =	shalt  }
0x6c: {  	_ =	shalt  }
0x6d: {  	_ =	shalt  }
0x6e: {  	_ =	shalt  }
0x6f: {  	_ =	shalt  }
0x70: {  	_ =	shalt  }
0x71: {  	_ =	shalt  }
0x72: {  	_ =	shalt  }
0x73: {  	_ =	shalt  }
0x74: {  	_ =	shalt  }
0x75: {  	_ =	shalt  }
0x76: {  	_ =	shalt  }
0x77: {  	_ =	shalt  }
0x78: {  	_ =	shalt  }
0x79: {  	_ =	shalt  }
0x7a: {  	_ =	shalt  }
0x7b: {  	_ =	shalt  }
0x7c: {  	_ =	shalt  }
0x7d: {  	_ =	shalt  }
0x7e: {  	_ =	shalt  }
0x7f: {  	_ =	shalt  }
0x80: {  	_ =	shalt  }
0x81: {  	_ =	shalt  }
0x82: {  	_ =	shalt  }
0x83: {  	_ =	shalt  }
0x84: {  	_ =	shalt  }
0x85: {  	_ =	shalt  }
0x86: {  	_ =	shalt  }
0x87: {  	_ =	shalt  }
.Lfunc_end0:
.L_simem_size_0:
called_computation_lowered:
.L_overlay_start_0:
0x88: {  	s2 =	sld [smem:$0x3FD9]  }
0x89: {  	s3 =	sld [smem:$0x3FFE];
	_ =	sdelay $0x1  }
0x8a: {  	s1 =	srdreg.scid  }
0x8b: {  	s0 =	sand.u32 $0x1, s1  }
0x8c: {  	s17 =	sshll.u32 s0, $0xA;
	s2 =	sadd.s32 s3, s2  }
0x8d: {  	s2 =	sadd.s32 s2, s17  }
0x8e: {  	[smem:$0x3FBC] =	sst s2  }
0x8f: {  	_ = 	snop  }
0x90: {  	s2 =	sld [smem:$0x3FD0];
	(tm) =	ssettm $0x1  }
0x91: {  	s18 =	sld [smem:$0x3FFB];
	_ =	sdelay $0x3  }
0x92: {  	_ =	strace s18  }
0x93: {  	s3 =	sld [smem:$0x3FFC];
	_ =	sdelay $0x3  }
0x94: {  	_ =	strace s3  }
0x95: {  	s3 =	sld [smem:$0x3FFD];
	_ =	sdelay $0x3  }
0x96: {  	_ =	strace s3  }
0x97: {  	_ =	strace $0x8FFFFFFF  }
0x98: {  	s19 =	sld [smem:$0x3FDB];
	_ =	sdelay $0x1  }
0x99: {  	s4 =	simm.s32 $_scs_section_size  }
0x9a: {  	s5 =	simm.s32 $_size__tile_overlayer_lowered;
	s6 =	simm.s32 $_tile_overlayer_lowered  }
0x9b: {  	s22 =	simm.s32 $0x1BFF;
	s21 =	sshll.u32 s6, $0x1;
	s3 =	sadd.s32 s4, s19  }
0x9c: {  	s7 =	simm.s32 $0x0;
	s20 =	sshll.u32 s5, $0x1;
	s5 =	sadd.s32 s21, s3  }
0x9d: {  	[timem:s7], [sflag:s22] =	dma.local [hbm:s5], s20  }
0x9e: {  	_ =	swait.ge [sflag:s22], s20  }
0x9f: {  	s4 =	ssub.s32 $0x0, s20;
	[sflag:s22] =	ssyncset.done $0x0  }
0xa0: {  	[sflag:s22] =	ssyncadd.s32 s4;
	_ =	sdelay $0x1  }
0xa1: {  	s23 =	simm.s32 $0x1B8B  }
0xa2: {  	_ =	swait.ge [sflag:s23], $0x1  }
0xa3: {  	[sflag:s23] =	ssyncset.done $0x0  }
0xa4: {  	s25 =	simm.s32 $0x1B8E;
	s24 =	sld [smem:$0x3FFE];
	[sflag:s23] =	ssyncadd.s32 $0xFFFFFFFF  }
0xa5: {  	s26 =	simm.s32 $execute0_lowered;
	[smem:$0x3FD2] =	sst s25  }
0xa6: {  	s5 =	sshll.u32 s26, $0x1;
	_ =	strace $0x80000046;
	[dreg:$0x1] =	wrdreg $0xFFFFFFFF  }
0xa7: {  	s28 =	simm.s32 $_size_execute0_lowered;
	s3 =	sadd.s32 s3, s5;
	[dreg:$0x0] =	wrdreg $0x0  }
0xa8: {  	s5 =	sshll.u32 s28, $0x1;
	[dreg:$0x2] =	wrdreg s3  }
0xa9: {  	[dreg:$0x3] =	wrdreg s5  }
0xaa: {  	[dreg:$0x4] =	wrdreg $0xC0  }
0xab: {  	_ =	task [dreg:s7], $0x5FFFF  }
0xac: {  	[dreg:$0x1] =	wrdreg $0xFFFFFFFF  }
0xad: {  	[dreg:$0x0] =	wrdreg $0x60  }
0xae: {  	[dreg:$0x2] =	wrdreg s24  }
0xaf: {  	[dreg:$0x3] =	wrdreg s2  }
0xb0: {  	[dreg:$0x4] =	wrdreg $0xB6400  }
0xb1: {  	[dreg:$0x5] =	wrdreg $0x1C2000  }
0xb2: {  	[dreg:$0x6] =	wrdreg $0x9  }
0xb3: {  	_ =	task.clear_ibuf [dreg:s7], $0x7FFFF;
	_ =	strace $0x90000046  }
0xb4: {  	s29 =	simm.s32 $0x9;
	_ =	strace $0x80000048  }
0xb5: {  	_ =	swait.ge [sflag:s29], $0x1  }
0xb6: {  	[sflag:s29] =	ssyncadd.s32 $0xFFFFFFFF  }
0xb7: {  	_ =	strace $0x90000048  }
0xb8: {  	_ =	sfence  }
0xb9: {  	s30 =	sld [smem:$0x0];
	_ =	sdelay $0x2  }
0xba: {  	s31 =	sshll.u32 s1, $0xD;
	s1 =	sshrl.u32 s1, $0x2  }
0xbb: {  	s3 =	sand.u32 $0x4000, s31;
	s1 =	sadd.s32 s1, s30  }
0xbc: {  	s0 =	sor.u32 s3, s0;
	s1 =	sshll.u32 s1, $0x11  }
0xbd: {  	s0 =	sor.u32 s1, s0  }
0xbe: {  	s0 =	sadd.s32 $0x8F2B, s0  }
0xbf: {  	[sflag:s0] =	ssyncadd.remote.s32 $0x1  }
0xc0: {  	_ =	sfence.sel $0xFFFF  }
0xc1: {  	[dreg:$0x0] =	wrdreg $0xFFFFFFFF;
	(pc) =	sbr.abs _section_cstart, $3  }
0xc2: {  	[dreg:$0x1] =	wrdreg $0xFFFFFFFF  }
0xc3: {  	_ =	task.clear_ibuf [dreg:s7], $0x2FFFF;
	_ =	strace $0x9FFFFFFF  }
0xc4: {  	(tm) =	ssettm $0x7FFFFFFF  }
0xc5: {  	_ =	shalt  }
tec
execute0_lowered:
.L_overlay_start_1:
0x0: {  	(tag) =	ssettag $0x1  }
0x1: {  	s21 =	stileid.u32  }
0x2: {  	s0 =	srdreg.scid;
	s2 =	smul.u32 $0x9C4, s21  }
0x3: {  	s1 =	rddreg [dreg:$0x0];
	s29 =	simm.s32 $0x0;
	s8 =	smul.u32 $0x68, s21  }
0x4: {  	s5 =	sand.u32 $0x1, s0;
	[smem:$0x7FF] =	sst s29;
	s19 =	smul.u32 $0x680, s21  }
0x5: {  	s9 =	sadd.s32 $0x3D600, s1;
	s6 =	smul.u32 $0x9C400, s5;
	s3 =	ssub.s32 $0x2, s5  }
0x6: {  	s5 =	smul.u32 $0x27100, s5;
	s2 =	sadd.s32 s2, s1;
	s4 =	sshrl.u32 s3, $0x1  }
0x7: {  	s10 =	sadd.s32 $0x680, s8;
	s11 =	sadd.s32 $0xD00, s8;
	s13 =	sadd.s32 $0x1380, s8  }
0x8: {  	s14 =	sadd.s32 $0x1A00, s8;
	s8 =	sadd.s32 $0x2080, s8;
	s7 =	sshrl.u32 s6, $0x3  }
0x9: {  	s12 =	sshll.u32 s11, $0x6;
	s16 =	sshll.u32 s13, $0x6;
	s17 =	sshll.u32 s14, $0x6  }
0xa: {  	s18 =	sshll.u32 s8, $0x6;
	s11 =	sshll.u32 s11, $0x4;
	s20 =	sshll.u32 s13, $0x4  }
0xb: {  	s14 =	sshll.u32 s14, $0x4;
	s29 =	sadd.s32 s19, s5;
	s8 =	sshll.u32 s8, $0x4  }
0xc: {  	s0 =	sadd.s32 s7, s1;
	s1 =	ssub.s32 s3, s4;
	s3 =	smul.u32 $0x1A00, s21  }
0xd: {  	s4 =	sshll.u32 s10, $0x6;
	s10 =	sshll.u32 s10, $0x4;
	s22 =	sadd.s32 s6, s12  }
0xe: {  	s24 =	sadd.s32 s6, s16;
	s26 =	sadd.s32 s6, s17;
	s15 =	sadd.s32 s6, s4  }
0xf: {  	s23 =	sshrl.u32 s22, $0x3;
	s25 =	sshrl.u32 s24, $0x3;
	s30 =	sadd.s32 s3, s6  }
0x10: {  	s24 =	sadd.s32 s5, s20;
	s6 =	sadd.s32 s6, s18;
	s13 =	sshrl.u32 s30, $0x3  }
0x11: {  	s6 =	sshrl.u32 s6, $0x3;
	s30 =	rddreg [dreg:$0x1];
	s13 =	sadd.s32 s9, s13  }
0x12: {  	s15 =	sshrl.u32 s15, $0x3;
	s6 =	sadd.s32 s9, s6;
	[dreg:$0x5] =	wrdreg s13  }
0x13: {  	s13 =	sadd.s32 s9, s15;
	s15 =	sshrl.u32 s26, $0x3;
	[dreg:$0xa] =	wrdreg s6  }
0x14: {  	s6 =	sadd.s32 s9, s7;
	[dreg:$0x6] =	wrdreg s13;
	s13 =	sadd.s32 s9, s23  }
0x15: {  	s7 =	sshrl.u32 s29, $0x3;
	s28 =	sadd.s32 s9, s15;
	[dreg:$0x7] =	wrdreg s13  }
0x16: {  	s15 =	sadd.s32 s5, s10;
	s7 =	sadd.s32 s30, s7;
	[dreg:$0x9] =	wrdreg s28  }
0x17: {  	s23 =	sadd.s32 s5, s11;
	s13 =	sadd.s32 s9, s25;
	[dreg:$0xb] =	wrdreg s7  }
0x18: {  	s22 =	sshrl.u32 s15, $0x3;
	s25 =	sadd.s32 s5, s14;
	s15 =	rddreg [dreg:$0x3]  }
0x19: {  	[dreg:$0x8] =	wrdreg s13;
	s7 =	sadd.s32 s30, s22;
	s13 =	sshrl.u32 s24, $0x3  }
0x1a: {  	s28 =	sshrl.u32 s25, $0x3;
	[dreg:$0xc] =	wrdreg s7;
	s7 =	sshrl.u32 s23, $0x3  }
0x1b: {  	s26 =	sadd.s32 s30, s13;
	s13 =	rddreg [dreg:$0x2];
	s7 =	sadd.s32 s30, s7  }
0x1c: {  	s29 =	sadd.s32 s5, s8;
	[dreg:$0xd] =	wrdreg s7;
	s7 =	sadd.s32 s30, s28  }
0x1d: {  	[dreg:$0xf] =	wrdreg s7;
	s7 =	sshrl.u32 s29, $0x3  }
0x1e: {  	s5 =	sshrl.u32 s5, $0x3;
	[dreg:$0xe] =	wrdreg s26;
	s7 =	sadd.s32 s30, s7  }
0x1f: {  	s5 =	sadd.s32 s30, s5;
	s30 =	sadd.s32 $0xC600, s2;
	[dreg:$0x10] =	wrdreg s7  }
0x20: {  	s2 =	sadd.s32 $0x2800, s2;
	_ =	strace $0x80000047;
	[dreg:$0x11] =	wrdreg s30  }
0x21: {  	s4 =	sadd.s32 s4, s13;
	[dreg:$0x12] =	wrdreg s2  }
0x22: {  	s7 =	sadd.s32 s12, s13;
	[dreg:$0x13] =	wrdreg s4  }
0x23: {  	s9 =	sadd.s32 s16, s13;
	[dreg:$0x14] =	wrdreg s7  }
0x24: {  	s12 =	sadd.s32 s17, s13;
	[dreg:$0x15] =	wrdreg s9  }
0x25: {  	s16 =	sadd.s32 s18, s13;
	[dreg:$0x16] =	wrdreg s12  }
0x26: {  	p0 =	sne.s32 s21, $0x0;
	s17 =	sadd.s32 s19, s15;
	[dreg:$0x17] =	wrdreg s16  }
0x27: {  	s21 =	simm.s32 $0xB;
	s18 =	sadd.s32 s10, s15;
	[dreg:$0x18] =	wrdreg s17  }
0x28: {  	s22 =	sadd.s32 s20, s15;
	s19 =	sadd.s32 s11, s15;
	[dreg:$0x19] =	wrdreg s18  }
0x29: {  	s24 =	sadd.s32 s8, s15;
	s25 =	sadd.s32 $0x13800, s6;
	[dreg:$0x1a] =	wrdreg s19  }
0x2a: {  	s8 =	simm.s32 $0x50;
	s23 =	sadd.s32 s14, s15;
	[dreg:$0x1b] =	wrdreg s22  }
0x2b: {  	s20 =	simm.s32 $0x6;
	s14 =	sadd.s32 $0x16400, s0;
	[dreg:$0x1c] =	wrdreg s23  }
0x2c: {  	s0 =	simm.s32 $0x3;
	s31 =	sadd.s32 s3, s13;
	[dreg:$0x1d] =	wrdreg s24  }
0x2d: {  	s26 =	sadd.s32 $0x4E00, s5;
	s5 =	simm.s32 $0x10;
	[dreg:$0x1e] =	wrdreg s25  }
0x2e: {  	s10 =	simm.s32 $0x16680;
	s28 =	smax.u32 s1, $0x1;
	[dreg:$0x1f] =	wrdreg s26  }
0x2f: {  	s1 =	simm.s32 $0x2;
	s29 =	sadd.s32 $0x9C000, s13;
	[smem:$0x7FB] =	sst s28  }
0x30: {  	s11 =	simm.s32 $0x17A80;
	[smem:$0x7FC] =	sst s29;
	s30 =	sadd.s32 $0x27000, s15  }
.Ltmp0:
0x31: {  	s7 =	simm.s32 $0x1BB80;
	s9 =	simm.s32 $0x15280;
	(pc) =	sbr.rel .LBB2_1-.Ltmp0, $4  }
0x32: {  	s12 =	simm.s32 $0x18E80;
	s16 =	simm.s32 $0x1A280;
	s17 =	simm.s32 $0x1  }
0x33: {  	s18 =	simm.s32 $0x1B680;
	s2 =	simm.s32 $0x4;
	s19 =	simm.s32 $0x5  }
0x34: {  	s22 =	simm.s32 $0x8;
	s23 =	simm.s32 $0xD;
	s24 =	simm.s32 $0xA  }
0x35: {  	v0 =	vimm.f32 $0.0e+00;
	v1 =	vimm.f32 $1.000000000e+00;
	s25 =	simm.s32 $0xF;
	s26 =	simm.s32 $0x0;
	[smem:$0x7FD] =	sst s30  }
.LBB2_10:
0x36: {  	s3 =	stileid.u32  }
0x37: {  	[bflag:$0x0] =	sbarrier.arrive $0xFFFF;
	s3 =	sshll.u32 s3, $0x6  }
0x38: {  	s30 =	sshrl.u32 s6, $0x3;
	s4 =	rddreg [dreg:$0x5];
	s28 =	sor.u32 $0x1C10, s3  }
0x39: {  	[hbm:s4], [sflag:s28] =	dma.local [spmem:s30], $0x340  }
0x3a: {  	_ =	swait.ge [sflag:s5], $0x340  }
0x3b: {  	s31 =	smov.u32 s6;
	[sflag:s5] =	ssyncset.done $0x0;
	s4 =	rddreg [dreg:$0x13]  }
0x3c: {  	s6 =	rddreg [dreg:$0x6];
	[sflag:s5] =	ssyncadd.s32 $0xFFFFFCC0;
	s3 =	sshrl.u32 s4, $0x3  }
0x3d: {  	[hbm:s6], [sflag:s28] =	dma.local [spmem:s3], $0x340  }
0x3e: {  	_ =	swait.ge [sflag:s5], $0x340  }
0x3f: {  	[sflag:s5] =	ssyncset.done $0x0;
	s29 =	rddreg [dreg:$0x14]  }
0x40: {  	s30 =	rddreg [dreg:$0x7];
	[sflag:s5] =	ssyncadd.s32 $0xFFFFFCC0;
	s3 =	sshrl.u32 s29, $0x3  }
0x41: {  	[hbm:s30], [sflag:s28] =	dma.local [spmem:s3], $0x340  }
0x42: {  	_ =	swait.ge [sflag:s5], $0x340  }
0x43: {  	[sflag:s5] =	ssyncset.done $0x0;
	s4 =	rddreg [dreg:$0x15]  }
0x44: {  	s6 =	rddreg [dreg:$0x8];
	[sflag:s5] =	ssyncadd.s32 $0xFFFFFCC0;
	s3 =	sshrl.u32 s4, $0x3  }
0x45: {  	[hbm:s6], [sflag:s28] =	dma.local [spmem:s3], $0x340  }
0x46: {  	_ =	swait.ge [sflag:s5], $0x340  }
0x47: {  	[sflag:s5] =	ssyncset.done $0x0;
	s29 =	rddreg [dreg:$0x16]  }
0x48: {  	s30 =	rddreg [dreg:$0x9];
	[sflag:s5] =	ssyncadd.s32 $0xFFFFFCC0;
	s3 =	sshrl.u32 s29, $0x3  }
0x49: {  	[hbm:s30], [sflag:s28] =	dma.local [spmem:s3], $0x340  }
0x4a: {  	_ =	swait.ge [sflag:s5], $0x340  }
0x4b: {  	[sflag:s5] =	ssyncset.done $0x0;
	s4 =	rddreg [dreg:$0x17]  }
0x4c: {  	s6 =	rddreg [dreg:$0xa];
	[sflag:s5] =	ssyncadd.s32 $0xFFFFFCC0;
	s3 =	sshrl.u32 s4, $0x3  }
0x4d: {  	[hbm:s6], [sflag:s28] =	dma.local [spmem:s3], $0x340  }
0x4e: {  	_ =	swait.ge [sflag:s5], $0x340  }
0x4f: {  	s3 =	sld [smem:$0x7FC];
	_ =	sdelay $0x1  }
0x50: {  	[sflag:s5] =	ssyncset.done $0x0  }
0x51: {  	s4 =	rddreg [dreg:$0x1e];
	[sflag:s5] =	ssyncadd.s32 $0xFFFFFCC0;
	s3 =	sshrl.u32 @!p0 s3, $0x3  }
0x52: {  	[hbm:s4], [sflag:s28] =	dma.local @!p0 [spmem:s3], $0x80  }
0x53: {  	s3 =	simm.s32 @!p0 $0x10  }
0x54: {  	_ =	swait.ge @!p0 [sflag:s3], $0x80  }
0x55: {  	[sflag:s3] =	ssyncset.done @!p0 $0x0;
	s29 =	rddreg [dreg:$0x18]  }
0x56: {  	[sflag:s3] =	ssyncadd.s32 @!p0 $0xFFFFFF80;
	s4 =	sshrl.u32 s29, $0x3;
	s29 =	rddreg [dreg:$0xb]  }
0x57: {  	[hbm:s29], [sflag:s28] =	dma.local [spmem:s4], $0xD0  }
0x58: {  	_ =	swait.ge [sflag:s5], $0xD0  }
0x59: {  	[sflag:s5] =	ssyncset.done $0x0;
	s30 =	rddreg [dreg:$0x19]  }
0x5a: {  	s6 =	rddreg [dreg:$0xc];
	[sflag:s5] =	ssyncadd.s32 $0xFFFFFF30;
	s4 =	sshrl.u32 s30, $0x3  }
0x5b: {  	[hbm:s6], [sflag:s28] =	dma.local [spmem:s4], $0xD0  }
0x5c: {  	_ =	swait.ge [sflag:s5], $0xD0  }
0x5d: {  	[sflag:s5] =	ssyncset.done $0x0;
	s30 =	rddreg [dreg:$0x1a]  }
0x5e: {  	s6 =	rddreg [dreg:$0xd];
	[sflag:s5] =	ssyncadd.s32 $0xFFFFFF30;
	s4 =	sshrl.u32 s30, $0x3  }
0x5f: {  	[hbm:s6], [sflag:s28] =	dma.local [spmem:s4], $0xD0  }
0x60: {  	_ =	swait.ge [sflag:s5], $0xD0  }
0x61: {  	[sflag:s5] =	ssyncset.done $0x0;
	s30 =	rddreg [dreg:$0x1b]  }
0x62: {  	s6 =	rddreg [dreg:$0xe];
	[sflag:s5] =	ssyncadd.s32 $0xFFFFFF30;
	s4 =	sshrl.u32 s30, $0x3  }
0x63: {  	[hbm:s6], [sflag:s28] =	dma.local [spmem:s4], $0xD0  }
0x64: {  	_ =	swait.ge [sflag:s5], $0xD0  }
0x65: {  	[sflag:s5] =	ssyncset.done $0x0;
	s30 =	rddreg [dreg:$0x1c]  }
0x66: {  	s6 =	rddreg [dreg:$0xf];
	[sflag:s5] =	ssyncadd.s32 $0xFFFFFF30;
	s4 =	sshrl.u32 s30, $0x3  }
0x67: {  	[hbm:s6], [sflag:s28] =	dma.local [spmem:s4], $0xD0  }
0x68: {  	_ =	swait.ge [sflag:s5], $0xD0  }
0x69: {  	[sflag:s5] =	ssyncset.done $0x0;
	s30 =	rddreg [dreg:$0x1d]  }
0x6a: {  	s6 =	rddreg [dreg:$0x10];
	[sflag:s5] =	ssyncadd.s32 $0xFFFFFF30;
	s4 =	sshrl.u32 s30, $0x3  }
0x6b: {  	[hbm:s6], [sflag:s28] =	dma.local [spmem:s4], $0xD0  }
0x6c: {  	_ =	swait.ge [sflag:s5], $0xD0  }
0x6d: {  	s4 =	sld [smem:$0x7FD];
	_ =	sdelay $0x1  }
0x6e: {  	[sflag:s5] =	ssyncset.done $0x0  }
0x6f: {  	s6 =	rddreg [dreg:$0x1f];
	[sflag:s5] =	ssyncadd.s32 $0xFFFFFF30;
	s4 =	sshrl.u32 @!p0 s4, $0x3  }
0x70: {  	[hbm:s6], [sflag:s28] =	dma.local @!p0 [spmem:s4], $0x20  }
0x71: {  	_ =	swait.ge @!p0 [sflag:s3], $0x20  }
0x72: {  	s30 =	sld [smem:$0x7FB];
	_ =	sdelay $0x1  }
0x73: {  	s26 =	sadd.s32 $0x1, s26  }
0x74: {  	p1 =	sne.s32 s26, s30  }
.Ltmp1:
0x75: {  	_ = 	snop;
	(pc) =	sbr.rel @!p1 .LBB2_11-.Ltmp1, $3  }
0x76: {  	_ =	sdelay $0x1  }
0x77: {  	[sflag:s3] =	ssyncset.done @!p0 $0x0  }
0x78: {  	[sflag:s3] =	ssyncadd.s32 @!p0 $0xFFFFFFE0  }
.LBB2_1:
0x79: {  	s3 =	simm.s32 $0x0;
	s4 =	rddreg [dreg:$0x11]  }
0x7a: {  	[tilespmem:s3], [sflag:$0x10] =	stream.linear.gather [hbm4b:s4+s3], $0x4E20, $0x38;
	[tilespmem:$0x1E910] =	vst v63  }
0x7b: {  	_ =	swait.ge [sflag:s5], $0x4E20  }
0x7c: {  	[sflag:s5] =	ssyncset.done $0x0  }
0x7d: {  	s6 =	simm.s32 $0x4E20;
	s30 =	rddreg [dreg:$0x12];
	[sflag:s5] =	ssyncadd.s32 $0xFFFFB1E0  }
0x7e: {  	[tilespmem:s6], [sflag:$0x10] =	stream.linear.gather [hbm4b:s30+s3], $0x4E20, $0x38;
	[tilespmem:$0x1E910] =	vst v63  }
0x7f: {  	_ =	swait.ge [sflag:s5], $0x4E20  }
0x80: {  	[sflag:s5] =	ssyncset.done $0x0  }
0x81: {  	s29 =	simm.s32 $0x100;
	s28 =	simm.s32 $0x0;
	[sflag:s5] =	ssyncadd.s32 $0xFFFFB1E0  }
.LBB2_2:
0x82: {  	p1 =	sne.s32 s29, $0x6700;
	[tilespmem:s28+$0x9C70] =	vst v0;
	s30 =	smov.u32 s29;
	s29 =	sadd.s32 $0x100, s29  }
.Ltmp2:
0x83: {  	[tilespmem:s28+$0x9C60] =	vst v0;
	(pc) =	sbr.rel @p1 .LBB2_2-.Ltmp2, $3  }
0x84: {  	[tilespmem:s28+$0x9C40] =	vst v0  }
0x85: {  	[tilespmem:s28+$0x9C50] =	vst v0;
	_ =	sdelay $0x1  }
0x86: {  	s28 =	sshra.s32 s30, $0x2  }
0x87: {  	[tilespmem:s28+$0x9C70] =	vst v0  }
0x88: {  	[tilespmem:s28+$0x9C60] =	vst v0  }
0x89: {  	[tilespmem:s28+$0x9C40] =	vst v0  }
0x8a: {  	[tilespmem:s28+$0x9C50] =	vst v0;
	s4 =	simm.s32 $0x9C40  }
0x8b: {  	[spmem:s31] =	stream.linear.scatter [tilespmem:s4], [sflag:$0x10], $0x1A00, $0x38;
	[tilespmem:$0x1E910] =	vst v63  }
0x8c: {  	_ =	swait.ge [sflag:s5], $0x1A00  }
0x8d: {  	[sflag:s5] =	ssyncset.done $0x0  }
0x8e: {  	s3 =	rddreg [dreg:$0x13];
	[sflag:s5] =	ssyncadd.s32 $0xFFFFE600  }
0x8f: {  	[spmem:s3] =	stream.linear.scatter [tilespmem:s4], [sflag:$0x10], $0x1A00, $0x38;
	[tilespmem:$0x1E910] =	vst v63  }
0x90: {  	_ =	swait.ge [sflag:s5], $0x1A00  }
0x91: {  	[sflag:s5] =	ssyncset.done $0x0  }
0x92: {  	s6 =	rddreg [dreg:$0x14];
	[sflag:s5] =	ssyncadd.s32 $0xFFFFE600  }
0x93: {  	[spmem:s6] =	stream.linear.scatter [tilespmem:s4], [sflag:$0x10], $0x1A00, $0x38;
	[tilespmem:$0x1E910] =	vst v63  }
0x94: {  	_ =	swait.ge [sflag:s5], $0x1A00  }
0x95: {  	[sflag:s5] =	ssyncset.done $0x0  }
0x96: {  	s30 =	rddreg [dreg:$0x15];
	[sflag:s5] =	ssyncadd.s32 $0xFFFFE600  }
0x97: {  	[spmem:s30] =	stream.linear.scatter [tilespmem:s4], [sflag:$0x10], $0x1A00, $0x38;
	[tilespmem:$0x1E910] =	vst v63  }
0x98: {  	_ =	swait.ge [sflag:s5], $0x1A00  }
0x99: {  	[sflag:s5] =	ssyncset.done $0x0  }
0x9a: {  	s6 =	rddreg [dreg:$0x16];
	[sflag:s5] =	ssyncadd.s32 $0xFFFFE600  }
0x9b: {  	[spmem:s6] =	stream.linear.scatter [tilespmem:s4], [sflag:$0x10], $0x1A00, $0x38;
	[tilespmem:$0x1E910] =	vst v63  }
0x9c: {  	_ =	swait.ge [sflag:s5], $0x1A00  }
0x9d: {  	[sflag:s5] =	ssyncset.done $0x0  }
0x9e: {  	s30 =	rddreg [dreg:$0x17];
	[sflag:s5] =	ssyncadd.s32 $0xFFFFE600  }
0x9f: {  	[spmem:s30] =	stream.linear.scatter [tilespmem:s4], [sflag:$0x10], $0x1A00, $0x38;
	[tilespmem:$0x1E910] =	vst v63  }
0xa0: {  	_ =	swait.ge [sflag:s5], $0x1A00  }
0xa1: {  	s3 =	sld [smem:$0x7FC]  }
0xa2: {  	[sflag:s5] =	ssyncset.done $0x0  }
0xa3: {  	s28 =	simm.s32 @!p0 $0x9C40;
	[sflag:s5] =	ssyncadd.s32 $0xFFFFE600  }
0xa4: {  	[spmem:s3] =	stream.linear.scatter @!p0 [tilespmem:s28], [sflag:$0x10], $0x400, $0x38;
	[tilespmem:$0x1E910] =	vst v63  }
0xa5: {  	s28 =	simm.s32 @!p0 $0x10  }
0xa6: {  	_ =	swait.ge @!p0 [sflag:s28], $0x400  }
0xa7: {  	[sflag:s28] =	ssyncset.done @!p0 $0x0  }
0xa8: {  	s29 =	simm.s32 $0x0;
	[sflag:s28] =	ssyncadd.s32 @!p0 $0xFFFFFC00;
	s28 =	simm.s32 $0x40  }
.LBB2_4:
0xa9: {  	p1 =	sne.s32 s28, $0x13C0;
	[tilespmem:s29+$0x1B680] =	vst v1;
	s29 =	smov.u32 s28;
	s28 =	sadd.s32 $0x40, s28  }
.Ltmp3:
0xaa: {  	(pc) =	sbr.rel @p1 .LBB2_4-.Ltmp3, $2  }
0xab: {  	_ =	sdelay $0x2  }
0xac: {  	s29 =	sshra.s32 s29, $0x2  }
0xad: {  	s6 =	smov.u32 s31;
	[tilespmem:s29+$0x1B680] =	vst v1;
	s28 =	simm.s32 $0x40;
	s29 =	simm.s32 $0x0  }
.LBB2_6:
0xae: {  	p1 =	sne.s32 s28, $0x19C0;
	[tilespmem:s29+$0x1BB80] =	vst v0;
	s29 =	smov.u32 s28;
	s28 =	sadd.s32 $0x40, s28  }
.Ltmp4:
0xaf: {  	(pc) =	sbr.rel @p1 .LBB2_6-.Ltmp4, $2  }
0xb0: {  	_ =	sdelay $0x2  }
0xb1: {  	s29 =	sshra.s32 s29, $0x2  }
0xb2: {  	[tilespmem:s29+$0x1BB80] =	vst v0;
	s3 =	rddreg [dreg:$0x18]  }
0xb3: {  	[spmem:s3] =	stream.linear.scatter [tilespmem:s7], [sflag:$0x10], $0x680, $0x38;
	[tilespmem:$0x1E910] =	vst v63  }
0xb4: {  	_ =	swait.ge [sflag:s5], $0x680  }
0xb5: {  	[sflag:s5] =	ssyncset.done $0x0  }
0xb6: {  	s4 =	rddreg [dreg:$0x19];
	[sflag:s5] =	ssyncadd.s32 $0xFFFFF980  }
0xb7: {  	[spmem:s4] =	stream.linear.scatter [tilespmem:s7], [sflag:$0x10], $0x680, $0x38;
	[tilespmem:$0x1E910] =	vst v63  }
0xb8: {  	_ =	swait.ge [sflag:s5], $0x680  }
0xb9: {  	[sflag:s5] =	ssyncset.done $0x0  }
0xba: {  	s29 =	rddreg [dreg:$0x1a];
	[sflag:s5] =	ssyncadd.s32 $0xFFFFF980  }
0xbb: {  	[spmem:s29] =	stream.linear.scatter [tilespmem:s7], [sflag:$0x10], $0x680, $0x38;
	[tilespmem:$0x1E910] =	vst v63  }
0xbc: {  	_ =	swait.ge [sflag:s5], $0x680  }
0xbd: {  	[sflag:s5] =	ssyncset.done $0x0  }
0xbe: {  	s30 =	rddreg [dreg:$0x1b];
	[sflag:s5] =	ssyncadd.s32 $0xFFFFF980  }
0xbf: {  	[spmem:s30] =	stream.linear.scatter [tilespmem:s7], [sflag:$0x10], $0x680, $0x38;
	[tilespmem:$0x1E910] =	vst v63  }
0xc0: {  	_ =	swait.ge [sflag:s5], $0x680  }
0xc1: {  	[sflag:s5] =	ssyncset.done $0x0  }
0xc2: {  	s31 =	rddreg [dreg:$0x1c];
	[sflag:s5] =	ssyncadd.s32 $0xFFFFF980  }
0xc3: {  	[spmem:s31] =	stream.linear.scatter [tilespmem:s7], [sflag:$0x10], $0x680, $0x38;
	[tilespmem:$0x1E910] =	vst v63  }
0xc4: {  	_ =	swait.ge [sflag:s5], $0x680  }
0xc5: {  	[sflag:s5] =	ssyncset.done $0x0  }
0xc6: {  	s4 =	rddreg [dreg:$0x1d];
	[sflag:s5] =	ssyncadd.s32 $0xFFFFF980  }
0xc7: {  	[spmem:s4] =	stream.linear.scatter [tilespmem:s7], [sflag:$0x10], $0x680, $0x38;
	[tilespmem:$0x1E910] =	vst v63  }
0xc8: {  	_ =	swait.ge [sflag:s5], $0x680  }
0xc9: {  	s3 =	sld [smem:$0x7FD]  }
0xca: {  	[sflag:s5] =	ssyncset.done $0x0  }
0xcb: {  	s28 =	simm.s32 @!p0 $0x1BB80;
	[sflag:s5] =	ssyncadd.s32 $0xFFFFF980  }
0xcc: {  	[spmem:s3] =	stream.linear.scatter @!p0 [tilespmem:s28], [sflag:$0x10], $0x100, $0x38;
	[tilespmem:$0x1E910] =	vst v63  }
0xcd: {  	s28 =	simm.s32 @!p0 $0x10  }
0xce: {  	_ =	swait.ge @!p0 [sflag:s28], $0x100  }
0xcf: {  	[sflag:s28] =	ssyncset.done @!p0 $0x0  }
0xd0: {  	[sflag:s28] =	ssyncadd.s32 @!p0 $0xFFFFFF00  }
0xd1: {  	s28 =	simm.s32 $0x0;
	[bflag:$0x0] =	sbarrier.arrive $0xFFFF  }
0xd2: {  	[tilespmem:s9], [sflag:$0x1] =	stream.indirect.gather [hbm4b:s14+s8], $0x40, s28, s8, $0xb8;
	[tilespmem:$0x1E910] =	vst v63  }
0xd3: {  	_ = 	snop  }
0xd4: {  	[tilespmem:s10], [sflag:$0x2] =	stream.indirect.gather [hbm4b:s14+s8], $0x40, s8, s8, $0xb8;
	[tilespmem:$0x1E910] =	vst v63  }
0xd5: {  	s29 =	simm.s32 $0xA0  }
0xd6: {  	[tilespmem:s11], [sflag:$0x3] =	stream.indirect.gather [hbm4b:s14+s8], $0x40, s29, s8, $0xb8;
	[tilespmem:$0x1E910] =	vst v63  }
0xd7: {  	s30 =	simm.s32 $0xF0  }
0xd8: {  	[tilespmem:s12], [sflag:$0x4] =	stream.indirect.gather [hbm4b:s14+s8], $0x40, s30, s8, $0xb8;
	[tilespmem:$0x1E910] =	vst v63  }
0xd9: {  	s31 =	simm.s32 $0x140  }
0xda: {  	[tilespmem:s16], [sflag:$0x5] =	stream.indirect.gather [hbm4b:s14+s8], $0x40, s31, s8, $0xb8;
	[tilespmem:$0x1E910] =	vst v63  }
.LBB2_8:
0xdb: {  	_ =	swait.ge [sflag:s17], $0x1400  }
0xdc: {  	s29 =	sshra.s32 s28, $0x2;
	[sflag:s17] =	ssyncset.done $0x0  }
0xdd: {  	s30 =	sadd.s32 $0x4E20, s29;
	[sflag:s17] =	ssyncadd.s32 $0xFFFFEC00  }
0xde: {  	[spmem:s13] =	stream.indirect.scatter.add.f32 [tilespmem:s9], [sflag:$0x6], $0x40, s30, s8, $0xb8;
	[tilespmem:$0x1E910] =	vst v63  }
0xdf: {  	_ = 	snop  }
0xe0: {  	[spmem:s15] =	stream.indirect.scatter.add.f32 [tilespmem:s18], [sflag:$0xB], $0x10, s30, s8, $0xb8;
	[tilespmem:$0x1E910] =	vst v63  }
0xe1: {  	_ =	swait.ge [sflag:s1], $0x1400  }
0xe2: {  	[sflag:s1] =	ssyncset.done $0x0  }
0xe3: {  	s31 =	sadd.s32 $0x4E70, s29;
	[sflag:s1] =	ssyncadd.s32 $0xFFFFEC00  }
0xe4: {  	[spmem:s13] =	stream.indirect.scatter.add.f32 [tilespmem:s10], [sflag:$0x7], $0x40, s31, s8, $0xb8;
	[tilespmem:$0x1E910] =	vst v63  }
0xe5: {  	_ = 	snop  }
0xe6: {  	[spmem:s15] =	stream.indirect.scatter.add.f32 [tilespmem:s18], [sflag:$0xC], $0x10, s31, s8, $0xb8;
	[tilespmem:$0x1E910] =	vst v63  }
0xe7: {  	_ =	swait.ge [sflag:s0], $0x1400  }
0xe8: {  	[sflag:s0] =	ssyncset.done $0x0  }
0xe9: {  	s3 =	sadd.s32 $0x4EC0, s29;
	[sflag:s0] =	ssyncadd.s32 $0xFFFFEC00  }
0xea: {  	[spmem:s13] =	stream.indirect.scatter.add.f32 [tilespmem:s11], [sflag:$0x8], $0x40, s3, s8, $0xb8;
	[tilespmem:$0x1E910] =	vst v63  }
0xeb: {  	_ = 	snop  }
0xec: {  	[spmem:s15] =	stream.indirect.scatter.add.f32 [tilespmem:s18], [sflag:$0xD], $0x10, s3, s8, $0xb8;
	[tilespmem:$0x1E910] =	vst v63  }
0xed: {  	_ =	swait.ge [sflag:s2], $0x1400  }
0xee: {  	[sflag:s2] =	ssyncset.done $0x0  }
0xef: {  	s4 =	sadd.s32 $0x4F10, s29;
	[sflag:s2] =	ssyncadd.s32 $0xFFFFEC00  }
0xf0: {  	[spmem:s13] =	stream.indirect.scatter.add.f32 [tilespmem:s12], [sflag:$0x9], $0x40, s4, s8, $0xb8;
	[tilespmem:$0x1E910] =	vst v63  }
0xf1: {  	_ = 	snop  }
0xf2: {  	[spmem:s15] =	stream.indirect.scatter.add.f32 [tilespmem:s18], [sflag:$0xE], $0x10, s4, s8, $0xb8;
	[tilespmem:$0x1E910] =	vst v63  }
0xf3: {  	_ =	swait.ge [sflag:s19], $0x1400  }
0xf4: {  	[sflag:s19] =	ssyncset.done $0x0  }
0xf5: {  	s31 =	sadd.s32 $0x4F60, s29;
	[sflag:s19] =	ssyncadd.s32 $0xFFFFEC00  }
0xf6: {  	[spmem:s13] =	stream.indirect.scatter.add.f32 [tilespmem:s16], [sflag:$0xA], $0x40, s31, s8, $0xb8;
	[tilespmem:$0x1E910] =	vst v63  }
0xf7: {  	_ = 	snop  }
0xf8: {  	[spmem:s15] =	stream.indirect.scatter.add.f32 [tilespmem:s18], [sflag:$0xF], $0x10, s31, s8, $0xb8;
	[tilespmem:$0x1E910] =	vst v63  }
0xf9: {  	_ =	swait.ge [sflag:s20], $0x1400  }
0xfa: {  	[sflag:s20] =	ssyncset.done $0x0  }
0xfb: {  	[sflag:s20] =	ssyncadd.s32 $0xFFFFEC00  }
0xfc: {  	_ =	swait.ge [sflag:s21], $0x500  }
0xfd: {  	p1 =	seq.s32 s28, $0x13240;
	[sflag:s21] =	ssyncset.done $0x0  }
0xfe: {  	s30 =	simm.s32 @p1 $0x7;
	[sflag:s21] =	ssyncadd.s32 $0xFFFFFB00  }
0xff: {  	_ =	swait.ge @p1 [sflag:s30], $0x1400  }
0x100: {  	[sflag:s30] =	ssyncset.done @p1 $0x0  }
0x101: {  	[sflag:s30] =	ssyncadd.s32 @p1 $0xFFFFEC00;
	s30 =	simm.s32 @p1 $0xC  }
0x102: {  	_ =	swait.ge @p1 [sflag:s30], $0x500  }
0x103: {  	[sflag:s30] =	ssyncset.done @p1 $0x0  }
0x104: {  	[sflag:s30] =	ssyncadd.s32 @p1 $0xFFFFFB00;
	s30 =	sshra.s32 @!p1 s28, $0x2  }
0x105: {  	s3 =	simm.s32 @!p1 $0x50;
	s4 =	simm.s32 @!p1 $0x15280;
	s31 =	sadd.s32 @!p1 $0x190, s30  }
0x106: {  	[tilespmem:s4], [sflag:$0x1] =	stream.indirect.gather @!p1 [hbm4b:s14+s3], $0x40, s31, s3, $0xb8;
	[tilespmem:$0x1E910] =	vst v63  }
0x107: {  	s4 =	simm.s32 @!p1 $0x7  }
0x108: {  	_ =	swait.ge @!p1 [sflag:s4], $0x1400  }
0x109: {  	[sflag:s4] =	ssyncset.done @!p1 $0x0  }
0x10a: {  	[sflag:s4] =	ssyncadd.s32 @!p1 $0xFFFFEC00;
	s4 =	simm.s32 @!p1 $0xC  }
0x10b: {  	_ =	swait.ge @!p1 [sflag:s4], $0x500  }
0x10c: {  	[sflag:s4] =	ssyncset.done @!p1 $0x0  }
0x10d: {  	s31 =	simm.s32 @!p1 $0x16680;
	[sflag:s4] =	ssyncadd.s32 @!p1 $0xFFFFFB00;
	s4 =	sadd.s32 @!p1 $0x1E0, s30  }
0x10e: {  	[tilespmem:s31], [sflag:$0x2] =	stream.indirect.gather @!p1 [hbm4b:s14+s3], $0x40, s4, s3, $0xb8;
	[tilespmem:$0x1E910] =	vst v63  }
0x10f: {  	_ =	swait.ge [sflag:s22], $0x1400  }
0x110: {  	[sflag:s22] =	ssyncset.done $0x0  }
0x111: {  	[sflag:s22] =	ssyncadd.s32 $0xFFFFEC00  }
0x112: {  	_ =	swait.ge [sflag:s23], $0x500  }
0x113: {  	[sflag:s23] =	ssyncset.done $0x0  }
0x114: {  	s4 =	simm.s32 @p1 $0x9;
	[sflag:s23] =	ssyncadd.s32 $0xFFFFFB00  }
0x115: {  	_ =	swait.ge @p1 [sflag:s4], $0x1400  }
0x116: {  	[sflag:s4] =	ssyncset.done @p1 $0x0  }
0x117: {  	[sflag:s4] =	ssyncadd.s32 @p1 $0xFFFFEC00;
	s4 =	simm.s32 @p1 $0xE  }
0x118: {  	_ =	swait.ge @p1 [sflag:s4], $0x500  }
0x119: {  	[sflag:s4] =	ssyncset.done @p1 $0x0  }
0x11a: {  	s31 =	simm.s32 @!p1 $0x17A80;
	[sflag:s4] =	ssyncadd.s32 @p1 $0xFFFFFB00;
	s4 =	sadd.s32 @!p1 $0x230, s30  }
0x11b: {  	[tilespmem:s31], [sflag:$0x3] =	stream.indirect.gather @!p1 [hbm4b:s14+s3], $0x40, s4, s3, $0xb8;
	[tilespmem:$0x1E910] =	vst v63  }
0x11c: {  	s4 =	simm.s32 @!p1 $0x9  }
0x11d: {  	_ =	swait.ge @!p1 [sflag:s4], $0x1400  }
0x11e: {  	[sflag:s4] =	ssyncset.done @!p1 $0x0  }
0x11f: {  	[sflag:s4] =	ssyncadd.s32 @!p1 $0xFFFFEC00;
	s4 =	simm.s32 @!p1 $0xE  }
0x120: {  	_ =	swait.ge @!p1 [sflag:s4], $0x500  }
0x121: {  	[sflag:s4] =	ssyncset.done @!p1 $0x0  }
0x122: {  	[sflag:s4] =	ssyncadd.s32 @!p1 $0xFFFFFB00;
	s4 =	sadd.s32 @!p1 $0x280, s30;
	s30 =	simm.s32 @!p1 $0x18E80  }
0x123: {  	[tilespmem:s30], [sflag:$0x4] =	stream.indirect.gather @!p1 [hbm4b:s14+s3], $0x40, s4, s3, $0xb8;
	[tilespmem:$0x1E910] =	vst v63  }
0x124: {  	_ =	swait.ge [sflag:s24], $0x1400  }
.Ltmp5:
0x125: {  	[sflag:s24] =	ssyncset.done $0x0;
	(pc) =	sbr.rel @p1 .LBB2_10-.Ltmp5, $4  }
0x126: {  	[sflag:s24] =	ssyncadd.s32 $0xFFFFEC00  }
0x127: {  	_ =	swait.ge [sflag:s25], $0x500  }
0x128: {  	[sflag:s25] =	ssyncset.done $0x0  }
0x129: {  	[sflag:s25] =	ssyncadd.s32 $0xFFFFFB00  }
.Ltmp6:
0x12a: {  	(pc) =	sbr.rel .LBB2_8-.Ltmp6, $3  }
0x12b: {  	_ =	sdelay $0x1  }
0x12c: {  	s3 =	sadd.s32 $0x2D0, s29;
	s28 =	sadd.s32 $0x640, s28  }
0x12d: {  	[tilespmem:s16], [sflag:$0x5] =	stream.indirect.gather [hbm4b:s14+s8], $0x40, s3, s8, $0xb8;
	[tilespmem:$0x1E910] =	vst v63  }
.LBB2_11:
0x12e: {  	_ =	sfence.sel $0x180000  }
0x12f: {  	[bflag:$0x0] =	sbarrier.arrive $0xFFFF  }
0x130: {  	_ =	strace $0x90000047  }
0x131: {  	[bflag:$0x2] =	sbarrier.arrive $0xFFFF  }
0x132: {  	s0 =	rddreg [dreg:$0x4]  }
0x133: {  	s0 =	sadd.s32 @!p0 $0x100000, s0  }
0x134: {  	[sflag:s0] =	ssyncadd.tile.s32 @!p0 $0x1;
	_ =	shalt  }
.Lfunc_end2:
_tile_overlayer_lowered:
.L_overlay_start_2:
0x135: {  	(tag) =	ssettag $0x2  }
0x136: {  	s0 =	rddreg [dreg:$0x0];
	s2 =	stileid.u32  }
0x137: {  	s1 =	rddreg [dreg:$0x1];
	p0 =	sne.s32 s2, $0x0  }
0x138: {  	s3 =	rddreg [dreg:$0x2];
	[bflag:$0x3] =	sbarrier.arrive $0xFFFF;
	s2 =	simm.s32 @!p0 $0x1C10  }
0x139: {  	[timem:s3], [sflag:s2] =	dma.local @!p0 [hbm:s0], s1  }
0x13a: {  	s0 =	simm.s32 @!p0 $0x10  }
0x13b: {  	_ =	swait.ge @!p0 [sflag:s0], s1  }
0x13c: {  	s1 =	ssub.s32 @!p0 $0x0, s1;
	[sflag:s0] =	ssyncset.done @!p0 $0x0  }
0x13d: {  	[sflag:s0] =	ssyncadd.s32 @!p0 s1  }
0x13e: {  	[bflag:$0x3] =	sbarrier.arrive $0xFFFF  }
0x13f: {  	_ =	shalt  }

// kernel: kernel.9.cloned.1.call-start
scs
__scs_entry_jumppad:
0x0: {  	(pc) =	sbr.rel $0x88, $3  }
0x1: {  	(tag) =	ssettag $0x0;
	lr =	simm.s32 $0x1  }
0x2: {  	[smem:$0x3F95] =	sst lr;
	_ =	strace $0xD0000000  }
0x3: {  	_ = 	snop  }
0x4: {  	_ = 	snop  }
0x5: {  	_ = 	snop  }
0x6: {  	_ = 	snop  }
0x7: {  	_ = 	snop  }
__scs_overlays_trampoline_lowered:
0x8: {  	[smem:$0x3FA4] =	sst s0  }
0x9: {  	[smem:$0x3FA5] =	sst s1  }
0xa: {  	[smem:$0x3FA6] =	sst s2  }
0xb: {  	[smem:$0x3FA7] =	sst s3  }
0xc: {  	[smem:$0x3FA8] =	sst s4  }
0xd: {  	[smem:$0x3FA9] =	sst s5  }
0xe: {  	[smem:$0x3FAA] =	sst s6  }
0xf: {  	[smem:$0x3FAB] =	sst s7  }
0x10: {  	[smem:$0x3FAC] =	sst s8  }
0x11: {  	[smem:$0x3FAD] =	sst s9;
	s0 =	simm.s32 @!p0 $0x0  }
0x12: {  	s1 =	sld [smem:$0x3F93];
	s0 =	simm.s32 @p0 $0x1  }
0x13: {  	[smem:$0x3FAE] =	sst s0;
	s0 =	simm.s32 @!p1 $0x0  }
0x14: {  	s2 =	sld [smem:$0x3F92];
	s0 =	simm.s32 @p1 $0x1  }
0x15: {  	[smem:$0x3FAF] =	sst s0;
	s0 =	simm.s32 @!p2 $0x0  }
0x16: {  	s3 =	sld [smem:$0x3FDB];
	s0 =	simm.s32 @p2 $0x1  }
0x17: {  	s4 =	simm.s32 $0x1BF5;
	[smem:$0x3FB1] =	sst s0  }
0x18: {  	s0 =	sld [smem:$0x3F94];
	_ =	swait.ge [sflag:s4], $0x0  }
0x19: {  	s7 =	sld [smem:$0x3F95]  }
0x1a: {  	s8 =	sadd.s32 $0xFFFFE003, lr  }
0x1b: {  	s9 =	sadd.s32 $0xFFFFFEF7, lr;
	s5 =	simm.s32 $0xFFFFFFFF;
	p2 =	slt.u32 s8, $0xFFFFF086  }
0x1c: {  	p1 =	slt.u32 s9, $0xF7A;
	s5 =	simm.s32 @!p2 $0x0  }
0x1d: {  	s5 =	simm.s32 @p1 $0x1;
	p0 =	seq.s32 s7, s2  }
0x1e: {  	s7 =	smul.u32 @!p0 $0xF7A, s2;
	p2 =	seq.s32 @!p0 s5, $0x0  }
0x1f: {  	s9 =	smul.u32 $0xF7A, s1;
	s8 =	simm.s32 @!p0 $0x1BF5;
	p2 =	por !p2, p0  }
0x20: {  	[sflag:s8] =	ssyncset.s32 @!p0 $0xFFFFF086;
	s6 =	sadd.s32 @!p0 s3, s7;
	s7 =	simm.s32 @!p0 $0x108  }
0x21: {  	s3 =	sadd.s32 s3, s9;
	s6 =	sadd.s32 @!p0 $0x88, s6;
	s7 =	simm.s32 @p2 $0x1082  }
0x22: {  	[simem:s7], [sflag:s8] =	dma.local @!p0 [hbm:s6], $0xF7A  }
0x23: {  	s9 =	sor.u32 $0xD0000000, s2;
	s6 =	simm.s32 $0x108;
	_ =	swait.ge @!p0 [sflag:s8], $0x0  }
0x24: {  	s3 =	sadd.s32 $0x88, s3;
	s6 =	simm.s32 @!p1 $0x1082;
	[sflag:s4] =	ssyncset.s32 $0xFFFFF086  }
0x25: {  	[simem:s6], [sflag:s4] =	dma.local [hbm:s3], $0xF7A  }
0x26: {  	[smem:$0x3F95] =	sst s1;
	(tag) =	ssettag s2;
	_ =	strace s9  }
0x27: {  	s1 =	sld [smem:$0x3FA5]  }
0x28: {  	s2 =	sld [smem:$0x3FA6]  }
0x29: {  	s4 =	sld [smem:$0x3FA8]  }
0x2a: {  	p0 =	seq.s32 s5, $0x0;
	s5 =	sld [smem:$0x3FA9]  }
0x2b: {  	s6 =	sld [smem:$0x3FAA]  }
0x2c: {  	s7 =	sld [smem:$0x3FAB]  }
0x2d: {  	s3 =	simm.s32 $0x108;
	s8 =	sld [smem:$0x3FAC]  }
0x2e: {  	s3 =	simm.s32 @!p0 $0x1082;
	s9 =	sld [smem:$0x3FAD]  }
0x2f: {  	lr =	sadd.s32 s0, s3;
	s0 =	sld [smem:$0x3FA4]  }
0x30: {  	s3 =	sld [smem:$0x3FA7]  }
0x31: {  	[smem:$0x3FB0] =	sst s10  }
0x32: {  	s10 =	sld [smem:$0x3FAE];
	_ =	sdelay $0x3  }
0x33: {  	p0 =	seq.s32 s10, $0x1;
	s10 =	sld [smem:$0x3FB0];
	_ =	sdelay $0x3  }
0x34: {  	[smem:$0x3FB0] =	sst s10  }
0x35: {  	s10 =	sld [smem:$0x3FAF];
	_ =	sdelay $0x3  }
0x36: {  	p1 =	seq.s32 s10, $0x1;
	s10 =	sld [smem:$0x3FB0];
	_ =	sdelay $0x3  }
0x37: {  	[smem:$0x3FB0] =	sst s10  }
0x38: {  	s10 =	sld [smem:$0x3FB1]  }
0x39: {  	_ = 	snop;
	(pc) =	sbr.ind lr, $3  }
0x3a: {  	_ = 	snop  }
0x3b: {  	_ = 	snop  }
0x3c: {  	p2 =	seq.s32 s10, $0x1;
	s10 =	sld [smem:$0x3FB0]  }
0x3d: {  	_ =	shalt  }
0x3e: {  	_ =	shalt  }
0x3f: {  	_ =	shalt  }
0x40: {  	_ =	shalt  }
0x41: {  	_ =	shalt  }
0x42: {  	_ =	shalt  }
0x43: {  	_ =	shalt  }
0x44: {  	_ =	shalt  }
0x45: {  	_ =	shalt  }
0x46: {  	_ =	shalt  }
0x47: {  	_ =	shalt  }
0x48: {  	_ =	shalt  }
0x49: {  	_ =	shalt  }
0x4a: {  	_ =	shalt  }
0x4b: {  	_ =	shalt  }
0x4c: {  	_ =	shalt  }
0x4d: {  	_ =	shalt  }
0x4e: {  	_ =	shalt  }
0x4f: {  	_ =	shalt  }
0x50: {  	_ =	shalt  }
0x51: {  	_ =	shalt  }
0x52: {  	_ =	shalt  }
0x53: {  	_ =	shalt  }
0x54: {  	_ =	shalt  }
0x55: {  	_ =	shalt  }
0x56: {  	_ =	shalt  }
0x57: {  	_ =	shalt  }
0x58: {  	_ =	shalt  }
0x59: {  	_ =	shalt  }
0x5a: {  	_ =	shalt  }
0x5b: {  	_ =	shalt  }
0x5c: {  	_ =	shalt  }
0x5d: {  	_ =	shalt  }
0x5e: {  	_ =	shalt  }
0x5f: {  	_ =	shalt  }
0x60: {  	_ =	shalt  }
0x61: {  	_ =	shalt  }
0x62: {  	_ =	shalt  }
0x63: {  	_ =	shalt  }
0x64: {  	_ =	shalt  }
0x65: {  	_ =	shalt  }
0x66: {  	_ =	shalt  }
0x67: {  	_ =	shalt  }
0x68: {  	_ =	shalt  }
0x69: {  	_ =	shalt  }
0x6a: {  	_ =	shalt  }
0x6b: {  	_ =	shalt  }
0x6c: {  	_ =	shalt  }
0x6d: {  	_ =	shalt  }
0x6e: {  	_ =	shalt  }
0x6f: {  	_ =	shalt  }
0x70: {  	_ =	shalt  }
0x71: {  	_ =	shalt  }
0x72: {  	_ =	shalt  }
0x73: {  	_ =	shalt  }
0x74: {  	_ =	shalt  }
0x75: {  	_ =	shalt  }
0x76: {  	_ =	shalt  }
0x77: {  	_ =	shalt  }
0x78: {  	_ =	shalt  }
0x79: {  	_ =	shalt  }
0x7a: {  	_ =	shalt  }
0x7b: {  	_ =	shalt  }
0x7c: {  	_ =	shalt  }
0x7d: {  	_ =	shalt  }
0x7e: {  	_ =	shalt  }
0x7f: {  	_ =	shalt  }
0x80: {  	_ =	shalt  }
0x81: {  	_ =	shalt  }
0x82: {  	_ =	shalt  }
0x83: {  	_ =	shalt  }
0x84: {  	_ =	shalt  }
0x85: {  	_ =	shalt  }
0x86: {  	_ =	shalt  }
0x87: {  	_ =	shalt  }
.Lfunc_end0:
.L_simem_size_0:
called_computation.1_lowered:
.L_overlay_start_0:
0x88: {  	s2 =	sld [smem:$0x3FD9]  }
0x89: {  	s3 =	sld [smem:$0x3FFE];
	_ =	sdelay $0x1  }
0x8a: {  	s1 =	srdreg.scid  }
0x8b: {  	s0 =	sand.u32 $0x1, s1  }
0x8c: {  	s17 =	sshll.u32 s0, $0xA;
	s2 =	sadd.s32 s3, s2  }
0x8d: {  	s2 =	sadd.s32 s2, s17  }
0x8e: {  	[smem:$0x3FBC] =	sst s2  }
0x8f: {  	_ = 	snop  }
0x90: {  	s2 =	sld [smem:$0x3FD0];
	(tm) =	ssettm $0x1  }
0x91: {  	s18 =	sld [smem:$0x3FFB];
	_ =	sdelay $0x3  }
0x92: {  	_ =	strace s18  }
0x93: {  	s3 =	sld [smem:$0x3FFC];
	_ =	sdelay $0x3  }
0x94: {  	_ =	strace s3  }
0x95: {  	s3 =	sld [smem:$0x3FFD];
	_ =	sdelay $0x3  }
0x96: {  	_ =	strace s3  }
0x97: {  	_ =	strace $0x8FFFFFFF  }
0x98: {  	s19 =	sld [smem:$0x3FDB];
	_ =	sdelay $0x1  }
0x99: {  	s4 =	simm.s32 $_scs_section_size  }
0x9a: {  	s5 =	simm.s32 $_size__tile_overlayer_lowered;
	s6 =	simm.s32 $_tile_overlayer_lowered  }
0x9b: {  	s22 =	simm.s32 $0x1BFF;
	s21 =	sshll.u32 s6, $0x1;
	s3 =	sadd.s32 s4, s19  }
0x9c: {  	s7 =	simm.s32 $0x0;
	s20 =	sshll.u32 s5, $0x1;
	s5 =	sadd.s32 s21, s3  }
0x9d: {  	[timem:s7], [sflag:s22] =	dma.local [hbm:s5], s20  }
0x9e: {  	_ =	swait.ge [sflag:s22], s20  }
0x9f: {  	s4 =	ssub.s32 $0x0, s20;
	[sflag:s22] =	ssyncset.done $0x0  }
0xa0: {  	[sflag:s22] =	ssyncadd.s32 s4;
	_ =	sdelay $0x1  }
0xa1: {  	s23 =	simm.s32 $0x1B8B  }
0xa2: {  	_ =	swait.ge [sflag:s23], $0x1  }
0xa3: {  	[sflag:s23] =	ssyncset.done $0x0  }
0xa4: {  	s25 =	simm.s32 $0x1B8E;
	s24 =	sld [smem:$0x3FFE];
	[sflag:s23] =	ssyncadd.s32 $0xFFFFFFFF  }
0xa5: {  	s26 =	simm.s32 $execute0_lowered;
	[smem:$0x3FD2] =	sst s25  }
0xa6: {  	s5 =	sshll.u32 s26, $0x1;
	_ =	strace $0x80000049;
	[dreg:$0x1] =	wrdreg $0xFFFFFFFF  }
0xa7: {  	s28 =	simm.s32 $_size_execute0_lowered;
	s3 =	sadd.s32 s3, s5;
	[dreg:$0x0] =	wrdreg $0x0  }
0xa8: {  	s5 =	sshll.u32 s28, $0x1;
	[dreg:$0x2] =	wrdreg s3  }
0xa9: {  	[dreg:$0x3] =	wrdreg s5  }
0xaa: {  	[dreg:$0x4] =	wrdreg $0xC0  }
0xab: {  	_ =	task [dreg:s7], $0x5FFFF  }
0xac: {  	[dreg:$0x1] =	wrdreg $0xFFFFFFFF  }
0xad: {  	[dreg:$0x0] =	wrdreg $0x60  }
0xae: {  	[dreg:$0x2] =	wrdreg s2  }
0xaf: {  	[dreg:$0x3] =	wrdreg s24  }
0xb0: {  	[dreg:$0x4] =	wrdreg $0x68200  }
0xb1: {  	[dreg:$0x5] =	wrdreg $0x9  }
0xb2: {  	_ =	task.clear_ibuf [dreg:s7], $0x6FFFF;
	_ =	strace $0x90000049  }
0xb3: {  	s29 =	simm.s32 $0x9;
	_ =	strace $0x8000004B  }
0xb4: {  	_ =	swait.ge [sflag:s29], $0x1  }
0xb5: {  	[sflag:s29] =	ssyncadd.s32 $0xFFFFFFFF  }
0xb6: {  	_ =	strace $0x9000004B  }
0xb7: {  	_ =	sfence  }
0xb8: {  	s30 =	sld [smem:$0x0];
	_ =	sdelay $0x2  }
0xb9: {  	s31 =	sshll.u32 s1, $0xD;
	s1 =	sshrl.u32 s1, $0x2  }
0xba: {  	s3 =	sand.u32 $0x4000, s31;
	s1 =	sadd.s32 s1, s30  }
0xbb: {  	s0 =	sor.u32 s3, s0;
	s1 =	sshll.u32 s1, $0x11  }
0xbc: {  	s0 =	sor.u32 s1, s0  }
0xbd: {  	s0 =	sadd.s32 $0x8F2B, s0  }
0xbe: {  	[sflag:s0] =	ssyncadd.remote.s32 $0x1  }
0xbf: {  	_ =	sfence.sel $0xFFFF  }
0xc0: {  	[dreg:$0x0] =	wrdreg $0xFFFFFFFF;
	(pc) =	sbr.abs _section_cstart, $3  }
0xc1: {  	[dreg:$0x1] =	wrdreg $0xFFFFFFFF  }
0xc2: {  	_ =	task.clear_ibuf [dreg:s7], $0x2FFFF;
	_ =	strace $0x9FFFFFFF  }
0xc3: {  	(tm) =	ssettm $0x7FFFFFFF  }
tec
execute0_lowered:
.L_overlay_start_1:
0x0: {  	(tag) =	ssettag $0x1  }
0x1: {  	s0 =	rddreg [dreg:$0x0]  }
0x2: {  	s1 =	rddreg [dreg:$0x1]  }
0x3: {  	s2 =	srdreg.scid;
	s18 =	stileid.u32  }
0x4: {  	s3 =	rddreg [dreg:$0x2];
	s5 =	simm.s32 $0x0;
	s28 =	simm.s32 $0x11860  }
0x5: {  	s30 =	simm.s32 $0x12C60;
	s29 =	simm.s32 $0x1;
	s31 =	simm.s32 $0x2  }
0x6: {  	s2 =	sand.u32 $0x1, s2;
	s4 =	sshll.u32 s18, $0x1;
	[smem:$0x7FF] =	sst s5  }
0x7: {  	s12 =	smul.u32 $0x1A00, s18;
	p0 =	sne.s32 s18, $0x0;
	s18 =	simm.s32 $0x0  }
0x8: {  	s4 =	sor.u32 s2, s4;
	s16 =	ssub.s32 $0x2, s2;
	s2 =	smul.u32 $0x9C400, s2  }
0x9: {  	_ =	strace $0x8000004A;
	s4 =	smul.u32 $0x4E2, s4;
	s6 =	sshrl.u32 s16, $0x1  }
0xa: {  	s7 =	sadd.s32 s12, s3;
	s19 =	sadd.s32 $0x1A000, s12;
	s20 =	sadd.s32 $0x34000, s12  }
0xb: {  	s14 =	sadd.s32 $0x4E000, s12;
	s15 =	sadd.s32 $0x68000, s12;
	s5 =	ssub.s32 s16, s6  }
0xc: {  	s8 =	sadd.s32 s19, s3;
	s9 =	sadd.s32 s20, s3;
	s10 =	sadd.s32 s14, s3  }
0xd: {  	s13 =	sadd.s32 s12, s2;
	s11 =	sadd.s32 s15, s3;
	s16 =	sadd.s32 $0x82000, s12  }
0xe: {  	s6 =	sadd.s32 s2, s20;
	s14 =	sadd.s32 s2, s14;
	s23 =	sadd.s32 s2, s15  }
0xf: {  	s15 =	simm.s32 $0x8;
	s4 =	sadd.s32 s4, s1;
	s1 =	sadd.s32 $0x64600, s1  }
0x10: {  	s12 =	sadd.s32 s16, s3;
	s6 =	sshrl.u32 s6, $0x3;
	s14 =	sshrl.u32 s14, $0x3  }
0x11: {  	s24 =	sadd.s32 s2, s16;
	s26 =	smax.u32 s5, $0x1;
	s5 =	simm.s32 $0x5  }
0x12: {  	s16 =	simm.s32 $0x9;
	s17 =	sadd.s32 $0xC600, s4;
	s4 =	sadd.s32 $0x2800, s4  }
0x13: {  	s21 =	sadd.s32 s1, s6;
	s22 =	sadd.s32 s1, s14;
	[dreg:$0xd] =	wrdreg s26  }
0x14: {  	s6 =	sshrl.u32 s24, $0x3;
	s24 =	simm.s32 $0x4E20;
	[dreg:$0x4] =	wrdreg s17  }
0x15: {  	s26 =	simm.s32 $0x10460;
	s14 =	simm.s32 $0x7;
	[dreg:$0x5] =	wrdreg s4  }
0x16: {  	s17 =	sshrl.u32 s13, $0x3;
	s13 =	sadd.s32 $0x9C000, s3;
	[dreg:$0x8] =	wrdreg s21  }
0x17: {  	s4 =	sadd.s32 s2, s19;
	[dreg:$0x9] =	wrdreg s22;
	s2 =	sshrl.u32 s2, $0x3  }
0x18: {  	s22 =	simm.s32 $0xB;
	s17 =	sadd.s32 s1, s17;
	s4 =	sshrl.u32 s4, $0x3  }
0x19: {  	s2 =	sadd.s32 s1, s2;
	[dreg:$0x6] =	wrdreg s17;
	s4 =	sadd.s32 s1, s4  }
0x1a: {  	s25 =	sadd.s32 $0x13800, s2;
	s2 =	simm.s32 $0x3;
	[dreg:$0x7] =	wrdreg s4  }
0x1b: {  	s17 =	simm.s32 $0xA;
	s4 =	sshrl.u32 s23, $0x3;
	[dreg:$0xc] =	wrdreg s25  }
0x1c: {  	s25 =	simm.s32 $0x50;
	s23 =	simm.s32 $0x15460;
	s4 =	sadd.s32 s1, s4  }
0x1d: {  	s1 =	sadd.s32 s1, s6;
	s6 =	simm.s32 $0x6;
	[dreg:$0xa] =	wrdreg s4  }
0x1e: {  	v0 =	vimm.f32 $0.0e+00;
	[dreg:$0xb] =	wrdreg s1;
	s1 =	simm.s32 $0x14060;
	s4 =	simm.s32 $0x4  }
.LBB2_1:
0x1f: {  	s19 =	simm.s32 $0x0;
	s20 =	rddreg [dreg:$0x4]  }
0x20: {  	[tilespmem:s19], [sflag:$0xB] =	stream.linear.gather [hbm4b:s20+s19], $0x2710, $0x38;
	[tilespmem:$0x16860] =	vst v63  }
0x21: {  	_ =	swait.ge [sflag:s22], $0x2710  }
0x22: {  	[sflag:s22] =	ssyncset.done $0x0  }
0x23: {  	s21 =	simm.s32 $0x2710;
	s20 =	rddreg [dreg:$0x5];
	[sflag:s22] =	ssyncadd.s32 $0xFFFFD8F0  }
0x24: {  	[tilespmem:s21], [sflag:$0xB] =	stream.linear.gather [hbm4b:s20+s19], $0x2710, $0x38;
	[tilespmem:$0x16860] =	vst v63  }
0x25: {  	_ =	swait.ge [sflag:s22], $0x2710  }
0x26: {  	[sflag:s22] =	ssyncset.done $0x0  }
0x27: {  	s20 =	simm.s32 $0x100;
	s19 =	simm.s32 $0x0;
	[sflag:s22] =	ssyncadd.s32 $0xFFFFD8F0  }
.LBB2_2:
0x28: {  	p1 =	sne.s32 s20, $0x6700;
	[tilespmem:s19+$0x4E50] =	vst v0;
	s21 =	smov.u32 s20;
	s20 =	sadd.s32 $0x100, s20  }
.Ltmp0:
0x29: {  	[tilespmem:s19+$0x4E40] =	vst v0;
	(pc) =	sbr.rel @p1 .LBB2_2-.Ltmp0, $3  }
0x2a: {  	[tilespmem:s19+$0x4E20] =	vst v0  }
0x2b: {  	[tilespmem:s19+$0x4E30] =	vst v0;
	_ =	sdelay $0x1  }
0x2c: {  	s19 =	sshra.s32 s21, $0x2  }
0x2d: {  	[tilespmem:s19+$0x4E50] =	vst v0  }
0x2e: {  	[tilespmem:s19+$0x4E40] =	vst v0  }
0x2f: {  	[tilespmem:s19+$0x4E20] =	vst v0  }
0x30: {  	[tilespmem:s19+$0x4E30] =	vst v0  }
0x31: {  	[spmem:s7] =	stream.linear.scatter [tilespmem:s24], [sflag:$0xB], $0x1A00, $0x38;
	[tilespmem:$0x16860] =	vst v63  }
0x32: {  	_ =	swait.ge [sflag:s22], $0x1A00  }
0x33: {  	[sflag:s22] =	ssyncset.done $0x0  }
0x34: {  	[sflag:s22] =	ssyncadd.s32 $0xFFFFE600  }
0x35: {  	[spmem:s8] =	stream.linear.scatter [tilespmem:s24], [sflag:$0xB], $0x1A00, $0x38;
	[tilespmem:$0x16860] =	vst v63  }
0x36: {  	_ =	swait.ge [sflag:s22], $0x1A00  }
0x37: {  	[sflag:s22] =	ssyncset.done $0x0  }
0x38: {  	[sflag:s22] =	ssyncadd.s32 $0xFFFFE600  }
0x39: {  	[spmem:s9] =	stream.linear.scatter [tilespmem:s24], [sflag:$0xB], $0x1A00, $0x38;
	[tilespmem:$0x16860] =	vst v63  }
0x3a: {  	_ =	swait.ge [sflag:s22], $0x1A00  }
0x3b: {  	[sflag:s22] =	ssyncset.done $0x0  }
0x3c: {  	[sflag:s22] =	ssyncadd.s32 $0xFFFFE600  }
0x3d: {  	[spmem:s10] =	stream.linear.scatter [tilespmem:s24], [sflag:$0xB], $0x1A00, $0x38;
	[tilespmem:$0x16860] =	vst v63  }
0x3e: {  	_ =	swait.ge [sflag:s22], $0x1A00  }
0x3f: {  	[sflag:s22] =	ssyncset.done $0x0  }
0x40: {  	[sflag:s22] =	ssyncadd.s32 $0xFFFFE600  }
0x41: {  	[spmem:s11] =	stream.linear.scatter [tilespmem:s24], [sflag:$0xB], $0x1A00, $0x38;
	[tilespmem:$0x16860] =	vst v63  }
0x42: {  	_ =	swait.ge [sflag:s22], $0x1A00  }
0x43: {  	[sflag:s22] =	ssyncset.done $0x0  }
0x44: {  	[sflag:s22] =	ssyncadd.s32 $0xFFFFE600  }
0x45: {  	[spmem:s12] =	stream.linear.scatter [tilespmem:s24], [sflag:$0xB], $0x1A00, $0x38;
	[tilespmem:$0x16860] =	vst v63  }
0x46: {  	_ =	swait.ge [sflag:s22], $0x1A00  }
0x47: {  	[sflag:s22] =	ssyncset.done $0x0  }
0x48: {  	s19 =	simm.s32 @!p0 $0x4E20;
	[sflag:s22] =	ssyncadd.s32 $0xFFFFE600  }
0x49: {  	[spmem:s13] =	stream.linear.scatter @!p0 [tilespmem:s19], [sflag:$0xB], $0x400, $0x38;
	[tilespmem:$0x16860] =	vst v63  }
0x4a: {  	s19 =	simm.s32 @!p0 $0xB  }
0x4b: {  	_ =	swait.ge @!p0 [sflag:s19], $0x400  }
0x4c: {  	[sflag:s19] =	ssyncset.done @!p0 $0x0  }
0x4d: {  	[sflag:s19] =	ssyncadd.s32 @!p0 $0xFFFFFC00  }
0x4e: {  	s21 =	simm.s32 $0x0;
	[bflag:$0x0] =	sbarrier.arrive $0xFFFF  }
0x4f: {  	[tilespmem:s26], [sflag:$0x1] =	stream.indirect.gather [hbm4b:s0+s25], $0x40, s21, s25, $0xb8;
	[tilespmem:$0x16860] =	vst v63  }
0x50: {  	_ = 	snop  }
0x51: {  	[tilespmem:s28], [sflag:$0x2] =	stream.indirect.gather [hbm4b:s0+s25], $0x40, s25, s25, $0xb8;
	[tilespmem:$0x16860] =	vst v63  }
0x52: {  	s20 =	simm.s32 $0xA0  }
0x53: {  	[tilespmem:s30], [sflag:$0x3] =	stream.indirect.gather [hbm4b:s0+s25], $0x40, s20, s25, $0xb8;
	[tilespmem:$0x16860] =	vst v63  }
0x54: {  	s21 =	simm.s32 $0xF0  }
0x55: {  	[tilespmem:s1], [sflag:$0x4] =	stream.indirect.gather [hbm4b:s0+s25], $0x40, s21, s25, $0xb8;
	[tilespmem:$0x16860] =	vst v63  }
0x56: {  	s20 =	simm.s32 $0x140  }
0x57: {  	[tilespmem:s23], [sflag:$0x5] =	stream.indirect.gather [hbm4b:s0+s25], $0x40, s20, s25, $0xb8;
	[tilespmem:$0x16860] =	vst v63  }
0x58: {  	_ =	swait.ge [sflag:s29], $0x1400  }
0x59: {  	[sflag:s29] =	ssyncset.done $0x0  }
0x5a: {  	s21 =	simm.s32 $0x2710;
	[sflag:s29] =	ssyncadd.s32 $0xFFFFEC00  }
0x5b: {  	[spmem:s3] =	stream.indirect.scatter.add.f32 [tilespmem:s26], [sflag:$0x6], $0x40, s21, s25, $0xb8;
	[tilespmem:$0x16860] =	vst v63  }
0x5c: {  	_ =	swait.ge [sflag:s31], $0x1400  }
0x5d: {  	[sflag:s31] =	ssyncset.done $0x0  }
0x5e: {  	s20 =	simm.s32 $0x2760;
	[sflag:s31] =	ssyncadd.s32 $0xFFFFEC00  }
0x5f: {  	[spmem:s3] =	stream.indirect.scatter.add.f32 [tilespmem:s28], [sflag:$0x7], $0x40, s20, s25, $0xb8;
	[tilespmem:$0x16860] =	vst v63  }
0x60: {  	_ =	swait.ge [sflag:s2], $0x1400  }
0x61: {  	[sflag:s2] =	ssyncset.done $0x0  }
0x62: {  	s21 =	simm.s32 $0x27B0;
	[sflag:s2] =	ssyncadd.s32 $0xFFFFEC00  }
0x63: {  	[spmem:s3] =	stream.indirect.scatter.add.f32 [tilespmem:s30], [sflag:$0x8], $0x40, s21, s25, $0xb8;
	[tilespmem:$0x16860] =	vst v63  }
0x64: {  	_ =	swait.ge [sflag:s4], $0x1400  }
0x65: {  	[sflag:s4] =	ssyncset.done $0x0  }
0x66: {  	s20 =	simm.s32 $0x2800;
	[sflag:s4] =	ssyncadd.s32 $0xFFFFEC00  }
0x67: {  	[spmem:s3] =	stream.indirect.scatter.add.f32 [tilespmem:s1], [sflag:$0x9], $0x40, s20, s25, $0xb8;
	[tilespmem:$0x16860] =	vst v63  }
0x68: {  	_ =	swait.ge [sflag:s5], $0x1400  }
0x69: {  	[sflag:s5] =	ssyncset.done $0x0  }
0x6a: {  	s21 =	simm.s32 $0x2850;
	[sflag:s5] =	ssyncadd.s32 $0xFFFFEC00  }
0x6b: {  	[spmem:s3] =	stream.indirect.scatter.add.f32 [tilespmem:s23], [sflag:$0xA], $0x40, s21, s25, $0xb8;
	[tilespmem:$0x16860] =	vst v63  }
0x6c: {  	_ =	swait.ge [sflag:s6], $0x1400  }
0x6d: {  	[sflag:s6] =	ssyncset.done $0x0  }
0x6e: {  	s20 =	simm.s32 $0x190;
	[sflag:s6] =	ssyncadd.s32 $0xFFFFEC00  }
0x6f: {  	[tilespmem:s26], [sflag:$0x1] =	stream.indirect.gather [hbm4b:s0+s25], $0x40, s20, s25, $0xb8;
	[tilespmem:$0x16860] =	vst v63  }
0x70: {  	_ =	swait.ge [sflag:s14], $0x1400  }
0x71: {  	[sflag:s14] =	ssyncset.done $0x0  }
0x72: {  	s21 =	simm.s32 $0x1E0;
	[sflag:s14] =	ssyncadd.s32 $0xFFFFEC00  }
0x73: {  	[tilespmem:s28], [sflag:$0x2] =	stream.indirect.gather [hbm4b:s0+s25], $0x40, s21, s25, $0xb8;
	[tilespmem:$0x16860] =	vst v63  }
0x74: {  	_ =	swait.ge [sflag:s15], $0x1400  }
0x75: {  	[sflag:s15] =	ssyncset.done $0x0  }
0x76: {  	s20 =	simm.s32 $0x230;
	[sflag:s15] =	ssyncadd.s32 $0xFFFFEC00  }
0x77: {  	[tilespmem:s30], [sflag:$0x3] =	stream.indirect.gather [hbm4b:s0+s25], $0x40, s20, s25, $0xb8;
	[tilespmem:$0x16860] =	vst v63  }
0x78: {  	_ =	swait.ge [sflag:s16], $0x1400  }
0x79: {  	[sflag:s16] =	ssyncset.done $0x0  }
0x7a: {  	s21 =	simm.s32 $0x280;
	[sflag:s16] =	ssyncadd.s32 $0xFFFFEC00  }
0x7b: {  	[tilespmem:s1], [sflag:$0x4] =	stream.indirect.gather [hbm4b:s0+s25], $0x40, s21, s25, $0xb8;
	[tilespmem:$0x16860] =	vst v63  }
0x7c: {  	_ =	swait.ge [sflag:s17], $0x1400  }
0x7d: {  	[sflag:s17] =	ssyncset.done $0x0  }
0x7e: {  	s19 =	simm.s32 $0x640;
	s20 =	simm.s32 $0x2D0;
	[sflag:s17] =	ssyncadd.s32 $0xFFFFEC00  }
.LBB2_4:
0x7f: {  	[tilespmem:s23], [sflag:$0x5] =	stream.indirect.gather [hbm4b:s0+s25], $0x40, s20, s25, $0xb8;
	[tilespmem:$0x16860] =	vst v63  }
0x80: {  	s20 =	smov.u32 s19  }
0x81: {  	p1 =	sne.s32 s19, $0x8FC0;
	s19 =	sadd.s32 $0x640, s19;
	_ =	swait.ge [sflag:s29], $0x1400  }
0x82: {  	s20 =	sshra.s32 s20, $0x2;
	[sflag:s29] =	ssyncset.done $0x0  }
0x83: {  	s21 =	sadd.s32 $0x2710, s20;
	[sflag:s29] =	ssyncadd.s32 $0xFFFFEC00  }
0x84: {  	[spmem:s3] =	stream.indirect.scatter.add.f32 [tilespmem:s26], [sflag:$0x6], $0x40, s21, s25, $0xb8;
	[tilespmem:$0x16860] =	vst v63  }
0x85: {  	_ =	swait.ge [sflag:s31], $0x1400  }
0x86: {  	[sflag:s31] =	ssyncset.done $0x0  }
0x87: {  	s21 =	sadd.s32 $0x2760, s20;
	[sflag:s31] =	ssyncadd.s32 $0xFFFFEC00  }
0x88: {  	[spmem:s3] =	stream.indirect.scatter.add.f32 [tilespmem:s28], [sflag:$0x7], $0x40, s21, s25, $0xb8;
	[tilespmem:$0x16860] =	vst v63  }
0x89: {  	_ =	swait.ge [sflag:s2], $0x1400  }
0x8a: {  	[sflag:s2] =	ssyncset.done $0x0  }
0x8b: {  	s21 =	sadd.s32 $0x27B0, s20;
	[sflag:s2] =	ssyncadd.s32 $0xFFFFEC00  }
0x8c: {  	[spmem:s3] =	stream.indirect.scatter.add.f32 [tilespmem:s30], [sflag:$0x8], $0x40, s21, s25, $0xb8;
	[tilespmem:$0x16860] =	vst v63  }
0x8d: {  	_ =	swait.ge [sflag:s4], $0x1400  }
0x8e: {  	[sflag:s4] =	ssyncset.done $0x0  }
0x8f: {  	s21 =	sadd.s32 $0x2800, s20;
	[sflag:s4] =	ssyncadd.s32 $0xFFFFEC00  }
0x90: {  	[spmem:s3] =	stream.indirect.scatter.add.f32 [tilespmem:s1], [sflag:$0x9], $0x40, s21, s25, $0xb8;
	[tilespmem:$0x16860] =	vst v63  }
0x91: {  	_ =	swait.ge [sflag:s5], $0x1400  }
0x92: {  	[sflag:s5] =	ssyncset.done $0x0  }
0x93: {  	s21 =	sadd.s32 $0x2850, s20;
	[sflag:s5] =	ssyncadd.s32 $0xFFFFEC00  }
0x94: {  	[spmem:s3] =	stream.indirect.scatter.add.f32 [tilespmem:s23], [sflag:$0xA], $0x40, s21, s25, $0xb8;
	[tilespmem:$0x16860] =	vst v63  }
0x95: {  	_ =	swait.ge [sflag:s6], $0x1400  }
0x96: {  	[sflag:s6] =	ssyncset.done $0x0  }
0x97: {  	s21 =	sadd.s32 $0x190, s20;
	[sflag:s6] =	ssyncadd.s32 $0xFFFFEC00  }
0x98: {  	[tilespmem:s26], [sflag:$0x1] =	stream.indirect.gather [hbm4b:s0+s25], $0x40, s21, s25, $0xb8;
	[tilespmem:$0x16860] =	vst v63  }
0x99: {  	_ =	swait.ge [sflag:s14], $0x1400  }
0x9a: {  	[sflag:s14] =	ssyncset.done $0x0  }
0x9b: {  	s21 =	sadd.s32 $0x1E0, s20;
	[sflag:s14] =	ssyncadd.s32 $0xFFFFEC00  }
0x9c: {  	[tilespmem:s28], [sflag:$0x2] =	stream.indirect.gather [hbm4b:s0+s25], $0x40, s21, s25, $0xb8;
	[tilespmem:$0x16860] =	vst v63  }
0x9d: {  	_ =	swait.ge [sflag:s15], $0x1400  }
0x9e: {  	[sflag:s15] =	ssyncset.done $0x0  }
0x9f: {  	s21 =	sadd.s32 $0x230, s20;
	[sflag:s15] =	ssyncadd.s32 $0xFFFFEC00  }
0xa0: {  	[tilespmem:s30], [sflag:$0x3] =	stream.indirect.gather [hbm4b:s0+s25], $0x40, s21, s25, $0xb8;
	[tilespmem:$0x16860] =	vst v63  }
0xa1: {  	_ =	swait.ge [sflag:s16], $0x1400  }
0xa2: {  	[sflag:s16] =	ssyncset.done $0x0  }
.Ltmp1:
0xa3: {  	s21 =	sadd.s32 $0x280, s20;
	[sflag:s16] =	ssyncadd.s32 $0xFFFFEC00;
	(pc) =	sbr.rel @p1 .LBB2_4-.Ltmp1, $4  }
0xa4: {  	[tilespmem:s1], [sflag:$0x4] =	stream.indirect.gather [hbm4b:s0+s25], $0x40, s21, s25, $0xb8;
	[tilespmem:$0x16860] =	vst v63  }
0xa5: {  	_ =	swait.ge [sflag:s17], $0x1400  }
0xa6: {  	[sflag:s17] =	ssyncset.done $0x0  }
0xa7: {  	s20 =	sadd.s32 $0x2D0, s20;
	[sflag:s17] =	ssyncadd.s32 $0xFFFFEC00  }
0xa8: {  	[tilespmem:s23], [sflag:$0x5] =	stream.indirect.gather [hbm4b:s0+s25], $0x40, s20, s25, $0xb8;
	[tilespmem:$0x16860] =	vst v63  }
0xa9: {  	_ =	swait.ge [sflag:s29], $0x1400  }
0xaa: {  	[sflag:s29] =	ssyncset.done $0x0  }
0xab: {  	s19 =	simm.s32 $0x4C90;
	[sflag:s29] =	ssyncadd.s32 $0xFFFFEC00  }
0xac: {  	[spmem:s3] =	stream.indirect.scatter.add.f32 [tilespmem:s26], [sflag:$0x6], $0x40, s19, s25, $0xb8;
	[tilespmem:$0x16860] =	vst v63  }
0xad: {  	_ =	swait.ge [sflag:s31], $0x1400  }
0xae: {  	[sflag:s31] =	ssyncset.done $0x0  }
0xaf: {  	s20 =	simm.s32 $0x4CE0;
	[sflag:s31] =	ssyncadd.s32 $0xFFFFEC00  }
0xb0: {  	[spmem:s3] =	stream.indirect.scatter.add.f32 [tilespmem:s28], [sflag:$0x7], $0x40, s20, s25, $0xb8;
	[tilespmem:$0x16860] =	vst v63  }
0xb1: {  	_ =	swait.ge [sflag:s2], $0x1400  }
0xb2: {  	[sflag:s2] =	ssyncset.done $0x0  }
0xb3: {  	s21 =	simm.s32 $0x4D30;
	[sflag:s2] =	ssyncadd.s32 $0xFFFFEC00  }
0xb4: {  	[spmem:s3] =	stream.indirect.scatter.add.f32 [tilespmem:s30], [sflag:$0x8], $0x40, s21, s25, $0xb8;
	[tilespmem:$0x16860] =	vst v63  }
0xb5: {  	_ =	swait.ge [sflag:s4], $0x1400  }
0xb6: {  	[sflag:s4] =	ssyncset.done $0x0  }
0xb7: {  	s20 =	simm.s32 $0x4D80;
	[sflag:s4] =	ssyncadd.s32 $0xFFFFEC00  }
0xb8: {  	[spmem:s3] =	stream.indirect.scatter.add.f32 [tilespmem:s1], [sflag:$0x9], $0x40, s20, s25, $0xb8;
	[tilespmem:$0x16860] =	vst v63  }
0xb9: {  	_ =	swait.ge [sflag:s5], $0x1400  }
0xba: {  	[sflag:s5] =	ssyncset.done $0x0  }
0xbb: {  	s21 =	simm.s32 $0x4DD0;
	[sflag:s5] =	ssyncadd.s32 $0xFFFFEC00  }
0xbc: {  	[spmem:s3] =	stream.indirect.scatter.add.f32 [tilespmem:s23], [sflag:$0xA], $0x40, s21, s25, $0xb8;
	[tilespmem:$0x16860] =	vst v63  }
0xbd: {  	_ =	swait.ge [sflag:s6], $0x1400  }
0xbe: {  	[sflag:s6] =	ssyncset.done $0x0  }
0xbf: {  	[sflag:s6] =	ssyncadd.s32 $0xFFFFEC00  }
0xc0: {  	_ =	swait.ge [sflag:s14], $0x1400  }
0xc1: {  	[sflag:s14] =	ssyncset.done $0x0  }
0xc2: {  	[sflag:s14] =	ssyncadd.s32 $0xFFFFEC00  }
0xc3: {  	_ =	swait.ge [sflag:s15], $0x1400  }
0xc4: {  	[sflag:s15] =	ssyncset.done $0x0  }
0xc5: {  	[sflag:s15] =	ssyncadd.s32 $0xFFFFEC00  }
0xc6: {  	_ =	swait.ge [sflag:s16], $0x1400  }
0xc7: {  	[sflag:s16] =	ssyncset.done $0x0  }
0xc8: {  	[sflag:s16] =	ssyncadd.s32 $0xFFFFEC00  }
0xc9: {  	_ =	swait.ge [sflag:s17], $0x1400  }
0xca: {  	[sflag:s17] =	ssyncset.done $0x0  }
0xcb: {  	s20 =	stileid.u32;
	[sflag:s17] =	ssyncadd.s32 $0xFFFFEC00  }
0xcc: {  	s19 =	sshll.u32 s20, $0x6;
	[bflag:$0x0] =	sbarrier.arrive $0xFFFF  }
0xcd: {  	s20 =	sshrl.u32 s7, $0x3;
	s19 =	sor.u32 $0x1C0B, s19;
	s21 =	rddreg [dreg:$0x6]  }
0xce: {  	[hbm:s21], [sflag:s19] =	dma.local [spmem:s20], $0x340  }
0xcf: {  	_ =	swait.ge [sflag:s22], $0x340  }
0xd0: {  	[sflag:s22] =	ssyncset.done $0x0  }
0xd1: {  	s20 =	sshrl.u32 s8, $0x3;
	s21 =	rddreg [dreg:$0x7];
	[sflag:s22] =	ssyncadd.s32 $0xFFFFFCC0  }
0xd2: {  	[hbm:s21], [sflag:s19] =	dma.local [spmem:s20], $0x340  }
0xd3: {  	_ =	swait.ge [sflag:s22], $0x340  }
0xd4: {  	[sflag:s22] =	ssyncset.done $0x0  }
0xd5: {  	s20 =	sshrl.u32 s9, $0x3;
	s21 =	rddreg [dreg:$0x8];
	[sflag:s22] =	ssyncadd.s32 $0xFFFFFCC0  }
0xd6: {  	[hbm:s21], [sflag:s19] =	dma.local [spmem:s20], $0x340  }
0xd7: {  	_ =	swait.ge [sflag:s22], $0x340  }
0xd8: {  	[sflag:s22] =	ssyncset.done $0x0  }
0xd9: {  	s20 =	sshrl.u32 s10, $0x3;
	s21 =	rddreg [dreg:$0x9];
	[sflag:s22] =	ssyncadd.s32 $0xFFFFFCC0  }
0xda: {  	[hbm:s21], [sflag:s19] =	dma.local [spmem:s20], $0x340  }
0xdb: {  	_ =	swait.ge [sflag:s22], $0x340  }
0xdc: {  	[sflag:s22] =	ssyncset.done $0x0  }
0xdd: {  	s20 =	sshrl.u32 s11, $0x3;
	s21 =	rddreg [dreg:$0xa];
	[sflag:s22] =	ssyncadd.s32 $0xFFFFFCC0  }
0xde: {  	[hbm:s21], [sflag:s19] =	dma.local [spmem:s20], $0x340  }
0xdf: {  	_ =	swait.ge [sflag:s22], $0x340  }
0xe0: {  	[sflag:s22] =	ssyncset.done $0x0  }
0xe1: {  	s20 =	sshrl.u32 s12, $0x3;
	s21 =	rddreg [dreg:$0xb];
	[sflag:s22] =	ssyncadd.s32 $0xFFFFFCC0  }
0xe2: {  	[hbm:s21], [sflag:s19] =	dma.local [spmem:s20], $0x340  }
0xe3: {  	_ =	swait.ge [sflag:s22], $0x340  }
0xe4: {  	[sflag:s22] =	ssyncset.done $0x0  }
0xe5: {  	s20 =	sshrl.u32 @!p0 s13, $0x3;
	s21 =	rddreg [dreg:$0xc];
	[sflag:s22] =	ssyncadd.s32 $0xFFFFFCC0  }
0xe6: {  	[hbm:s21], [sflag:s19] =	dma.local @!p0 [spmem:s20], $0x80  }
0xe7: {  	s19 =	simm.s32 @!p0 $0xB  }
0xe8: {  	_ =	swait.ge @!p0 [sflag:s19], $0x80  }
0xe9: {  	s18 =	sadd.s32 $0x1, s18;
	s21 =	rddreg [dreg:$0xd]  }
0xea: {  	p1 =	sne.s32 s18, s21  }
.Ltmp2:
0xeb: {  	_ = 	snop;
	(pc) =	sbr.rel @p1 .LBB2_1-.Ltmp2, $3  }
0xec: {  	_ =	sdelay $0x1  }
0xed: {  	[sflag:s19] =	ssyncset.done @!p0 $0x0  }
0xee: {  	[sflag:s19] =	ssyncadd.s32 @!p0 $0xFFFFFF80  }
0xef: {  	_ =	sfence.sel $0x180000  }
0xf0: {  	[bflag:$0x0] =	sbarrier.arrive $0xFFFF  }
0xf1: {  	_ =	strace $0x9000004A  }
0xf2: {  	[bflag:$0x2] =	sbarrier.arrive $0xFFFF  }
0xf3: {  	s0 =	rddreg [dreg:$0x3]  }
0xf4: {  	s0 =	sadd.s32 @!p0 $0x100000, s0  }
0xf5: {  	[sflag:s0] =	ssyncadd.tile.s32 @!p0 $0x1;
	_ =	shalt  }
.Lfunc_end2:
_tile_overlayer_lowered:
.L_overlay_start_2:
0xf6: {  	(tag) =	ssettag $0x2  }
0xf7: {  	s0 =	rddreg [dreg:$0x0];
	s2 =	stileid.u32  }
0xf8: {  	s1 =	rddreg [dreg:$0x1];
	p0 =	sne.s32 s2, $0x0  }
0xf9: {  	s3 =	rddreg [dreg:$0x2];
	[bflag:$0x3] =	sbarrier.arrive $0xFFFF;
	s2 =	simm.s32 @!p0 $0x1C0B  }
0xfa: {  	[timem:s3], [sflag:s2] =	dma.local @!p0 [hbm:s0], s1  }
0xfb: {  	s0 =	simm.s32 @!p0 $0xB  }
0xfc: {  	_ =	swait.ge @!p0 [sflag:s0], s1  }
0xfd: {  	s1 =	ssub.s32 @!p0 $0x0, s1;
	[sflag:s0] =	ssyncset.done @!p0 $0x0  }
0xfe: {  	[sflag:s0] =	ssyncadd.s32 @!p0 s1  }
0xff: {  	[bflag:$0x3] =	sbarrier.arrive $0xFFFF  }
0x100: {  	_ =	shalt  }

</sc_bundles>
